<compile_context>
chip_gen: v7x
topology: tpu7x:2x2x1
jax: 0.10.2.dev20260603
libtpu: 0.0.44.dev20260713+nightly
codegen_flags: <defaults>
</compile_context>

<pallas_src>
import functools

import jax
import jax.numpy as jnp
from jax import lax
from jax.experimental import pallas as pl
from jax.experimental.pallas import tpu as pltpu
from jax.experimental.pallas import tpu_sc as plsc

L = 16
NCLASS = 18
LANES = 16
TABLE_PAD = 384
NPARAM = L + L * (L + 1)
SCRATCH0 = 352
START0 = (L + 1) * (L + 1) + NCLASS + 1


def _log_sc(s):
    bits = plsc.bitcast(s, jnp.int32)
    y = (bits.astype(jnp.float32) - 1064866805.0) * 8.262958405176314e-08
    for _ in range(3):
        y = y - 1.0 + s * jnp.exp(-y)
    return y


def _make_sc_call(BS, T, n_workers):
    seq_per_w = BS // n_workers
    KT = T // 128
    P = BS * T
    KH = KT // 2
    n_blocks = seq_per_w * KH
    LAB_N = KT * 256
    mesh = plsc.VectorSubcoreMesh(core_axis_name="c", subcore_axis_name="s")

    @functools.partial(
        pl.kernel,
        out_type=jax.ShapeDtypeStruct((n_workers * LANES,), jnp.float32),
        mesh=mesh,
        scratch_types=[
            pltpu.VMEM((LAB_N + 256,), jnp.int32),
            pltpu.VMEM((n_blocks, 128), jnp.int32),
            pltpu.VMEM((n_blocks * 128,), jnp.float32),
            pltpu.VMEM((TABLE_PAD,), jnp.float32),
            pltpu.VMEM((NPARAM,), jnp.float32),
            pltpu.VMEM((LANES,), jnp.float32),
            pltpu.SemaphoreType.DMA,
            pltpu.SemaphoreType.DMA,
        ],
        compiler_params=pltpu.CompilerParams(needs_layout_passes=False),
    )
    def sc_call(lp_hbm, lab_hbm, asc_hbm, out_hbm,
                lab_v, idx_v, val_v, tab_v, raw_v, acc_v, sem_lab, sem_em):
        nc = mesh.num_cores
        wid = lax.axis_index("s") * nc + lax.axis_index("c")
        iota = lax.iota(jnp.int32, LANES)
        g = wid // 4
        r0 = (wid * seq_per_w) % 8

        pltpu.sync_copy(asc_hbm, raw_v)
        cols = [plsc.load_gather(raw_v, [iota * (L + 1) + (L + j)])
                for j in range(L + 1)]
        m = cols[0]
        for j in range(1, L + 1):
            m = jnp.maximum(m, cols[j])
        s = jnp.exp(cols[0] - m)
        for j in range(1, L + 1):
            s = s + jnp.exp(cols[j] - m)
        lse = m + _log_sc(s)
        for j in range(L + 1):
            plsc.store_scatter(
                tab_v, [iota * (L + 1) + (2 * (L + 1) + 2 + j)], cols[j] - lse)
        v0 = raw_v[pl.ds(0, LANES)]
        tab_v[pl.ds(SCRATCH0, LANES)] = plsc.cummax(v0)
        m0 = plsc.load_gather(
            tab_v, [jnp.full((LANES,), SCRATCH0 + LANES - 1, jnp.int32)])
        e0 = jnp.exp(v0 - m0)
        tab_v[pl.ds(SCRATCH0, LANES)] = plsc.cumsum(e0)
        s0 = plsc.load_gather(
            tab_v, [jnp.full((LANES,), SCRATCH0 + LANES - 1, jnp.int32)])
        tab_v[pl.ds(START0 + 2, LANES)] = v0 - m0 - _log_sc(s0)
        lab_src_base = g * (8 * T) + r0 * 128
        for k in range(KT):
            pltpu.async_copy(
                lab_hbm.at[pl.ds(lab_src_base + k * 1024, 256)],
                lab_v.at[pl.ds(k * 256, 256)], sem_lab)
        for j in range(seq_per_w):
            lab_v[pl.ds(LAB_N + j * 128, LANES)] = jnp.full(
                (LANES,), NCLASS, jnp.int32)
        pltpu.make_async_copy(
            lab_hbm.at[pl.ds(0, LAB_N)], lab_v.at[pl.ds(0, LAB_N)],
            sem_lab).wait()

        acc = jnp.zeros((LANES,), jnp.float32)
        zero = jnp.zeros((LANES,), jnp.float32)
        for j in range(seq_per_w):
            e_base = g * (8 * T) + (r0 + j) * 128

            def body(k, carry, gather, j=j, e_base=e_base):
                a0, a1 = carry
                lbase = k * 256 + j * 128
                for i in range(8):
                    off = i * LANES
                    prev = lab_v[pl.ds(lbase + off, LANES)]
                    if i < 7:
                        nxt = lab_v[pl.ds(lbase + off + 1, LANES)]
                    else:
                        tt = k * 128 + off + 1 + iota
                        nxt = plsc.load_gather(
                            lab_v,
                            [(tt >> 7) * 256 + j * 128 + (tt & 127)])
                    tv = plsc.load_gather(tab_v, [prev * (L + 1) + nxt])
                    if gather:
                        idx_v[j * KH + k, pl.ds(off, LANES)] = (
                            prev * P + (e_base + k * 1024 + off + iota))
                    if i % 2 == 0:
                        a0 = a0 + tv
                    else:
                        a1 = a1 + tv
                if gather:
                    pltpu.async_copy(
                        lp_hbm.at[idx_v.at[j * KH + k]],
                        val_v.at[pl.ds((j * KH + k) * 128, 128)], sem_em)
                return a0, a1

            acc, acc1 = lax.fori_loop(
                0, KH, lambda k, c: body(k, c, True), (acc, zero))
            acc, acc1 = lax.fori_loop(
                KH, KT, lambda k, c: body(k, c, False), (acc, acc1))
            acc = acc + acc1

            first = lab_v[pl.ds(j * 128, LANES)]
            sv = plsc.load_gather(tab_v, [START0 + first])
            acc = acc + jnp.where(iota == 0, sv, jnp.zeros_like(sv))

        pltpu.make_async_copy(
            lp_hbm.at[pl.ds(0, n_blocks * 128)], val_v, sem_em).wait()

        def red(n, c):
            b0, b1, b2, b3 = c
            rb = n * (4 * LANES)
            return (b0 + val_v[pl.ds(rb, LANES)],
                    b1 + val_v[pl.ds(rb + LANES, LANES)],
                    b2 + val_v[pl.ds(rb + 2 * LANES, LANES)],
                    b3 + val_v[pl.ds(rb + 3 * LANES, LANES)])
        b0, b1, b2, b3 = lax.fori_loop(
            0, n_blocks * 128 // (4 * LANES), red, (acc, zero, zero, zero))
        acc = (b0 + b1) + (b2 + b3)

        acc_v[...] = acc
        pltpu.sync_copy(acc_v, out_hbm.at[pl.ds(wid * LANES, LANES)])

    return sc_call


def _tc_half_emission(lp4, lab4, BS, T, C):
    KT = T // 128
    KH = KT // 2

    KB = 8

    def tc_kernel(lp_ref, lab_ref, out_ref):
        @pl.when((pl.program_id(0) == 0) & (pl.program_id(1) == 0))
        def _():
            out_ref[...] = jnp.zeros_like(out_ref)
        lab = lab_ref[0]
        x = jnp.where(lab == 2, lp_ref[2, 0], 0.0)
        for c in range(3, C):
            x = x + jnp.where(lab == c, lp_ref[c, 0], 0.0)
        out_ref[...] += jnp.sum(x, axis=0)

    out = pl.pallas_call(
        tc_kernel,
        grid=(BS // 8, KH // KB),
        in_specs=[
            pl.BlockSpec((C, 1, KB, 8, 128),
                         lambda bg, kt: (0, bg, kt + KH // KB, 0, 0)),
            pl.BlockSpec((1, KB, 8, 128),
                         lambda bg, kt: (bg, kt + KH // KB, 0, 0)),
        ],
        out_specs=pl.BlockSpec(
            (8, 128), lambda bg, kt: (0, 0)),
        out_shape=jax.ShapeDtypeStruct((8, 128), jnp.float32),
    )(lp4, lab4)
    return jnp.sum(out)


def kernel(log_probs, input_lens, labels, A_scores):
    BS, T, C = log_probs.shape
    lp4 = (log_probs
           .transpose(2, 0, 1)
           .reshape(C, BS // 8, 8, T // 128, 128)
           .transpose(0, 1, 3, 2, 4))
    lab4 = (labels
            .reshape(BS // 8, 8, T // 128, 128)
            .transpose(0, 2, 1, 3))

    info = plsc.get_sparse_core_info()
    n_workers = info.num_cores * info.num_subcores
    sc_call = _make_sc_call(BS, T, n_workers)
    partials = sc_call(lp4.reshape(-1), lab4.reshape(-1), A_scores)
    em_hi = _tc_half_emission(lp4, lab4, BS, T, C)
    return (jnp.sum(partials) + em_hi) / (BS * T)

# --- scband reference (transcript-rebuilt; emitter-appended) ---
"""Pipeline reference for scband-crfloss-46256797778252 (READ-ONLY COPY).

The authoritative reference and input builder live on the scoring server;
editing this copy changes nothing except your own understanding.
"""

import jax, jax.numpy as jnp
import numpy as np

L = 16            # number of labels in label_set
BS, T, NCLASS = 64, 8192, 18   # label ids live in [2, 2+L); column 1 is 'I-' (unused), column 0 unused


def setup_inputs(seed: int = 0) -> dict:
    key = jax.random.key(seed)
    k1, k2, k3 = jax.random.split(key, 3)
    # emission log-probabilities (log-softmax over the class axis, as the torch module expects log_probs)
    log_probs = jax.nn.log_softmax(
        jax.random.normal(k1, (BS, T, NCLASS), dtype=jnp.float32), axis=-1)
    # all sequences fully valid (no ignore_index tokens), so every segment has length T
    input_lens = jnp.full((BS,), T, dtype=jnp.int32)
    # labels are symbol ids drawn from the label_set ids {2, ..., 17}
    labels = jax.random.randint(k2, (BS, T), 2, 2 + L, dtype=jnp.int32)
    # learned transition scores of the bigram LM A created by create_bigram_lm:
    #   arcs 0..L-1           : start-state -> label-state i (i = 1..L)
    #   arcs L + (i-1)*(L+1)+j: label-state i -> label-state j+1 (j = 0..L-1)
    #   arcs L + (i-1)*(L+1)+L: label-state i -> final state
    A_scores = jax.random.normal(k3, (L + L * (L + 1),), dtype=jnp.float32)
    return {"log_probs": log_probs, "input_lens": input_lens,
            "labels": labels, "A_scores": A_scores}


def reference(log_probs, input_lens, labels, A_scores):
    # Faithful translation of CRFLoss.forward. The denominator FSA is built in
    # __init__ but never used in forward; the loss is the numerator path score only.
    # set_scores_stochastic_: per-state log-softmax normalization of A_scores.
    log_pi = jax.nn.log_softmax(A_scores[:L])                       # start-state arcs -> initial dist
    log_trans = jax.nn.log_softmax(A_scores[L:].reshape(L, L + 1), axis=-1)
    # state index of label id y is (y - 1); label_set index is (y - 2)
    yidx = labels - 2                                               # [BS, T] in [0, L)
    # intersect_dense of the linear numerator FSA with the dense posteriors yields
    # a single path whose tot_score (log semiring) is the sum of arc scores:
    #   emission: log_probs[b, t, labels[b, t]]
    em = jnp.take_along_axis(log_probs, labels[..., None].astype(jnp.int32), axis=2)[..., 0]  # [BS, T]
    start = log_pi[yidx[:, 0]]                                      # initial arc score
    trans = jnp.sum(log_trans[yidx[:, :-1], yidx[:, 1:]], axis=1)   # bigram transitions
    final = log_trans[yidx[:, -1], L]                               # arc to final state (dense final col is 0)
    num_scores = start + jnp.sum(em, axis=1) + trans + final        # [BS]
    num_tokens = labels.size                                        # (labels != ignore_index).sum()
    loss = jnp.sum(num_scores) / num_tokens
    return loss


if False:  # reference __main__ guard neutralized (emitter)
    inp = setup_inputs()
    out = reference(**inp)
    print(out)

if __name__ == "__main__":
    import jax
    _d = setup_inputs()
    print(jax.jit(kernel)(*tuple(_d.values())))

</pallas_src>

<mosaic_0001>
#map = affine_map<(d0, d1) -> (0)>
module attributes {stable_mosaic.version = 14 : i64} {
  func.func @sc_call(%arg0: i32, %arg1: i32, %arg2: memref<9437184xf32, #tpu.memory_space<hbm>>, %arg3: memref<524288xi32, #tpu.memory_space<hbm>>, %arg4: memref<288xf32, #tpu.memory_space<hbm>>, %arg5: memref<512xf32, #tpu.memory_space<hbm>>, %arg6: memref<16640xi32, #tpu.memory_space<vmem>>, %arg7: memref<64x128xi32, #tpu.memory_space<vmem>>, %arg8: memref<8192xf32, #tpu.memory_space<vmem>>, %arg9: memref<384xf32, #tpu.memory_space<vmem>>, %arg10: memref<288xf32, #tpu.memory_space<vmem>>, %arg11: memref<16xf32, #tpu.memory_space<vmem>>, %arg12: memref<!tpu.dma_semaphore, #tpu.memory_space<semaphore_mem>>, %arg13: memref<!tpu.dma_semaphore, #tpu.memory_space<semaphore_mem>>) attributes {dimension_semantics = [#tpu.dimension_semantics<core_parallel>, #tpu.dimension_semantics<subcore_parallel>], iteration_bounds = array<i64: 2, 16>, scalar_prefetch = 0 : i64, scratch_operands = 8 : i64, tpu.core_type = #tpu.core_type<sc_vector_subcore>, window_params = [{transform_indices = #map}, {transform_indices = #map}, {transform_indices = #map}, {transform_indices = #map}]} {
    %mul3A = arith.constant 2 : i32
    %mul3A_0 = arith.muli %arg1, %mul3A : i32
    %add3A = arith.addi %mul3A_0, %arg0 : i32
    %iota3A = tpu.iota {dimensions = array<i32: 0>} : vector<16xi32>
    %jit3A = arith.constant 4 : i32
    %div3A = arith.divsi %add3A, %jit3A : i32
    %sign3A = arith.constant 0 : i32
    %sign3A_1 = arith.cmpi sgt, %add3A, %sign3A : i32
    %sign3A_2 = arith.extui %sign3A_1 : i1 to i32
    %sign3A_3 = arith.constant 0 : i32
    %sign3A_4 = arith.cmpi slt, %add3A, %sign3A_3 : i32
    %sign3A_5 = arith.extui %sign3A_4 : i1 to i32
    %sign3A_6 = arith.subi %sign3A_2, %sign3A_5 : i32
    %sign3A_7 = arith.constant 0 : i32
    %sign3A_8 = arith.cmpi sgt, %jit3A, %sign3A_7 : i32
    %sign3A_9 = arith.extui %sign3A_8 : i1 to i32
    %sign3A_10 = arith.constant 0 : i32
    %sign3A_11 = arith.cmpi slt, %jit3A, %sign3A_10 : i32
    %sign3A_12 = arith.extui %sign3A_11 : i1 to i32
    %sign3A_13 = arith.subi %sign3A_9, %sign3A_12 : i32
    %ne3A = arith.cmpi ne, %sign3A_6, %sign3A_13 : i32
    %rem3A = arith.remsi %add3A, %jit3A : i32
    %ne3A_14 = arith.constant 0 : i32
    %ne3A_15 = arith.cmpi ne, %rem3A, %ne3A_14 : i32
    %and3A = arith.andi %ne3A, %ne3A_15 : i1
    %sub3A = arith.constant 1 : i32
    %sub3A_16 = arith.subi %div3A, %sub3A : i32
    %select_n3A = arith.select %and3A, %sub3A_16, %div3A : i32
    %mul3A_17 = arith.constant 2 : i32
    %mul3A_18 = arith.muli %add3A, %mul3A_17 : i32
    %jit3A_19 = arith.constant 8 : i32
    %eq3A = arith.constant 0 : i32
    %eq3A_20 = arith.cmpi eq, %jit3A_19, %eq3A : i32
    %jit3A_21 = arith.constant 1 : i32
    %select_n3A_22 = arith.select %eq3A_20, %jit3A_21, %jit3A_19 : i32
    %rem3A_23 = arith.remsi %mul3A_18, %select_n3A_22 : i32
    %ne3A_24 = arith.constant 0 : i32
    %ne3A_25 = arith.cmpi ne, %rem3A_23, %ne3A_24 : i32
    %lt3A = arith.constant 0 : i32
    %lt3A_26 = arith.cmpi slt, %rem3A_23, %lt3A : i32
    %lt3A_27 = arith.constant 0 : i32
    %lt3A_28 = arith.cmpi slt, %select_n3A_22, %lt3A_27 : i32
    %ne3A_29 = arith.xori %lt3A_26, %lt3A_28 : i1
    %and3A_30 = arith.andi %ne3A_29, %ne3A_25 : i1
    %add3A_31 = arith.addi %rem3A_23, %select_n3A_22 : i32
    %select_n3A_32 = arith.select %and3A_30, %add3A_31, %rem3A_23 : i32
    "tpu.region"() ({
      %run_scoped3A = tpu.sem_alloc : memref<!tpu.dma_semaphore, #tpu.memory_space<semaphore_mem>>
      tpu.enqueue_dma source(%arg4 : memref<288xf32, #tpu.memory_space<hbm>>) target(%arg10 : memref<288xf32, #tpu.memory_space<vmem>>) target_semaphore(%run_scoped3A : memref<!tpu.dma_semaphore, #tpu.memory_space<semaphore_mem>>)
      tpu.wait_dma2 semaphore(%run_scoped3A : memref<!tpu.dma_semaphore, #tpu.memory_space<semaphore_mem>>) src(%arg4 : memref<288xf32, #tpu.memory_space<hbm>>) dst(%arg10 : memref<288xf32, #tpu.memory_space<vmem>>)
      tpu.yield
    }) : () -> ()
    %mul3A_33 = arith.constant 17 : i32
    %mul3A_34 = vector.broadcast %mul3A_33 : i32 to vector<16xi32>
    %mul3A_35 = arith.muli %iota3A, %mul3A_34 : vector<16xi32>
    %add3A_36 = arith.constant 16 : i32
    %add3A_37 = vector.broadcast %add3A_36 : i32 to vector<16xi32>
    %add3A_38 = arith.addi %mul3A_35, %add3A_37 : vector<16xi32>
    %gather3A = tpu.vector_load_idx %arg10[%add3A_38] : memref<288xf32, #tpu.memory_space<vmem>>[vector<16xi32>], vector<16xf32>,
    %mul3A_39 = arith.constant 17 : i32
    %mul3A_40 = vector.broadcast %mul3A_39 : i32 to vector<16xi32>
    %mul3A_41 = arith.muli %iota3A, %mul3A_40 : vector<16xi32>
    %add3A_42 = arith.constant 17 : i32
    %add3A_43 = vector.broadcast %add3A_42 : i32 to vector<16xi32>
    %add3A_44 = arith.addi %mul3A_41, %add3A_43 : vector<16xi32>
    %gather3A_45 = tpu.vector_load_idx %arg10[%add3A_44] : memref<288xf32, #tpu.memory_space<vmem>>[vector<16xi32>], vector<16xf32>,
    %mul3A_46 = arith.constant 17 : i32
    %mul3A_47 = vector.broadcast %mul3A_46 : i32 to vector<16xi32>
    %mul3A_48 = arith.muli %iota3A, %mul3A_47 : vector<16xi32>
    %add3A_49 = arith.constant 18 : i32
    %add3A_50 = vector.broadcast %add3A_49 : i32 to vector<16xi32>
    %add3A_51 = arith.addi %mul3A_48, %add3A_50 : vector<16xi32>
    %gather3A_52 = tpu.vector_load_idx %arg10[%add3A_51] : memref<288xf32, #tpu.memory_space<vmem>>[vector<16xi32>], vector<16xf32>,
    %mul3A_53 = arith.constant 17 : i32
    %mul3A_54 = vector.broadcast %mul3A_53 : i32 to vector<16xi32>
    %mul3A_55 = arith.muli %iota3A, %mul3A_54 : vector<16xi32>
    %add3A_56 = arith.constant 19 : i32
    %add3A_57 = vector.broadcast %add3A_56 : i32 to vector<16xi32>
    %add3A_58 = arith.addi %mul3A_55, %add3A_57 : vector<16xi32>
    %gather3A_59 = tpu.vector_load_idx %arg10[%add3A_58] : memref<288xf32, #tpu.memory_space<vmem>>[vector<16xi32>], vector<16xf32>,
    %mul3A_60 = arith.constant 17 : i32
    %mul3A_61 = vector.broadcast %mul3A_60 : i32 to vector<16xi32>
    %mul3A_62 = arith.muli %iota3A, %mul3A_61 : vector<16xi32>
    %add3A_63 = arith.constant 20 : i32
    %add3A_64 = vector.broadcast %add3A_63 : i32 to vector<16xi32>
    %add3A_65 = arith.addi %mul3A_62, %add3A_64 : vector<16xi32>
    %gather3A_66 = tpu.vector_load_idx %arg10[%add3A_65] : memref<288xf32, #tpu.memory_space<vmem>>[vector<16xi32>], vector<16xf32>,
    %mul3A_67 = arith.constant 17 : i32
    %mul3A_68 = vector.broadcast %mul3A_67 : i32 to vector<16xi32>
    %mul3A_69 = arith.muli %iota3A, %mul3A_68 : vector<16xi32>
    %add3A_70 = arith.constant 21 : i32
    %add3A_71 = vector.broadcast %add3A_70 : i32 to vector<16xi32>
    %add3A_72 = arith.addi %mul3A_69, %add3A_71 : vector<16xi32>
    %gather3A_73 = tpu.vector_load_idx %arg10[%add3A_72] : memref<288xf32, #tpu.memory_space<vmem>>[vector<16xi32>], vector<16xf32>,
    %mul3A_74 = arith.constant 17 : i32
    %mul3A_75 = vector.broadcast %mul3A_74 : i32 to vector<16xi32>
    %mul3A_76 = arith.muli %iota3A, %mul3A_75 : vector<16xi32>
    %add3A_77 = arith.constant 22 : i32
    %add3A_78 = vector.broadcast %add3A_77 : i32 to vector<16xi32>
    %add3A_79 = arith.addi %mul3A_76, %add3A_78 : vector<16xi32>
    %gather3A_80 = tpu.vector_load_idx %arg10[%add3A_79] : memref<288xf32, #tpu.memory_space<vmem>>[vector<16xi32>], vector<16xf32>,
    %mul3A_81 = arith.constant 17 : i32
    %mul3A_82 = vector.broadcast %mul3A_81 : i32 to vector<16xi32>
    %mul3A_83 = arith.muli %iota3A, %mul3A_82 : vector<16xi32>
    %add3A_84 = arith.constant 23 : i32
    %add3A_85 = vector.broadcast %add3A_84 : i32 to vector<16xi32>
    %add3A_86 = arith.addi %mul3A_83, %add3A_85 : vector<16xi32>
    %gather3A_87 = tpu.vector_load_idx %arg10[%add3A_86] : memref<288xf32, #tpu.memory_space<vmem>>[vector<16xi32>], vector<16xf32>,
    %mul3A_88 = arith.constant 17 : i32
    %mul3A_89 = vector.broadcast %mul3A_88 : i32 to vector<16xi32>
    %mul3A_90 = arith.muli %iota3A, %mul3A_89 : vector<16xi32>
    %add3A_91 = arith.constant 24 : i32
    %add3A_92 = vector.broadcast %add3A_91 : i32 to vector<16xi32>
    %add3A_93 = arith.addi %mul3A_90, %add3A_92 : vector<16xi32>
    %gather3A_94 = tpu.vector_load_idx %arg10[%add3A_93] : memref<288xf32, #tpu.memory_space<vmem>>[vector<16xi32>], vector<16xf32>,
    %mul3A_95 = arith.constant 17 : i32
    %mul3A_96 = vector.broadcast %mul3A_95 : i32 to vector<16xi32>
    %mul3A_97 = arith.muli %iota3A, %mul3A_96 : vector<16xi32>
    %add3A_98 = arith.constant 25 : i32
    %add3A_99 = vector.broadcast %add3A_98 : i32 to vector<16xi32>
    %add3A_100 = arith.addi %mul3A_97, %add3A_99 : vector<16xi32>
    %gather3A_101 = tpu.vector_load_idx %arg10[%add3A_100] : memref<288xf32, #tpu.memory_space<vmem>>[vector<16xi32>], vector<16xf32>,
    %mul3A_102 = arith.constant 17 : i32
    %mul3A_103 = vector.broadcast %mul3A_102 : i32 to vector<16xi32>
    %mul3A_104 = arith.muli %iota3A, %mul3A_103 : vector<16xi32>
    %add3A_105 = arith.constant 26 : i32
    %add3A_106 = vector.broadcast %add3A_105 : i32 to vector<16xi32>
    %add3A_107 = arith.addi %mul3A_104, %add3A_106 : vector<16xi32>
    %gather3A_108 = tpu.vector_load_idx %arg10[%add3A_107] : memref<288xf32, #tpu.memory_space<vmem>>[vector<16xi32>], vector<16xf32>,
    %mul3A_109 = arith.constant 17 : i32
    %mul3A_110 = vector.broadcast %mul3A_109 : i32 to vector<16xi32>
    %mul3A_111 = arith.muli %iota3A, %mul3A_110 : vector<16xi32>
    %add3A_112 = arith.constant 27 : i32
    %add3A_113 = vector.broadcast %add3A_112 : i32 to vector<16xi32>
    %add3A_114 = arith.addi %mul3A_111, %add3A_113 : vector<16xi32>
    %gather3A_115 = tpu.vector_load_idx %arg10[%add3A_114] : memref<288xf32, #tpu.memory_space<vmem>>[vector<16xi32>], vector<16xf32>,
    %mul3A_116 = arith.constant 17 : i32
    %mul3A_117 = vector.broadcast %mul3A_116 : i32 to vector<16xi32>
    %mul3A_118 = arith.muli %iota3A, %mul3A_117 : vector<16xi32>
    %add3A_119 = arith.constant 28 : i32
    %add3A_120 = vector.broadcast %add3A_119 : i32 to vector<16xi32>
    %add3A_121 = arith.addi %mul3A_118, %add3A_120 : vector<16xi32>
    %gather3A_122 = tpu.vector_load_idx %arg10[%add3A_121] : memref<288xf32, #tpu.memory_space<vmem>>[vector<16xi32>], vector<16xf32>,
    %mul3A_123 = arith.constant 17 : i32
    %mul3A_124 = vector.broadcast %mul3A_123 : i32 to vector<16xi32>
    %mul3A_125 = arith.muli %iota3A, %mul3A_124 : vector<16xi32>
    %add3A_126 = arith.constant 29 : i32
    %add3A_127 = vector.broadcast %add3A_126 : i32 to vector<16xi32>
    %add3A_128 = arith.addi %mul3A_125, %add3A_127 : vector<16xi32>
    %gather3A_129 = tpu.vector_load_idx %arg10[%add3A_128] : memref<288xf32, #tpu.memory_space<vmem>>[vector<16xi32>], vector<16xf32>,
    %mul3A_130 = arith.constant 17 : i32
    %mul3A_131 = vector.broadcast %mul3A_130 : i32 to vector<16xi32>
    %mul3A_132 = arith.muli %iota3A, %mul3A_131 : vector<16xi32>
    %add3A_133 = arith.constant 30 : i32
    %add3A_134 = vector.broadcast %add3A_133 : i32 to vector<16xi32>
    %add3A_135 = arith.addi %mul3A_132, %add3A_134 : vector<16xi32>
    %gather3A_136 = tpu.vector_load_idx %arg10[%add3A_135] : memref<288xf32, #tpu.memory_space<vmem>>[vector<16xi32>], vector<16xf32>,
    %mul3A_137 = arith.constant 17 : i32
    %mul3A_138 = vector.broadcast %mul3A_137 : i32 to vector<16xi32>
    %mul3A_139 = arith.muli %iota3A, %mul3A_138 : vector<16xi32>
    %add3A_140 = arith.constant 31 : i32
    %add3A_141 = vector.broadcast %add3A_140 : i32 to vector<16xi32>
    %add3A_142 = arith.addi %mul3A_139, %add3A_141 : vector<16xi32>
    %gather3A_143 = tpu.vector_load_idx %arg10[%add3A_142] : memref<288xf32, #tpu.memory_space<vmem>>[vector<16xi32>], vector<16xf32>,
    %mul3A_144 = arith.constant 17 : i32
    %mul3A_145 = vector.broadcast %mul3A_144 : i32 to vector<16xi32>
    %mul3A_146 = arith.muli %iota3A, %mul3A_145 : vector<16xi32>
    %add3A_147 = arith.constant 32 : i32
    %add3A_148 = vector.broadcast %add3A_147 : i32 to vector<16xi32>
    %add3A_149 = arith.addi %mul3A_146, %add3A_148 : vector<16xi32>
    %gather3A_150 = tpu.vector_load_idx %arg10[%add3A_149] : memref<288xf32, #tpu.memory_space<vmem>>[vector<16xi32>], vector<16xf32>,
    %max3A = arith.maximumf %gather3A, %gather3A_45 : vector<16xf32>
    %max3A_151 = arith.maximumf %max3A, %gather3A_52 : vector<16xf32>
    %max3A_152 = arith.maximumf %max3A_151, %gather3A_59 : vector<16xf32>
    %max3A_153 = arith.maximumf %max3A_152, %gather3A_66 : vector<16xf32>
    %max3A_154 = arith.maximumf %max3A_153, %gather3A_73 : vector<16xf32>
    %max3A_155 = arith.maximumf %max3A_154, %gather3A_80 : vector<16xf32>
    %max3A_156 = arith.maximumf %max3A_155, %gather3A_87 : vector<16xf32>
    %max3A_157 = arith.maximumf %max3A_156, %gather3A_94 : vector<16xf32>
    %max3A_158 = arith.maximumf %max3A_157, %gather3A_101 : vector<16xf32>
    %max3A_159 = arith.maximumf %max3A_158, %gather3A_108 : vector<16xf32>
    %max3A_160 = arith.maximumf %max3A_159, %gather3A_115 : vector<16xf32>
    %max3A_161 = arith.maximumf %max3A_160, %gather3A_122 : vector<16xf32>
    %max3A_162 = arith.maximumf %max3A_161, %gather3A_129 : vector<16xf32>
    %max3A_163 = arith.maximumf %max3A_162, %gather3A_136 : vector<16xf32>
    %max3A_164 = arith.maximumf %max3A_163, %gather3A_143 : vector<16xf32>
    %max3A_165 = arith.maximumf %max3A_164, %gather3A_150 : vector<16xf32>
    %sub3A_166 = arith.subf %gather3A, %max3A_165 : vector<16xf32>
    %exp3A = math.exp %sub3A_166 : vector<16xf32>
    %sub3A_167 = arith.subf %gather3A_45, %max3A_165 : vector<16xf32>
    %exp3A_168 = math.exp %sub3A_167 : vector<16xf32>
    %add3A_169 = arith.addf %exp3A, %exp3A_168 : vector<16xf32>
    %sub3A_170 = arith.subf %gather3A_52, %max3A_165 : vector<16xf32>
    %exp3A_171 = math.exp %sub3A_170 : vector<16xf32>
    %add3A_172 = arith.addf %add3A_169, %exp3A_171 : vector<16xf32>
    %sub3A_173 = arith.subf %gather3A_59, %max3A_165 : vector<16xf32>
    %exp3A_174 = math.exp %sub3A_173 : vector<16xf32>
    %add3A_175 = arith.addf %add3A_172, %exp3A_174 : vector<16xf32>
    %sub3A_176 = arith.subf %gather3A_66, %max3A_165 : vector<16xf32>
    %exp3A_177 = math.exp %sub3A_176 : vector<16xf32>
    %add3A_178 = arith.addf %add3A_175, %exp3A_177 : vector<16xf32>
    %sub3A_179 = arith.subf %gather3A_73, %max3A_165 : vector<16xf32>
    %exp3A_180 = math.exp %sub3A_179 : vector<16xf32>
    %add3A_181 = arith.addf %add3A_178, %exp3A_180 : vector<16xf32>
    %sub3A_182 = arith.subf %gather3A_80, %max3A_165 : vector<16xf32>
    %exp3A_183 = math.exp %sub3A_182 : vector<16xf32>
    %add3A_184 = arith.addf %add3A_181, %exp3A_183 : vector<16xf32>
    %sub3A_185 = arith.subf %gather3A_87, %max3A_165 : vector<16xf32>
    %exp3A_186 = math.exp %sub3A_185 : vector<16xf32>
    %add3A_187 = arith.addf %add3A_184, %exp3A_186 : vector<16xf32>
    %sub3A_188 = arith.subf %gather3A_94, %max3A_165 : vector<16xf32>
    %exp3A_189 = math.exp %sub3A_188 : vector<16xf32>
    %add3A_190 = arith.addf %add3A_187, %exp3A_189 : vector<16xf32>
    %sub3A_191 = arith.subf %gather3A_101, %max3A_165 : vector<16xf32>
    %exp3A_192 = math.exp %sub3A_191 : vector<16xf32>
    %add3A_193 = arith.addf %add3A_190, %exp3A_192 : vector<16xf32>
    %sub3A_194 = arith.subf %gather3A_108, %max3A_165 : vector<16xf32>
    %exp3A_195 = math.exp %sub3A_194 : vector<16xf32>
    %add3A_196 = arith.addf %add3A_193, %exp3A_195 : vector<16xf32>
    %sub3A_197 = arith.subf %gather3A_115, %max3A_165 : vector<16xf32>
    %exp3A_198 = math.exp %sub3A_197 : vector<16xf32>
    %add3A_199 = arith.addf %add3A_196, %exp3A_198 : vector<16xf32>
    %sub3A_200 = arith.subf %gather3A_122, %max3A_165 : vector<16xf32>
    %exp3A_201 = math.exp %sub3A_200 : vector<16xf32>
    %add3A_202 = arith.addf %add3A_199, %exp3A_201 : vector<16xf32>
    %sub3A_203 = arith.subf %gather3A_129, %max3A_165 : vector<16xf32>
    %exp3A_204 = math.exp %sub3A_203 : vector<16xf32>
    %add3A_205 = arith.addf %add3A_202, %exp3A_204 : vector<16xf32>
    %sub3A_206 = arith.subf %gather3A_136, %max3A_165 : vector<16xf32>
    %exp3A_207 = math.exp %sub3A_206 : vector<16xf32>
    %add3A_208 = arith.addf %add3A_205, %exp3A_207 : vector<16xf32>
    %sub3A_209 = arith.subf %gather3A_143, %max3A_165 : vector<16xf32>
    %exp3A_210 = math.exp %sub3A_209 : vector<16xf32>
    %add3A_211 = arith.addf %add3A_208, %exp3A_210 : vector<16xf32>
    %sub3A_212 = arith.subf %gather3A_150, %max3A_165 : vector<16xf32>
    %exp3A_213 = math.exp %sub3A_212 : vector<16xf32>
    %add3A_214 = arith.addf %add3A_211, %exp3A_213 : vector<16xf32>
    %bitcast3A = vector.bitcast %add3A_214 : vector<16xf32> to vector<16xi32>
    %convert_element_type3A = arith.sitofp %bitcast3A : vector<16xi32> to vector<16xf32>
    %sub3A_215 = arith.constant 1.06486682E+9 : f32
    %sub3A_216 = vector.broadcast %sub3A_215 : f32 to vector<16xf32>
    %sub3A_217 = arith.subf %convert_element_type3A, %sub3A_216 : vector<16xf32>
    %mul3A_218 = arith.constant 8.26295832E-8 : f32
    %mul3A_219 = vector.broadcast %mul3A_218 : f32 to vector<16xf32>
    %mul3A_220 = arith.mulf %sub3A_217, %mul3A_219 : vector<16xf32>
    %sub3A_221 = arith.constant 1.000000e+00 : f32
    %sub3A_222 = vector.broadcast %sub3A_221 : f32 to vector<16xf32>
    %sub3A_223 = arith.subf %mul3A_220, %sub3A_222 : vector<16xf32>
    %neg3A = arith.constant 0.000000e+00 : f32
    %neg3A_224 = vector.broadcast %neg3A : f32 to vector<16xf32>
    %neg3A_225 = arith.subf %neg3A_224, %mul3A_220 : vector<16xf32>
    %exp3A_226 = math.exp %neg3A_225 : vector<16xf32>
    %mul3A_227 = arith.mulf %add3A_214, %exp3A_226 : vector<16xf32>
    %add3A_228 = arith.addf %sub3A_223, %mul3A_227 : vector<16xf32>
    %sub3A_229 = arith.constant 1.000000e+00 : f32
    %sub3A_230 = vector.broadcast %sub3A_229 : f32 to vector<16xf32>
    %sub3A_231 = arith.subf %add3A_228, %sub3A_230 : vector<16xf32>
    %neg3A_232 = arith.constant 0.000000e+00 : f32
    %neg3A_233 = vector.broadcast %neg3A_232 : f32 to vector<16xf32>
    %neg3A_234 = arith.subf %neg3A_233, %add3A_228 : vector<16xf32>
    %exp3A_235 = math.exp %neg3A_234 : vector<16xf32>
    %mul3A_236 = arith.mulf %add3A_214, %exp3A_235 : vector<16xf32>
    %add3A_237 = arith.addf %sub3A_231, %mul3A_236 : vector<16xf32>
    %sub3A_238 = arith.constant 1.000000e+00 : f32
    %sub3A_239 = vector.broadcast %sub3A_238 : f32 to vector<16xf32>
    %sub3A_240 = arith.subf %add3A_237, %sub3A_239 : vector<16xf32>
    %neg3A_241 = arith.constant 0.000000e+00 : f32
    %neg3A_242 = vector.broadcast %neg3A_241 : f32 to vector<16xf32>
    %neg3A_243 = arith.subf %neg3A_242, %add3A_237 : vector<16xf32>
    %exp3A_244 = math.exp %neg3A_243 : vector<16xf32>
    %mul3A_245 = arith.mulf %add3A_214, %exp3A_244 : vector<16xf32>
    %add3A_246 = arith.addf %sub3A_240, %mul3A_245 : vector<16xf32>
    %add3A_247 = arith.addf %max3A_165, %add3A_246 : vector<16xf32>
    %mul3A_248 = arith.constant 17 : i32
    %mul3A_249 = vector.broadcast %mul3A_248 : i32 to vector<16xi32>
    %mul3A_250 = arith.muli %iota3A, %mul3A_249 : vector<16xi32>
    %add3A_251 = arith.constant 36 : i32
    %add3A_252 = vector.broadcast %add3A_251 : i32 to vector<16xi32>
    %add3A_253 = arith.addi %mul3A_250, %add3A_252 : vector<16xi32>
    %sub3A_254 = arith.subf %gather3A, %add3A_247 : vector<16xf32>
    tpu.vector_store_idx %arg9[%add3A_253], %sub3A_254 : memref<384xf32, #tpu.memory_space<vmem>>[vector<16xi32>], vector<16xf32>,
    %mul3A_255 = arith.constant 17 : i32
    %mul3A_256 = vector.broadcast %mul3A_255 : i32 to vector<16xi32>
    %mul3A_257 = arith.muli %iota3A, %mul3A_256 : vector<16xi32>
    %add3A_258 = arith.constant 37 : i32
    %add3A_259 = vector.broadcast %add3A_258 : i32 to vector<16xi32>
    %add3A_260 = arith.addi %mul3A_257, %add3A_259 : vector<16xi32>
    %sub3A_261 = arith.subf %gather3A_45, %add3A_247 : vector<16xf32>
    tpu.vector_store_idx %arg9[%add3A_260], %sub3A_261 : memref<384xf32, #tpu.memory_space<vmem>>[vector<16xi32>], vector<16xf32>,
    %mul3A_262 = arith.constant 17 : i32
    %mul3A_263 = vector.broadcast %mul3A_262 : i32 to vector<16xi32>
    %mul3A_264 = arith.muli %iota3A, %mul3A_263 : vector<16xi32>
    %add3A_265 = arith.constant 38 : i32
    %add3A_266 = vector.broadcast %add3A_265 : i32 to vector<16xi32>
    %add3A_267 = arith.addi %mul3A_264, %add3A_266 : vector<16xi32>
    %sub3A_268 = arith.subf %gather3A_52, %add3A_247 : vector<16xf32>
    tpu.vector_store_idx %arg9[%add3A_267], %sub3A_268 : memref<384xf32, #tpu.memory_space<vmem>>[vector<16xi32>], vector<16xf32>,
    %mul3A_269 = arith.constant 17 : i32
    %mul3A_270 = vector.broadcast %mul3A_269 : i32 to vector<16xi32>
    %mul3A_271 = arith.muli %iota3A, %mul3A_270 : vector<16xi32>
    %add3A_272 = arith.constant 39 : i32
    %add3A_273 = vector.broadcast %add3A_272 : i32 to vector<16xi32>
    %add3A_274 = arith.addi %mul3A_271, %add3A_273 : vector<16xi32>
    %sub3A_275 = arith.subf %gather3A_59, %add3A_247 : vector<16xf32>
    tpu.vector_store_idx %arg9[%add3A_274], %sub3A_275 : memref<384xf32, #tpu.memory_space<vmem>>[vector<16xi32>], vector<16xf32>,
    %mul3A_276 = arith.constant 17 : i32
    %mul3A_277 = vector.broadcast %mul3A_276 : i32 to vector<16xi32>
    %mul3A_278 = arith.muli %iota3A, %mul3A_277 : vector<16xi32>
    %add3A_279 = arith.constant 40 : i32
    %add3A_280 = vector.broadcast %add3A_279 : i32 to vector<16xi32>
    %add3A_281 = arith.addi %mul3A_278, %add3A_280 : vector<16xi32>
    %sub3A_282 = arith.subf %gather3A_66, %add3A_247 : vector<16xf32>
    tpu.vector_store_idx %arg9[%add3A_281], %sub3A_282 : memref<384xf32, #tpu.memory_space<vmem>>[vector<16xi32>], vector<16xf32>,
    %mul3A_283 = arith.constant 17 : i32
    %mul3A_284 = vector.broadcast %mul3A_283 : i32 to vector<16xi32>
    %mul3A_285 = arith.muli %iota3A, %mul3A_284 : vector<16xi32>
    %add3A_286 = arith.constant 41 : i32
    %add3A_287 = vector.broadcast %add3A_286 : i32 to vector<16xi32>
    %add3A_288 = arith.addi %mul3A_285, %add3A_287 : vector<16xi32>
    %sub3A_289 = arith.subf %gather3A_73, %add3A_247 : vector<16xf32>
    tpu.vector_store_idx %arg9[%add3A_288], %sub3A_289 : memref<384xf32, #tpu.memory_space<vmem>>[vector<16xi32>], vector<16xf32>,
    %mul3A_290 = arith.constant 17 : i32
    %mul3A_291 = vector.broadcast %mul3A_290 : i32 to vector<16xi32>
    %mul3A_292 = arith.muli %iota3A, %mul3A_291 : vector<16xi32>
    %add3A_293 = arith.constant 42 : i32
    %add3A_294 = vector.broadcast %add3A_293 : i32 to vector<16xi32>
    %add3A_295 = arith.addi %mul3A_292, %add3A_294 : vector<16xi32>
    %sub3A_296 = arith.subf %gather3A_80, %add3A_247 : vector<16xf32>
    tpu.vector_store_idx %arg9[%add3A_295], %sub3A_296 : memref<384xf32, #tpu.memory_space<vmem>>[vector<16xi32>], vector<16xf32>,
    %mul3A_297 = arith.constant 17 : i32
    %mul3A_298 = vector.broadcast %mul3A_297 : i32 to vector<16xi32>
    %mul3A_299 = arith.muli %iota3A, %mul3A_298 : vector<16xi32>
    %add3A_300 = arith.constant 43 : i32
    %add3A_301 = vector.broadcast %add3A_300 : i32 to vector<16xi32>
    %add3A_302 = arith.addi %mul3A_299, %add3A_301 : vector<16xi32>
    %sub3A_303 = arith.subf %gather3A_87, %add3A_247 : vector<16xf32>
    tpu.vector_store_idx %arg9[%add3A_302], %sub3A_303 : memref<384xf32, #tpu.memory_space<vmem>>[vector<16xi32>], vector<16xf32>,
    %mul3A_304 = arith.constant 17 : i32
    %mul3A_305 = vector.broadcast %mul3A_304 : i32 to vector<16xi32>
    %mul3A_306 = arith.muli %iota3A, %mul3A_305 : vector<16xi32>
    %add3A_307 = arith.constant 44 : i32
    %add3A_308 = vector.broadcast %add3A_307 : i32 to vector<16xi32>
    %add3A_309 = arith.addi %mul3A_306, %add3A_308 : vector<16xi32>
    %sub3A_310 = arith.subf %gather3A_94, %add3A_247 : vector<16xf32>
    tpu.vector_store_idx %arg9[%add3A_309], %sub3A_310 : memref<384xf32, #tpu.memory_space<vmem>>[vector<16xi32>], vector<16xf32>,
    %mul3A_311 = arith.constant 17 : i32
    %mul3A_312 = vector.broadcast %mul3A_311 : i32 to vector<16xi32>
    %mul3A_313 = arith.muli %iota3A, %mul3A_312 : vector<16xi32>
    %add3A_314 = arith.constant 45 : i32
    %add3A_315 = vector.broadcast %add3A_314 : i32 to vector<16xi32>
    %add3A_316 = arith.addi %mul3A_313, %add3A_315 : vector<16xi32>
    %sub3A_317 = arith.subf %gather3A_101, %add3A_247 : vector<16xf32>
    tpu.vector_store_idx %arg9[%add3A_316], %sub3A_317 : memref<384xf32, #tpu.memory_space<vmem>>[vector<16xi32>], vector<16xf32>,
    %mul3A_318 = arith.constant 17 : i32
    %mul3A_319 = vector.broadcast %mul3A_318 : i32 to vector<16xi32>
    %mul3A_320 = arith.muli %iota3A, %mul3A_319 : vector<16xi32>
    %add3A_321 = arith.constant 46 : i32
    %add3A_322 = vector.broadcast %add3A_321 : i32 to vector<16xi32>
    %add3A_323 = arith.addi %mul3A_320, %add3A_322 : vector<16xi32>
    %sub3A_324 = arith.subf %gather3A_108, %add3A_247 : vector<16xf32>
    tpu.vector_store_idx %arg9[%add3A_323], %sub3A_324 : memref<384xf32, #tpu.memory_space<vmem>>[vector<16xi32>], vector<16xf32>,
    %mul3A_325 = arith.constant 17 : i32
    %mul3A_326 = vector.broadcast %mul3A_325 : i32 to vector<16xi32>
    %mul3A_327 = arith.muli %iota3A, %mul3A_326 : vector<16xi32>
    %add3A_328 = arith.constant 47 : i32
    %add3A_329 = vector.broadcast %add3A_328 : i32 to vector<16xi32>
    %add3A_330 = arith.addi %mul3A_327, %add3A_329 : vector<16xi32>
    %sub3A_331 = arith.subf %gather3A_115, %add3A_247 : vector<16xf32>
    tpu.vector_store_idx %arg9[%add3A_330], %sub3A_331 : memref<384xf32, #tpu.memory_space<vmem>>[vector<16xi32>], vector<16xf32>,
    %mul3A_332 = arith.constant 17 : i32
    %mul3A_333 = vector.broadcast %mul3A_332 : i32 to vector<16xi32>
    %mul3A_334 = arith.muli %iota3A, %mul3A_333 : vector<16xi32>
    %add3A_335 = arith.constant 48 : i32
    %add3A_336 = vector.broadcast %add3A_335 : i32 to vector<16xi32>
    %add3A_337 = arith.addi %mul3A_334, %add3A_336 : vector<16xi32>
    %sub3A_338 = arith.subf %gather3A_122, %add3A_247 : vector<16xf32>
    tpu.vector_store_idx %arg9[%add3A_337], %sub3A_338 : memref<384xf32, #tpu.memory_space<vmem>>[vector<16xi32>], vector<16xf32>,
    %mul3A_339 = arith.constant 17 : i32
    %mul3A_340 = vector.broadcast %mul3A_339 : i32 to vector<16xi32>
    %mul3A_341 = arith.muli %iota3A, %mul3A_340 : vector<16xi32>
    %add3A_342 = arith.constant 49 : i32
    %add3A_343 = vector.broadcast %add3A_342 : i32 to vector<16xi32>
    %add3A_344 = arith.addi %mul3A_341, %add3A_343 : vector<16xi32>
    %sub3A_345 = arith.subf %gather3A_129, %add3A_247 : vector<16xf32>
    tpu.vector_store_idx %arg9[%add3A_344], %sub3A_345 : memref<384xf32, #tpu.memory_space<vmem>>[vector<16xi32>], vector<16xf32>,
    %mul3A_346 = arith.constant 17 : i32
    %mul3A_347 = vector.broadcast %mul3A_346 : i32 to vector<16xi32>
    %mul3A_348 = arith.muli %iota3A, %mul3A_347 : vector<16xi32>
    %add3A_349 = arith.constant 50 : i32
    %add3A_350 = vector.broadcast %add3A_349 : i32 to vector<16xi32>
    %add3A_351 = arith.addi %mul3A_348, %add3A_350 : vector<16xi32>
    %sub3A_352 = arith.subf %gather3A_136, %add3A_247 : vector<16xf32>
    tpu.vector_store_idx %arg9[%add3A_351], %sub3A_352 : memref<384xf32, #tpu.memory_space<vmem>>[vector<16xi32>], vector<16xf32>,
    %mul3A_353 = arith.constant 17 : i32
    %mul3A_354 = vector.broadcast %mul3A_353 : i32 to vector<16xi32>
    %mul3A_355 = arith.muli %iota3A, %mul3A_354 : vector<16xi32>
    %add3A_356 = arith.constant 51 : i32
    %add3A_357 = vector.broadcast %add3A_356 : i32 to vector<16xi32>
    %add3A_358 = arith.addi %mul3A_355, %add3A_357 : vector<16xi32>
    %sub3A_359 = arith.subf %gather3A_143, %add3A_247 : vector<16xf32>
    tpu.vector_store_idx %arg9[%add3A_358], %sub3A_359 : memref<384xf32, #tpu.memory_space<vmem>>[vector<16xi32>], vector<16xf32>,
    %mul3A_360 = arith.constant 17 : i32
    %mul3A_361 = vector.broadcast %mul3A_360 : i32 to vector<16xi32>
    %mul3A_362 = arith.muli %iota3A, %mul3A_361 : vector<16xi32>
    %add3A_363 = arith.constant 52 : i32
    %add3A_364 = vector.broadcast %add3A_363 : i32 to vector<16xi32>
    %add3A_365 = arith.addi %mul3A_362, %add3A_364 : vector<16xi32>
    %sub3A_366 = arith.subf %gather3A_150, %add3A_247 : vector<16xf32>
    tpu.vector_store_idx %arg9[%add3A_365], %sub3A_366 : memref<384xf32, #tpu.memory_space<vmem>>[vector<16xi32>], vector<16xf32>,
    %get3A = arith.constant 0 : index
    %get3A_367 = tpu.vector_load %arg10[%get3A] {strides = array<i32>} : memref<288xf32, #tpu.memory_space<vmem>>, vector<16xf32>,
    %broadcast_in_dim3A = arith.constant true
    %broadcast_in_dim3A_368 = vector.broadcast %broadcast_in_dim3A : i1 to vector<16xi1>
    %masked_cummax3A = tpu.scan <max>, %get3A_367 masked %broadcast_in_dim3A_368 : vector<16xf32>, vector<16xi1> -> vector<16xf32>
    %swap3A = arith.constant 352 : index
    %swap3A_369 = tpu.vector_load %arg9[%swap3A] {strides = array<i32>} : memref<384xf32, #tpu.memory_space<vmem>>, vector<16xf32>,
    tpu.vector_store %arg9[%swap3A], %masked_cummax3A {strides = array<i32>} : memref<384xf32, #tpu.memory_space<vmem>>, vector<16xf32>,
    %broadcast_in_dim3A_370 = arith.constant 367 : i32
    %broadcast_in_dim3A_371 = vector.broadcast %broadcast_in_dim3A_370 : i32 to vector<16xi32>
    %gather3A_372 = tpu.vector_load_idx %arg9[%broadcast_in_dim3A_371] : memref<384xf32, #tpu.memory_space<vmem>>[vector<16xi32>], vector<16xf32>,
    %sub3A_373 = arith.subf %get3A_367, %gather3A_372 : vector<16xf32>
    %exp3A_374 = math.exp %sub3A_373 : vector<16xf32>
    %broadcast_in_dim3A_375 = arith.constant true
    %broadcast_in_dim3A_376 = vector.broadcast %broadcast_in_dim3A_375 : i1 to vector<16xi1>
    %masked_cumsum3A = tpu.scan <sum>, %exp3A_374 masked %broadcast_in_dim3A_376 : vector<16xf32>, vector<16xi1> -> vector<16xf32>
    %swap3A_377 = arith.constant 352 : index
    %swap3A_378 = tpu.vector_load %arg9[%swap3A_377] {strides = array<i32>} : memref<384xf32, #tpu.memory_space<vmem>>, vector<16xf32>,
    tpu.vector_store %arg9[%swap3A_377], %masked_cumsum3A {strides = array<i32>} : memref<384xf32, #tpu.memory_space<vmem>>, vector<16xf32>,
    %broadcast_in_dim3A_379 = arith.constant 367 : i32
    %broadcast_in_dim3A_380 = vector.broadcast %broadcast_in_dim3A_379 : i32 to vector<16xi32>
    %gather3A_381 = tpu.vector_load_idx %arg9[%broadcast_in_dim3A_380] : memref<384xf32, #tpu.memory_space<vmem>>[vector<16xi32>], vector<16xf32>,
    %sub3A_382 = arith.subf %get3A_367, %gather3A_372 : vector<16xf32>
    %bitcast3A_383 = vector.bitcast %gather3A_381 : vector<16xf32> to vector<16xi32>
    %convert_element_type3A_384 = arith.sitofp %bitcast3A_383 : vector<16xi32> to vector<16xf32>
    %sub3A_385 = arith.constant 1.06486682E+9 : f32
    %sub3A_386 = vector.broadcast %sub3A_385 : f32 to vector<16xf32>
    %sub3A_387 = arith.subf %convert_element_type3A_384, %sub3A_386 : vector<16xf32>
    %mul3A_388 = arith.constant 8.26295832E-8 : f32
    %mul3A_389 = vector.broadcast %mul3A_388 : f32 to vector<16xf32>
    %mul3A_390 = arith.mulf %sub3A_387, %mul3A_389 : vector<16xf32>
    %sub3A_391 = arith.constant 1.000000e+00 : f32
    %sub3A_392 = vector.broadcast %sub3A_391 : f32 to vector<16xf32>
    %sub3A_393 = arith.subf %mul3A_390, %sub3A_392 : vector<16xf32>
    %neg3A_394 = arith.constant 0.000000e+00 : f32
    %neg3A_395 = vector.broadcast %neg3A_394 : f32 to vector<16xf32>
    %neg3A_396 = arith.subf %neg3A_395, %mul3A_390 : vector<16xf32>
    %exp3A_397 = math.exp %neg3A_396 : vector<16xf32>
    %mul3A_398 = arith.mulf %gather3A_381, %exp3A_397 : vector<16xf32>
    %add3A_399 = arith.addf %sub3A_393, %mul3A_398 : vector<16xf32>
    %sub3A_400 = arith.constant 1.000000e+00 : f32
    %sub3A_401 = vector.broadcast %sub3A_400 : f32 to vector<16xf32>
    %sub3A_402 = arith.subf %add3A_399, %sub3A_401 : vector<16xf32>
    %neg3A_403 = arith.constant 0.000000e+00 : f32
    %neg3A_404 = vector.broadcast %neg3A_403 : f32 to vector<16xf32>
    %neg3A_405 = arith.subf %neg3A_404, %add3A_399 : vector<16xf32>
    %exp3A_406 = math.exp %neg3A_405 : vector<16xf32>
    %mul3A_407 = arith.mulf %gather3A_381, %exp3A_406 : vector<16xf32>
    %add3A_408 = arith.addf %sub3A_402, %mul3A_407 : vector<16xf32>
    %sub3A_409 = arith.constant 1.000000e+00 : f32
    %sub3A_410 = vector.broadcast %sub3A_409 : f32 to vector<16xf32>
    %sub3A_411 = arith.subf %add3A_408, %sub3A_410 : vector<16xf32>
    %neg3A_412 = arith.constant 0.000000e+00 : f32
    %neg3A_413 = vector.broadcast %neg3A_412 : f32 to vector<16xf32>
    %neg3A_414 = arith.subf %neg3A_413, %add3A_408 : vector<16xf32>
    %exp3A_415 = math.exp %neg3A_414 : vector<16xf32>
    %mul3A_416 = arith.mulf %gather3A_381, %exp3A_415 : vector<16xf32>
    %add3A_417 = arith.addf %sub3A_411, %mul3A_416 : vector<16xf32>
    %sub3A_418 = arith.subf %sub3A_382, %add3A_417 : vector<16xf32>
    %swap3A_419 = arith.constant 310 : index
    %swap3A_420 = tpu.vector_load %arg9[%swap3A_419] {strides = array<i32>} : memref<384xf32, #tpu.memory_space<vmem>>, vector<16xf32>,
    tpu.vector_store %arg9[%swap3A_419], %sub3A_418 {strides = array<i32>} : memref<384xf32, #tpu.memory_space<vmem>>, vector<16xf32>,
    %mul3A_421 = arith.constant 65536 : i32
    %mul3A_422 = arith.muli %select_n3A, %mul3A_421 : i32
    %mul3A_423 = arith.constant 128 : i32
    %mul3A_424 = arith.muli %select_n3A_32, %mul3A_423 : i32
    %add3A_425 = arith.addi %mul3A_422, %mul3A_424 : i32
    %add3A_426 = arith.constant 0 : i32
    %add3A_427 = arith.addi %add3A_425, %add3A_426 : i32
    %dma_start3A = arith.constant 0 : i32
    %dma_start3A_428 = tpu.memref_slice %arg6[%dma_start3A] : memref<16640xi32, #tpu.memory_space<vmem>> -> memref<256xi32, #tpu.memory_space<vmem>>
    %dma_start3A_429 = tpu.memref_slice %arg3[%add3A_427] : memref<524288xi32, #tpu.memory_space<hbm>> -> memref<256xi32, #tpu.memory_space<hbm>>
    %dma_start3A_430 = arith.constant 0 : i32
    %dma_start3A_431 = tpu.memref_slice %arg6[%dma_start3A_430] : memref<16640xi32, #tpu.memory_space<vmem>> -> memref<256xi32, #tpu.memory_space<vmem>>
    %dma_start3A_432 = tpu.memref_slice %arg3[%add3A_427] : memref<524288xi32, #tpu.memory_space<hbm>> -> memref<256xi32, #tpu.memory_space<hbm>>
    tpu.enqueue_dma source(%dma_start3A_432 : memref<256xi32, #tpu.memory_space<hbm>>) target(%dma_start3A_431 : memref<256xi32, #tpu.memory_space<vmem>>) target_semaphore(%arg12 : memref<!tpu.dma_semaphore, #tpu.memory_space<semaphore_mem>>)
    %add3A_433 = arith.constant 1024 : i32
    %add3A_434 = arith.addi %add3A_425, %add3A_433 : i32
    %dma_start3A_435 = arith.constant 256 : i32
    %dma_start3A_436 = tpu.memref_slice %arg6[%dma_start3A_435] : memref<16640xi32, #tpu.memory_space<vmem>> -> memref<256xi32, #tpu.memory_space<vmem>>
    %dma_start3A_437 = tpu.memref_slice %arg3[%add3A_434] : memref<524288xi32, #tpu.memory_space<hbm>> -> memref<256xi32, #tpu.memory_space<hbm>>
    %dma_start3A_438 = arith.constant 256 : i32
    %dma_start3A_439 = tpu.memref_slice %arg6[%dma_start3A_438] : memref<16640xi32, #tpu.memory_space<vmem>> -> memref<256xi32, #tpu.memory_space<vmem>>
    %dma_start3A_440 = tpu.memref_slice %arg3[%add3A_434] : memref<524288xi32, #tpu.memory_space<hbm>> -> memref<256xi32, #tpu.memory_space<hbm>>
    tpu.enqueue_dma source(%dma_start3A_440 : memref<256xi32, #tpu.memory_space<hbm>>) target(%dma_start3A_439 : memref<256xi32, #tpu.memory_space<vmem>>) target_semaphore(%arg12 : memref<!tpu.dma_semaphore, #tpu.memory_space<semaphore_mem>>)
    %add3A_441 = arith.constant 2048 : i32
    %add3A_442 = arith.addi %add3A_425, %add3A_441 : i32
    %dma_start3A_443 = arith.constant 512 : i32
    %dma_start3A_444 = tpu.memref_slice %arg6[%dma_start3A_443] : memref<16640xi32, #tpu.memory_space<vmem>> -> memref<256xi32, #tpu.memory_space<vmem>>
    %dma_start3A_445 = tpu.memref_slice %arg3[%add3A_442] : memref<524288xi32, #tpu.memory_space<hbm>> -> memref<256xi32, #tpu.memory_space<hbm>>
    %dma_start3A_446 = arith.constant 512 : i32
    %dma_start3A_447 = tpu.memref_slice %arg6[%dma_start3A_446] : memref<16640xi32, #tpu.memory_space<vmem>> -> memref<256xi32, #tpu.memory_space<vmem>>
    %dma_start3A_448 = tpu.memref_slice %arg3[%add3A_442] : memref<524288xi32, #tpu.memory_space<hbm>> -> memref<256xi32, #tpu.memory_space<hbm>>
    tpu.enqueue_dma source(%dma_start3A_448 : memref<256xi32, #tpu.memory_space<hbm>>) target(%dma_start3A_447 : memref<256xi32, #tpu.memory_space<vmem>>) target_semaphore(%arg12 : memref<!tpu.dma_semaphore, #tpu.memory_space<semaphore_mem>>)
    %add3A_449 = arith.constant 3072 : i32
    %add3A_450 = arith.addi %add3A_425, %add3A_449 : i32
    %dma_start3A_451 = arith.constant 768 : i32
    %dma_start3A_452 = tpu.memref_slice %arg6[%dma_start3A_451] : memref<16640xi32, #tpu.memory_space<vmem>> -> memref<256xi32, #tpu.memory_space<vmem>>
    %dma_start3A_453 = tpu.memref_slice %arg3[%add3A_450] : memref<524288xi32, #tpu.memory_space<hbm>> -> memref<256xi32, #tpu.memory_space<hbm>>
    %dma_start3A_454 = arith.constant 768 : i32
    %dma_start3A_455 = tpu.memref_slice %arg6[%dma_start3A_454] : memref<16640xi32, #tpu.memory_space<vmem>> -> memref<256xi32, #tpu.memory_space<vmem>>
    %dma_start3A_456 = tpu.memref_slice %arg3[%add3A_450] : memref<524288xi32, #tpu.memory_space<hbm>> -> memref<256xi32, #tpu.memory_space<hbm>>
    tpu.enqueue_dma source(%dma_start3A_456 : memref<256xi32, #tpu.memory_space<hbm>>) target(%dma_start3A_455 : memref<256xi32, #tpu.memory_space<vmem>>) target_semaphore(%arg12 : memref<!tpu.dma_semaphore, #tpu.memory_space<semaphore_mem>>)
    %add3A_457 = arith.constant 4096 : i32
    %add3A_458 = arith.addi %add3A_425, %add3A_457 : i32
    %dma_start3A_459 = arith.constant 1024 : i32
    %dma_start3A_460 = tpu.memref_slice %arg6[%dma_start3A_459] : memref<16640xi32, #tpu.memory_space<vmem>> -> memref<256xi32, #tpu.memory_space<vmem>>
    %dma_start3A_461 = tpu.memref_slice %arg3[%add3A_458] : memref<524288xi32, #tpu.memory_space<hbm>> -> memref<256xi32, #tpu.memory_space<hbm>>
    %dma_start3A_462 = arith.constant 1024 : i32
    %dma_start3A_463 = tpu.memref_slice %arg6[%dma_start3A_462] : memref<16640xi32, #tpu.memory_space<vmem>> -> memref<256xi32, #tpu.memory_space<vmem>>
    %dma_start3A_464 = tpu.memref_slice %arg3[%add3A_458] : memref<524288xi32, #tpu.memory_space<hbm>> -> memref<256xi32, #tpu.memory_space<hbm>>
    tpu.enqueue_dma source(%dma_start3A_464 : memref<256xi32, #tpu.memory_space<hbm>>) target(%dma_start3A_463 : memref<256xi32, #tpu.memory_space<vmem>>) target_semaphore(%arg12 : memref<!tpu.dma_semaphore, #tpu.memory_space<semaphore_mem>>)
    %add3A_465 = arith.constant 5120 : i32
    %add3A_466 = arith.addi %add3A_425, %add3A_465 : i32
    %dma_start3A_467 = arith.constant 1280 : i32
    %dma_start3A_468 = tpu.memref_slice %arg6[%dma_start3A_467] : memref<16640xi32, #tpu.memory_space<vmem>> -> memref<256xi32, #tpu.memory_space<vmem>>
    %dma_start3A_469 = tpu.memref_slice %arg3[%add3A_466] : memref<524288xi32, #tpu.memory_space<hbm>> -> memref<256xi32, #tpu.memory_space<hbm>>
    %dma_start3A_470 = arith.constant 1280 : i32
    %dma_start3A_471 = tpu.memref_slice %arg6[%dma_start3A_470] : memref<16640xi32, #tpu.memory_space<vmem>> -> memref<256xi32, #tpu.memory_space<vmem>>
    %dma_start3A_472 = tpu.memref_slice %arg3[%add3A_466] : memref<524288xi32, #tpu.memory_space<hbm>> -> memref<256xi32, #tpu.memory_space<hbm>>
    tpu.enqueue_dma source(%dma_start3A_472 : memref<256xi32, #tpu.memory_space<hbm>>) target(%dma_start3A_471 : memref<256xi32, #tpu.memory_space<vmem>>) target_semaphore(%arg12 : memref<!tpu.dma_semaphore, #tpu.memory_space<semaphore_mem>>)
    %add3A_473 = arith.constant 6144 : i32
    %add3A_474 = arith.addi %add3A_425, %add3A_473 : i32
    %dma_start3A_475 = arith.constant 1536 : i32
    %dma_start3A_476 = tpu.memref_slice %arg6[%dma_start3A_475] : memref<16640xi32, #tpu.memory_space<vmem>> -> memref<256xi32, #tpu.memory_space<vmem>>
    %dma_start3A_477 = tpu.memref_slice %arg3[%add3A_474] : memref<524288xi32, #tpu.memory_space<hbm>> -> memref<256xi32, #tpu.memory_space<hbm>>
    %dma_start3A_478 = arith.constant 1536 : i32
    %dma_start3A_479 = tpu.memref_slice %arg6[%dma_start3A_478] : memref<16640xi32, #tpu.memory_space<vmem>> -> memref<256xi32, #tpu.memory_space<vmem>>
    %dma_start3A_480 = tpu.memref_slice %arg3[%add3A_474] : memref<524288xi32, #tpu.memory_space<hbm>> -> memref<256xi32, #tpu.memory_space<hbm>>
    tpu.enqueue_dma source(%dma_start3A_480 : memref<256xi32, #tpu.memory_space<hbm>>) target(%dma_start3A_479 : memref<256xi32, #tpu.memory_space<vmem>>) target_semaphore(%arg12 : memref<!tpu.dma_semaphore, #tpu.memory_space<semaphore_mem>>)
    %add3A_481 = arith.constant 7168 : i32
    %add3A_482 = arith.addi %add3A_425, %add3A_481 : i32
    %dma_start3A_483 = arith.constant 1792 : i32
    %dma_start3A_484 = tpu.memref_slice %arg6[%dma_start3A_483] : memref<16640xi32, #tpu.memory_space<vmem>> -> memref<256xi32, #tpu.memory_space<vmem>>
    %dma_start3A_485 = tpu.memref_slice %arg3[%add3A_482] : memref<524288xi32, #tpu.memory_space<hbm>> -> memref<256xi32, #tpu.memory_space<hbm>>
    %dma_start3A_486 = arith.constant 1792 : i32
    %dma_start3A_487 = tpu.memref_slice %arg6[%dma_start3A_486] : memref<16640xi32, #tpu.memory_space<vmem>> -> memref<256xi32, #tpu.memory_space<vmem>>
    %dma_start3A_488 = tpu.memref_slice %arg3[%add3A_482] : memref<524288xi32, #tpu.memory_space<hbm>> -> memref<256xi32, #tpu.memory_space<hbm>>
    tpu.enqueue_dma source(%dma_start3A_488 : memref<256xi32, #tpu.memory_space<hbm>>) target(%dma_start3A_487 : memref<256xi32, #tpu.memory_space<vmem>>) target_semaphore(%arg12 : memref<!tpu.dma_semaphore, #tpu.memory_space<semaphore_mem>>)
    %add3A_489 = arith.constant 8192 : i32
    %add3A_490 = arith.addi %add3A_425, %add3A_489 : i32
    %dma_start3A_491 = arith.constant 2048 : i32
    %dma_start3A_492 = tpu.memref_slice %arg6[%dma_start3A_491] : memref<16640xi32, #tpu.memory_space<vmem>> -> memref<256xi32, #tpu.memory_space<vmem>>
    %dma_start3A_493 = tpu.memref_slice %arg3[%add3A_490] : memref<524288xi32, #tpu.memory_space<hbm>> -> memref<256xi32, #tpu.memory_space<hbm>>
    %dma_start3A_494 = arith.constant 2048 : i32
    %dma_start3A_495 = tpu.memref_slice %arg6[%dma_start3A_494] : memref<16640xi32, #tpu.memory_space<vmem>> -> memref<256xi32, #tpu.memory_space<vmem>>
    %dma_start3A_496 = tpu.memref_slice %arg3[%add3A_490] : memref<524288xi32, #tpu.memory_space<hbm>> -> memref<256xi32, #tpu.memory_space<hbm>>
    tpu.enqueue_dma source(%dma_start3A_496 : memref<256xi32, #tpu.memory_space<hbm>>) target(%dma_start3A_495 : memref<256xi32, #tpu.memory_space<vmem>>) target_semaphore(%arg12 : memref<!tpu.dma_semaphore, #tpu.memory_space<semaphore_mem>>)
    %add3A_497 = arith.constant 9216 : i32
    %add3A_498 = arith.addi %add3A_425, %add3A_497 : i32
    %dma_start3A_499 = arith.constant 2304 : i32
    %dma_start3A_500 = tpu.memref_slice %arg6[%dma_start3A_499] : memref<16640xi32, #tpu.memory_space<vmem>> -> memref<256xi32, #tpu.memory_space<vmem>>
    %dma_start3A_501 = tpu.memref_slice %arg3[%add3A_498] : memref<524288xi32, #tpu.memory_space<hbm>> -> memref<256xi32, #tpu.memory_space<hbm>>
    %dma_start3A_502 = arith.constant 2304 : i32
    %dma_start3A_503 = tpu.memref_slice %arg6[%dma_start3A_502] : memref<16640xi32, #tpu.memory_space<vmem>> -> memref<256xi32, #tpu.memory_space<vmem>>
    %dma_start3A_504 = tpu.memref_slice %arg3[%add3A_498] : memref<524288xi32, #tpu.memory_space<hbm>> -> memref<256xi32, #tpu.memory_space<hbm>>
    tpu.enqueue_dma source(%dma_start3A_504 : memref<256xi32, #tpu.memory_space<hbm>>) target(%dma_start3A_503 : memref<256xi32, #tpu.memory_space<vmem>>) target_semaphore(%arg12 : memref<!tpu.dma_semaphore, #tpu.memory_space<semaphore_mem>>)
    %add3A_505 = arith.constant 10240 : i32
    %add3A_506 = arith.addi %add3A_425, %add3A_505 : i32
    %dma_start3A_507 = arith.constant 2560 : i32
    %dma_start3A_508 = tpu.memref_slice %arg6[%dma_start3A_507] : memref<16640xi32, #tpu.memory_space<vmem>> -> memref<256xi32, #tpu.memory_space<vmem>>
    %dma_start3A_509 = tpu.memref_slice %arg3[%add3A_506] : memref<524288xi32, #tpu.memory_space<hbm>> -> memref<256xi32, #tpu.memory_space<hbm>>
    %dma_start3A_510 = arith.constant 2560 : i32
    %dma_start3A_511 = tpu.memref_slice %arg6[%dma_start3A_510] : memref<16640xi32, #tpu.memory_space<vmem>> -> memref<256xi32, #tpu.memory_space<vmem>>
    %dma_start3A_512 = tpu.memref_slice %arg3[%add3A_506] : memref<524288xi32, #tpu.memory_space<hbm>> -> memref<256xi32, #tpu.memory_space<hbm>>
    tpu.enqueue_dma source(%dma_start3A_512 : memref<256xi32, #tpu.memory_space<hbm>>) target(%dma_start3A_511 : memref<256xi32, #tpu.memory_space<vmem>>) target_semaphore(%arg12 : memref<!tpu.dma_semaphore, #tpu.memory_space<semaphore_mem>>)
    %add3A_513 = arith.constant 11264 : i32
    %add3A_514 = arith.addi %add3A_425, %add3A_513 : i32
    %dma_start3A_515 = arith.constant 2816 : i32
    %dma_start3A_516 = tpu.memref_slice %arg6[%dma_start3A_515] : memref<16640xi32, #tpu.memory_space<vmem>> -> memref<256xi32, #tpu.memory_space<vmem>>
    %dma_start3A_517 = tpu.memref_slice %arg3[%add3A_514] : memref<524288xi32, #tpu.memory_space<hbm>> -> memref<256xi32, #tpu.memory_space<hbm>>
    %dma_start3A_518 = arith.constant 2816 : i32
    %dma_start3A_519 = tpu.memref_slice %arg6[%dma_start3A_518] : memref<16640xi32, #tpu.memory_space<vmem>> -> memref<256xi32, #tpu.memory_space<vmem>>
    %dma_start3A_520 = tpu.memref_slice %arg3[%add3A_514] : memref<524288xi32, #tpu.memory_space<hbm>> -> memref<256xi32, #tpu.memory_space<hbm>>
    tpu.enqueue_dma source(%dma_start3A_520 : memref<256xi32, #tpu.memory_space<hbm>>) target(%dma_start3A_519 : memref<256xi32, #tpu.memory_space<vmem>>) target_semaphore(%arg12 : memref<!tpu.dma_semaphore, #tpu.memory_space<semaphore_mem>>)
    %add3A_521 = arith.constant 12288 : i32
    %add3A_522 = arith.addi %add3A_425, %add3A_521 : i32
    %dma_start3A_523 = arith.constant 3072 : i32
    %dma_start3A_524 = tpu.memref_slice %arg6[%dma_start3A_523] : memref<16640xi32, #tpu.memory_space<vmem>> -> memref<256xi32, #tpu.memory_space<vmem>>
    %dma_start3A_525 = tpu.memref_slice %arg3[%add3A_522] : memref<524288xi32, #tpu.memory_space<hbm>> -> memref<256xi32, #tpu.memory_space<hbm>>
    %dma_start3A_526 = arith.constant 3072 : i32
    %dma_start3A_527 = tpu.memref_slice %arg6[%dma_start3A_526] : memref<16640xi32, #tpu.memory_space<vmem>> -> memref<256xi32, #tpu.memory_space<vmem>>
    %dma_start3A_528 = tpu.memref_slice %arg3[%add3A_522] : memref<524288xi32, #tpu.memory_space<hbm>> -> memref<256xi32, #tpu.memory_space<hbm>>
    tpu.enqueue_dma source(%dma_start3A_528 : memref<256xi32, #tpu.memory_space<hbm>>) target(%dma_start3A_527 : memref<256xi32, #tpu.memory_space<vmem>>) target_semaphore(%arg12 : memref<!tpu.dma_semaphore, #tpu.memory_space<semaphore_mem>>)
    %add3A_529 = arith.constant 13312 : i32
    %add3A_530 = arith.addi %add3A_425, %add3A_529 : i32
    %dma_start3A_531 = arith.constant 3328 : i32
    %dma_start3A_532 = tpu.memref_slice %arg6[%dma_start3A_531] : memref<16640xi32, #tpu.memory_space<vmem>> -> memref<256xi32, #tpu.memory_space<vmem>>
    %dma_start3A_533 = tpu.memref_slice %arg3[%add3A_530] : memref<524288xi32, #tpu.memory_space<hbm>> -> memref<256xi32, #tpu.memory_space<hbm>>
    %dma_start3A_534 = arith.constant 3328 : i32
    %dma_start3A_535 = tpu.memref_slice %arg6[%dma_start3A_534] : memref<16640xi32, #tpu.memory_space<vmem>> -> memref<256xi32, #tpu.memory_space<vmem>>
    %dma_start3A_536 = tpu.memref_slice %arg3[%add3A_530] : memref<524288xi32, #tpu.memory_space<hbm>> -> memref<256xi32, #tpu.memory_space<hbm>>
    tpu.enqueue_dma source(%dma_start3A_536 : memref<256xi32, #tpu.memory_space<hbm>>) target(%dma_start3A_535 : memref<256xi32, #tpu.memory_space<vmem>>) target_semaphore(%arg12 : memref<!tpu.dma_semaphore, #tpu.memory_space<semaphore_mem>>)
    %add3A_537 = arith.constant 14336 : i32
    %add3A_538 = arith.addi %add3A_425, %add3A_537 : i32
    %dma_start3A_539 = arith.constant 3584 : i32
    %dma_start3A_540 = tpu.memref_slice %arg6[%dma_start3A_539] : memref<16640xi32, #tpu.memory_space<vmem>> -> memref<256xi32, #tpu.memory_space<vmem>>
    %dma_start3A_541 = tpu.memref_slice %arg3[%add3A_538] : memref<524288xi32, #tpu.memory_space<hbm>> -> memref<256xi32, #tpu.memory_space<hbm>>
    %dma_start3A_542 = arith.constant 3584 : i32
    %dma_start3A_543 = tpu.memref_slice %arg6[%dma_start3A_542] : memref<16640xi32, #tpu.memory_space<vmem>> -> memref<256xi32, #tpu.memory_space<vmem>>
    %dma_start3A_544 = tpu.memref_slice %arg3[%add3A_538] : memref<524288xi32, #tpu.memory_space<hbm>> -> memref<256xi32, #tpu.memory_space<hbm>>
    tpu.enqueue_dma source(%dma_start3A_544 : memref<256xi32, #tpu.memory_space<hbm>>) target(%dma_start3A_543 : memref<256xi32, #tpu.memory_space<vmem>>) target_semaphore(%arg12 : memref<!tpu.dma_semaphore, #tpu.memory_space<semaphore_mem>>)
    %add3A_545 = arith.constant 15360 : i32
    %add3A_546 = arith.addi %add3A_425, %add3A_545 : i32
    %dma_start3A_547 = arith.constant 3840 : i32
    %dma_start3A_548 = tpu.memref_slice %arg6[%dma_start3A_547] : memref<16640xi32, #tpu.memory_space<vmem>> -> memref<256xi32, #tpu.memory_space<vmem>>
    %dma_start3A_549 = tpu.memref_slice %arg3[%add3A_546] : memref<524288xi32, #tpu.memory_space<hbm>> -> memref<256xi32, #tpu.memory_space<hbm>>
    %dma_start3A_550 = arith.constant 3840 : i32
    %dma_start3A_551 = tpu.memref_slice %arg6[%dma_start3A_550] : memref<16640xi32, #tpu.memory_space<vmem>> -> memref<256xi32, #tpu.memory_space<vmem>>
    %dma_start3A_552 = tpu.memref_slice %arg3[%add3A_546] : memref<524288xi32, #tpu.memory_space<hbm>> -> memref<256xi32, #tpu.memory_space<hbm>>
    tpu.enqueue_dma source(%dma_start3A_552 : memref<256xi32, #tpu.memory_space<hbm>>) target(%dma_start3A_551 : memref<256xi32, #tpu.memory_space<vmem>>) target_semaphore(%arg12 : memref<!tpu.dma_semaphore, #tpu.memory_space<semaphore_mem>>)
    %add3A_553 = arith.constant 16384 : i32
    %add3A_554 = arith.addi %add3A_425, %add3A_553 : i32
    %dma_start3A_555 = arith.constant 4096 : i32
    %dma_start3A_556 = tpu.memref_slice %arg6[%dma_start3A_555] : memref<16640xi32, #tpu.memory_space<vmem>> -> memref<256xi32, #tpu.memory_space<vmem>>
    %dma_start3A_557 = tpu.memref_slice %arg3[%add3A_554] : memref<524288xi32, #tpu.memory_space<hbm>> -> memref<256xi32, #tpu.memory_space<hbm>>
    %dma_start3A_558 = arith.constant 4096 : i32
    %dma_start3A_559 = tpu.memref_slice %arg6[%dma_start3A_558] : memref<16640xi32, #tpu.memory_space<vmem>> -> memref<256xi32, #tpu.memory_space<vmem>>
    %dma_start3A_560 = tpu.memref_slice %arg3[%add3A_554] : memref<524288xi32, #tpu.memory_space<hbm>> -> memref<256xi32, #tpu.memory_space<hbm>>
    tpu.enqueue_dma source(%dma_start3A_560 : memref<256xi32, #tpu.memory_space<hbm>>) target(%dma_start3A_559 : memref<256xi32, #tpu.memory_space<vmem>>) target_semaphore(%arg12 : memref<!tpu.dma_semaphore, #tpu.memory_space<semaphore_mem>>)
    %add3A_561 = arith.constant 17408 : i32
    %add3A_562 = arith.addi %add3A_425, %add3A_561 : i32
    %dma_start3A_563 = arith.constant 4352 : i32
    %dma_start3A_564 = tpu.memref_slice %arg6[%dma_start3A_563] : memref<16640xi32, #tpu.memory_space<vmem>> -> memref<256xi32, #tpu.memory_space<vmem>>
    %dma_start3A_565 = tpu.memref_slice %arg3[%add3A_562] : memref<524288xi32, #tpu.memory_space<hbm>> -> memref<256xi32, #tpu.memory_space<hbm>>
    %dma_start3A_566 = arith.constant 4352 : i32
    %dma_start3A_567 = tpu.memref_slice %arg6[%dma_start3A_566] : memref<16640xi32, #tpu.memory_space<vmem>> -> memref<256xi32, #tpu.memory_space<vmem>>
    %dma_start3A_568 = tpu.memref_slice %arg3[%add3A_562] : memref<524288xi32, #tpu.memory_space<hbm>> -> memref<256xi32, #tpu.memory_space<hbm>>
    tpu.enqueue_dma source(%dma_start3A_568 : memref<256xi32, #tpu.memory_space<hbm>>) target(%dma_start3A_567 : memref<256xi32, #tpu.memory_space<vmem>>) target_semaphore(%arg12 : memref<!tpu.dma_semaphore, #tpu.memory_space<semaphore_mem>>)
    %add3A_569 = arith.constant 18432 : i32
    %add3A_570 = arith.addi %add3A_425, %add3A_569 : i32
    %dma_start3A_571 = arith.constant 4608 : i32
    %dma_start3A_572 = tpu.memref_slice %arg6[%dma_start3A_571] : memref<16640xi32, #tpu.memory_space<vmem>> -> memref<256xi32, #tpu.memory_space<vmem>>
    %dma_start3A_573 = tpu.memref_slice %arg3[%add3A_570] : memref<524288xi32, #tpu.memory_space<hbm>> -> memref<256xi32, #tpu.memory_space<hbm>>
    %dma_start3A_574 = arith.constant 4608 : i32
    %dma_start3A_575 = tpu.memref_slice %arg6[%dma_start3A_574] : memref<16640xi32, #tpu.memory_space<vmem>> -> memref<256xi32, #tpu.memory_space<vmem>>
    %dma_start3A_576 = tpu.memref_slice %arg3[%add3A_570] : memref<524288xi32, #tpu.memory_space<hbm>> -> memref<256xi32, #tpu.memory_space<hbm>>
    tpu.enqueue_dma source(%dma_start3A_576 : memref<256xi32, #tpu.memory_space<hbm>>) target(%dma_start3A_575 : memref<256xi32, #tpu.memory_space<vmem>>) target_semaphore(%arg12 : memref<!tpu.dma_semaphore, #tpu.memory_space<semaphore_mem>>)
    %add3A_577 = arith.constant 19456 : i32
    %add3A_578 = arith.addi %add3A_425, %add3A_577 : i32
    %dma_start3A_579 = arith.constant 4864 : i32
    %dma_start3A_580 = tpu.memref_slice %arg6[%dma_start3A_579] : memref<16640xi32, #tpu.memory_space<vmem>> -> memref<256xi32, #tpu.memory_space<vmem>>
    %dma_start3A_581 = tpu.memref_slice %arg3[%add3A_578] : memref<524288xi32, #tpu.memory_space<hbm>> -> memref<256xi32, #tpu.memory_space<hbm>>
    %dma_start3A_582 = arith.constant 4864 : i32
    %dma_start3A_583 = tpu.memref_slice %arg6[%dma_start3A_582] : memref<16640xi32, #tpu.memory_space<vmem>> -> memref<256xi32, #tpu.memory_space<vmem>>
    %dma_start3A_584 = tpu.memref_slice %arg3[%add3A_578] : memref<524288xi32, #tpu.memory_space<hbm>> -> memref<256xi32, #tpu.memory_space<hbm>>
    tpu.enqueue_dma source(%dma_start3A_584 : memref<256xi32, #tpu.memory_space<hbm>>) target(%dma_start3A_583 : memref<256xi32, #tpu.memory_space<vmem>>) target_semaphore(%arg12 : memref<!tpu.dma_semaphore, #tpu.memory_space<semaphore_mem>>)
    %add3A_585 = arith.constant 20480 : i32
    %add3A_586 = arith.addi %add3A_425, %add3A_585 : i32
    %dma_start3A_587 = arith.constant 5120 : i32
    %dma_start3A_588 = tpu.memref_slice %arg6[%dma_start3A_587] : memref<16640xi32, #tpu.memory_space<vmem>> -> memref<256xi32, #tpu.memory_space<vmem>>
    %dma_start3A_589 = tpu.memref_slice %arg3[%add3A_586] : memref<524288xi32, #tpu.memory_space<hbm>> -> memref<256xi32, #tpu.memory_space<hbm>>
    %dma_start3A_590 = arith.constant 5120 : i32
    %dma_start3A_591 = tpu.memref_slice %arg6[%dma_start3A_590] : memref<16640xi32, #tpu.memory_space<vmem>> -> memref<256xi32, #tpu.memory_space<vmem>>
    %dma_start3A_592 = tpu.memref_slice %arg3[%add3A_586] : memref<524288xi32, #tpu.memory_space<hbm>> -> memref<256xi32, #tpu.memory_space<hbm>>
    tpu.enqueue_dma source(%dma_start3A_592 : memref<256xi32, #tpu.memory_space<hbm>>) target(%dma_start3A_591 : memref<256xi32, #tpu.memory_space<vmem>>) target_semaphore(%arg12 : memref<!tpu.dma_semaphore, #tpu.memory_space<semaphore_mem>>)
    %add3A_593 = arith.constant 21504 : i32
    %add3A_594 = arith.addi %add3A_425, %add3A_593 : i32
    %dma_start3A_595 = arith.constant 5376 : i32
    %dma_start3A_596 = tpu.memref_slice %arg6[%dma_start3A_595] : memref<16640xi32, #tpu.memory_space<vmem>> -> memref<256xi32, #tpu.memory_space<vmem>>
    %dma_start3A_597 = tpu.memref_slice %arg3[%add3A_594] : memref<524288xi32, #tpu.memory_space<hbm>> -> memref<256xi32, #tpu.memory_space<hbm>>
    %dma_start3A_598 = arith.constant 5376 : i32
    %dma_start3A_599 = tpu.memref_slice %arg6[%dma_start3A_598] : memref<16640xi32, #tpu.memory_space<vmem>> -> memref<256xi32, #tpu.memory_space<vmem>>
    %dma_start3A_600 = tpu.memref_slice %arg3[%add3A_594] : memref<524288xi32, #tpu.memory_space<hbm>> -> memref<256xi32, #tpu.memory_space<hbm>>
    tpu.enqueue_dma source(%dma_start3A_600 : memref<256xi32, #tpu.memory_space<hbm>>) target(%dma_start3A_599 : memref<256xi32, #tpu.memory_space<vmem>>) target_semaphore(%arg12 : memref<!tpu.dma_semaphore, #tpu.memory_space<semaphore_mem>>)
    %add3A_601 = arith.constant 22528 : i32
    %add3A_602 = arith.addi %add3A_425, %add3A_601 : i32
    %dma_start3A_603 = arith.constant 5632 : i32
    %dma_start3A_604 = tpu.memref_slice %arg6[%dma_start3A_603] : memref<16640xi32, #tpu.memory_space<vmem>> -> memref<256xi32, #tpu.memory_space<vmem>>
    %dma_start3A_605 = tpu.memref_slice %arg3[%add3A_602] : memref<524288xi32, #tpu.memory_space<hbm>> -> memref<256xi32, #tpu.memory_space<hbm>>
    %dma_start3A_606 = arith.constant 5632 : i32
    %dma_start3A_607 = tpu.memref_slice %arg6[%dma_start3A_606] : memref<16640xi32, #tpu.memory_space<vmem>> -> memref<256xi32, #tpu.memory_space<vmem>>
    %dma_start3A_608 = tpu.memref_slice %arg3[%add3A_602] : memref<524288xi32, #tpu.memory_space<hbm>> -> memref<256xi32, #tpu.memory_space<hbm>>
    tpu.enqueue_dma source(%dma_start3A_608 : memref<256xi32, #tpu.memory_space<hbm>>) target(%dma_start3A_607 : memref<256xi32, #tpu.memory_space<vmem>>) target_semaphore(%arg12 : memref<!tpu.dma_semaphore, #tpu.memory_space<semaphore_mem>>)
    %add3A_609 = arith.constant 23552 : i32
    %add3A_610 = arith.addi %add3A_425, %add3A_609 : i32
    %dma_start3A_611 = arith.constant 5888 : i32
    %dma_start3A_612 = tpu.memref_slice %arg6[%dma_start3A_611] : memref<16640xi32, #tpu.memory_space<vmem>> -> memref<256xi32, #tpu.memory_space<vmem>>
    %dma_start3A_613 = tpu.memref_slice %arg3[%add3A_610] : memref<524288xi32, #tpu.memory_space<hbm>> -> memref<256xi32, #tpu.memory_space<hbm>>
    %dma_start3A_614 = arith.constant 5888 : i32
    %dma_start3A_615 = tpu.memref_slice %arg6[%dma_start3A_614] : memref<16640xi32, #tpu.memory_space<vmem>> -> memref<256xi32, #tpu.memory_space<vmem>>
    %dma_start3A_616 = tpu.memref_slice %arg3[%add3A_610] : memref<524288xi32, #tpu.memory_space<hbm>> -> memref<256xi32, #tpu.memory_space<hbm>>
    tpu.enqueue_dma source(%dma_start3A_616 : memref<256xi32, #tpu.memory_space<hbm>>) target(%dma_start3A_615 : memref<256xi32, #tpu.memory_space<vmem>>) target_semaphore(%arg12 : memref<!tpu.dma_semaphore, #tpu.memory_space<semaphore_mem>>)
    %add3A_617 = arith.constant 24576 : i32
    %add3A_618 = arith.addi %add3A_425, %add3A_617 : i32
    %dma_start3A_619 = arith.constant 6144 : i32
    %dma_start3A_620 = tpu.memref_slice %arg6[%dma_start3A_619] : memref<16640xi32, #tpu.memory_space<vmem>> -> memref<256xi32, #tpu.memory_space<vmem>>
    %dma_start3A_621 = tpu.memref_slice %arg3[%add3A_618] : memref<524288xi32, #tpu.memory_space<hbm>> -> memref<256xi32, #tpu.memory_space<hbm>>
    %dma_start3A_622 = arith.constant 6144 : i32
    %dma_start3A_623 = tpu.memref_slice %arg6[%dma_start3A_622] : memref<16640xi32, #tpu.memory_space<vmem>> -> memref<256xi32, #tpu.memory_space<vmem>>
    %dma_start3A_624 = tpu.memref_slice %arg3[%add3A_618] : memref<524288xi32, #tpu.memory_space<hbm>> -> memref<256xi32, #tpu.memory_space<hbm>>
    tpu.enqueue_dma source(%dma_start3A_624 : memref<256xi32, #tpu.memory_space<hbm>>) target(%dma_start3A_623 : memref<256xi32, #tpu.memory_space<vmem>>) target_semaphore(%arg12 : memref<!tpu.dma_semaphore, #tpu.memory_space<semaphore_mem>>)
    %add3A_625 = arith.constant 25600 : i32
    %add3A_626 = arith.addi %add3A_425, %add3A_625 : i32
    %dma_start3A_627 = arith.constant 6400 : i32
    %dma_start3A_628 = tpu.memref_slice %arg6[%dma_start3A_627] : memref<16640xi32, #tpu.memory_space<vmem>> -> memref<256xi32, #tpu.memory_space<vmem>>
    %dma_start3A_629 = tpu.memref_slice %arg3[%add3A_626] : memref<524288xi32, #tpu.memory_space<hbm>> -> memref<256xi32, #tpu.memory_space<hbm>>
    %dma_start3A_630 = arith.constant 6400 : i32
    %dma_start3A_631 = tpu.memref_slice %arg6[%dma_start3A_630] : memref<16640xi32, #tpu.memory_space<vmem>> -> memref<256xi32, #tpu.memory_space<vmem>>
    %dma_start3A_632 = tpu.memref_slice %arg3[%add3A_626] : memref<524288xi32, #tpu.memory_space<hbm>> -> memref<256xi32, #tpu.memory_space<hbm>>
    tpu.enqueue_dma source(%dma_start3A_632 : memref<256xi32, #tpu.memory_space<hbm>>) target(%dma_start3A_631 : memref<256xi32, #tpu.memory_space<vmem>>) target_semaphore(%arg12 : memref<!tpu.dma_semaphore, #tpu.memory_space<semaphore_mem>>)
    %add3A_633 = arith.constant 26624 : i32
    %add3A_634 = arith.addi %add3A_425, %add3A_633 : i32
    %dma_start3A_635 = arith.constant 6656 : i32
    %dma_start3A_636 = tpu.memref_slice %arg6[%dma_start3A_635] : memref<16640xi32, #tpu.memory_space<vmem>> -> memref<256xi32, #tpu.memory_space<vmem>>
    %dma_start3A_637 = tpu.memref_slice %arg3[%add3A_634] : memref<524288xi32, #tpu.memory_space<hbm>> -> memref<256xi32, #tpu.memory_space<hbm>>
    %dma_start3A_638 = arith.constant 6656 : i32
    %dma_start3A_639 = tpu.memref_slice %arg6[%dma_start3A_638] : memref<16640xi32, #tpu.memory_space<vmem>> -> memref<256xi32, #tpu.memory_space<vmem>>
    %dma_start3A_640 = tpu.memref_slice %arg3[%add3A_634] : memref<524288xi32, #tpu.memory_space<hbm>> -> memref<256xi32, #tpu.memory_space<hbm>>
    tpu.enqueue_dma source(%dma_start3A_640 : memref<256xi32, #tpu.memory_space<hbm>>) target(%dma_start3A_639 : memref<256xi32, #tpu.memory_space<vmem>>) target_semaphore(%arg12 : memref<!tpu.dma_semaphore, #tpu.memory_space<semaphore_mem>>)
    %add3A_641 = arith.constant 27648 : i32
    %add3A_642 = arith.addi %add3A_425, %add3A_641 : i32
    %dma_start3A_643 = arith.constant 6912 : i32
    %dma_start3A_644 = tpu.memref_slice %arg6[%dma_start3A_643] : memref<16640xi32, #tpu.memory_space<vmem>> -> memref<256xi32, #tpu.memory_space<vmem>>
    %dma_start3A_645 = tpu.memref_slice %arg3[%add3A_642] : memref<524288xi32, #tpu.memory_space<hbm>> -> memref<256xi32, #tpu.memory_space<hbm>>
    %dma_start3A_646 = arith.constant 6912 : i32
    %dma_start3A_647 = tpu.memref_slice %arg6[%dma_start3A_646] : memref<16640xi32, #tpu.memory_space<vmem>> -> memref<256xi32, #tpu.memory_space<vmem>>
    %dma_start3A_648 = tpu.memref_slice %arg3[%add3A_642] : memref<524288xi32, #tpu.memory_space<hbm>> -> memref<256xi32, #tpu.memory_space<hbm>>
    tpu.enqueue_dma source(%dma_start3A_648 : memref<256xi32, #tpu.memory_space<hbm>>) target(%dma_start3A_647 : memref<256xi32, #tpu.memory_space<vmem>>) target_semaphore(%arg12 : memref<!tpu.dma_semaphore, #tpu.memory_space<semaphore_mem>>)
    %add3A_649 = arith.constant 28672 : i32
    %add3A_650 = arith.addi %add3A_425, %add3A_649 : i32
    %dma_start3A_651 = arith.constant 7168 : i32
    %dma_start3A_652 = tpu.memref_slice %arg6[%dma_start3A_651] : memref<16640xi32, #tpu.memory_space<vmem>> -> memref<256xi32, #tpu.memory_space<vmem>>
    %dma_start3A_653 = tpu.memref_slice %arg3[%add3A_650] : memref<524288xi32, #tpu.memory_space<hbm>> -> memref<256xi32, #tpu.memory_space<hbm>>
    %dma_start3A_654 = arith.constant 7168 : i32
    %dma_start3A_655 = tpu.memref_slice %arg6[%dma_start3A_654] : memref<16640xi32, #tpu.memory_space<vmem>> -> memref<256xi32, #tpu.memory_space<vmem>>
    %dma_start3A_656 = tpu.memref_slice %arg3[%add3A_650] : memref<524288xi32, #tpu.memory_space<hbm>> -> memref<256xi32, #tpu.memory_space<hbm>>
    tpu.enqueue_dma source(%dma_start3A_656 : memref<256xi32, #tpu.memory_space<hbm>>) target(%dma_start3A_655 : memref<256xi32, #tpu.memory_space<vmem>>) target_semaphore(%arg12 : memref<!tpu.dma_semaphore, #tpu.memory_space<semaphore_mem>>)
    %add3A_657 = arith.constant 29696 : i32
    %add3A_658 = arith.addi %add3A_425, %add3A_657 : i32
    %dma_start3A_659 = arith.constant 7424 : i32
    %dma_start3A_660 = tpu.memref_slice %arg6[%dma_start3A_659] : memref<16640xi32, #tpu.memory_space<vmem>> -> memref<256xi32, #tpu.memory_space<vmem>>
    %dma_start3A_661 = tpu.memref_slice %arg3[%add3A_658] : memref<524288xi32, #tpu.memory_space<hbm>> -> memref<256xi32, #tpu.memory_space<hbm>>
    %dma_start3A_662 = arith.constant 7424 : i32
    %dma_start3A_663 = tpu.memref_slice %arg6[%dma_start3A_662] : memref<16640xi32, #tpu.memory_space<vmem>> -> memref<256xi32, #tpu.memory_space<vmem>>
    %dma_start3A_664 = tpu.memref_slice %arg3[%add3A_658] : memref<524288xi32, #tpu.memory_space<hbm>> -> memref<256xi32, #tpu.memory_space<hbm>>
    tpu.enqueue_dma source(%dma_start3A_664 : memref<256xi32, #tpu.memory_space<hbm>>) target(%dma_start3A_663 : memref<256xi32, #tpu.memory_space<vmem>>) target_semaphore(%arg12 : memref<!tpu.dma_semaphore, #tpu.memory_space<semaphore_mem>>)
    %add3A_665 = arith.constant 30720 : i32
    %add3A_666 = arith.addi %add3A_425, %add3A_665 : i32
    %dma_start3A_667 = arith.constant 7680 : i32
    %dma_start3A_668 = tpu.memref_slice %arg6[%dma_start3A_667] : memref<16640xi32, #tpu.memory_space<vmem>> -> memref<256xi32, #tpu.memory_space<vmem>>
    %dma_start3A_669 = tpu.memref_slice %arg3[%add3A_666] : memref<524288xi32, #tpu.memory_space<hbm>> -> memref<256xi32, #tpu.memory_space<hbm>>
    %dma_start3A_670 = arith.constant 7680 : i32
    %dma_start3A_671 = tpu.memref_slice %arg6[%dma_start3A_670] : memref<16640xi32, #tpu.memory_space<vmem>> -> memref<256xi32, #tpu.memory_space<vmem>>
    %dma_start3A_672 = tpu.memref_slice %arg3[%add3A_666] : memref<524288xi32, #tpu.memory_space<hbm>> -> memref<256xi32, #tpu.memory_space<hbm>>
    tpu.enqueue_dma source(%dma_start3A_672 : memref<256xi32, #tpu.memory_space<hbm>>) target(%dma_start3A_671 : memref<256xi32, #tpu.memory_space<vmem>>) target_semaphore(%arg12 : memref<!tpu.dma_semaphore, #tpu.memory_space<semaphore_mem>>)
    %add3A_673 = arith.constant 31744 : i32
    %add3A_674 = arith.addi %add3A_425, %add3A_673 : i32
    %dma_start3A_675 = arith.constant 7936 : i32
    %dma_start3A_676 = tpu.memref_slice %arg6[%dma_start3A_675] : memref<16640xi32, #tpu.memory_space<vmem>> -> memref<256xi32, #tpu.memory_space<vmem>>
    %dma_start3A_677 = tpu.memref_slice %arg3[%add3A_674] : memref<524288xi32, #tpu.memory_space<hbm>> -> memref<256xi32, #tpu.memory_space<hbm>>
    %dma_start3A_678 = arith.constant 7936 : i32
    %dma_start3A_679 = tpu.memref_slice %arg6[%dma_start3A_678] : memref<16640xi32, #tpu.memory_space<vmem>> -> memref<256xi32, #tpu.memory_space<vmem>>
    %dma_start3A_680 = tpu.memref_slice %arg3[%add3A_674] : memref<524288xi32, #tpu.memory_space<hbm>> -> memref<256xi32, #tpu.memory_space<hbm>>
    tpu.enqueue_dma source(%dma_start3A_680 : memref<256xi32, #tpu.memory_space<hbm>>) target(%dma_start3A_679 : memref<256xi32, #tpu.memory_space<vmem>>) target_semaphore(%arg12 : memref<!tpu.dma_semaphore, #tpu.memory_space<semaphore_mem>>)
    %add3A_681 = arith.constant 32768 : i32
    %add3A_682 = arith.addi %add3A_425, %add3A_681 : i32
    %dma_start3A_683 = arith.constant 8192 : i32
    %dma_start3A_684 = tpu.memref_slice %arg6[%dma_start3A_683] : memref<16640xi32, #tpu.memory_space<vmem>> -> memref<256xi32, #tpu.memory_space<vmem>>
    %dma_start3A_685 = tpu.memref_slice %arg3[%add3A_682] : memref<524288xi32, #tpu.memory_space<hbm>> -> memref<256xi32, #tpu.memory_space<hbm>>
    %dma_start3A_686 = arith.constant 8192 : i32
    %dma_start3A_687 = tpu.memref_slice %arg6[%dma_start3A_686] : memref<16640xi32, #tpu.memory_space<vmem>> -> memref<256xi32, #tpu.memory_space<vmem>>
    %dma_start3A_688 = tpu.memref_slice %arg3[%add3A_682] : memref<524288xi32, #tpu.memory_space<hbm>> -> memref<256xi32, #tpu.memory_space<hbm>>
    tpu.enqueue_dma source(%dma_start3A_688 : memref<256xi32, #tpu.memory_space<hbm>>) target(%dma_start3A_687 : memref<256xi32, #tpu.memory_space<vmem>>) target_semaphore(%arg12 : memref<!tpu.dma_semaphore, #tpu.memory_space<semaphore_mem>>)
    %add3A_689 = arith.constant 33792 : i32
    %add3A_690 = arith.addi %add3A_425, %add3A_689 : i32
    %dma_start3A_691 = arith.constant 8448 : i32
    %dma_start3A_692 = tpu.memref_slice %arg6[%dma_start3A_691] : memref<16640xi32, #tpu.memory_space<vmem>> -> memref<256xi32, #tpu.memory_space<vmem>>
    %dma_start3A_693 = tpu.memref_slice %arg3[%add3A_690] : memref<524288xi32, #tpu.memory_space<hbm>> -> memref<256xi32, #tpu.memory_space<hbm>>
    %dma_start3A_694 = arith.constant 8448 : i32
    %dma_start3A_695 = tpu.memref_slice %arg6[%dma_start3A_694] : memref<16640xi32, #tpu.memory_space<vmem>> -> memref<256xi32, #tpu.memory_space<vmem>>
    %dma_start3A_696 = tpu.memref_slice %arg3[%add3A_690] : memref<524288xi32, #tpu.memory_space<hbm>> -> memref<256xi32, #tpu.memory_space<hbm>>
    tpu.enqueue_dma source(%dma_start3A_696 : memref<256xi32, #tpu.memory_space<hbm>>) target(%dma_start3A_695 : memref<256xi32, #tpu.memory_space<vmem>>) target_semaphore(%arg12 : memref<!tpu.dma_semaphore, #tpu.memory_space<semaphore_mem>>)
    %add3A_697 = arith.constant 34816 : i32
    %add3A_698 = arith.addi %add3A_425, %add3A_697 : i32
    %dma_start3A_699 = arith.constant 8704 : i32
    %dma_start3A_700 = tpu.memref_slice %arg6[%dma_start3A_699] : memref<16640xi32, #tpu.memory_space<vmem>> -> memref<256xi32, #tpu.memory_space<vmem>>
    %dma_start3A_701 = tpu.memref_slice %arg3[%add3A_698] : memref<524288xi32, #tpu.memory_space<hbm>> -> memref<256xi32, #tpu.memory_space<hbm>>
    %dma_start3A_702 = arith.constant 8704 : i32
    %dma_start3A_703 = tpu.memref_slice %arg6[%dma_start3A_702] : memref<16640xi32, #tpu.memory_space<vmem>> -> memref<256xi32, #tpu.memory_space<vmem>>
    %dma_start3A_704 = tpu.memref_slice %arg3[%add3A_698] : memref<524288xi32, #tpu.memory_space<hbm>> -> memref<256xi32, #tpu.memory_space<hbm>>
    tpu.enqueue_dma source(%dma_start3A_704 : memref<256xi32, #tpu.memory_space<hbm>>) target(%dma_start3A_703 : memref<256xi32, #tpu.memory_space<vmem>>) target_semaphore(%arg12 : memref<!tpu.dma_semaphore, #tpu.memory_space<semaphore_mem>>)
    %add3A_705 = arith.constant 35840 : i32
    %add3A_706 = arith.addi %add3A_425, %add3A_705 : i32
    %dma_start3A_707 = arith.constant 8960 : i32
    %dma_start3A_708 = tpu.memref_slice %arg6[%dma_start3A_707] : memref<16640xi32, #tpu.memory_space<vmem>> -> memref<256xi32, #tpu.memory_space<vmem>>
    %dma_start3A_709 = tpu.memref_slice %arg3[%add3A_706] : memref<524288xi32, #tpu.memory_space<hbm>> -> memref<256xi32, #tpu.memory_space<hbm>>
    %dma_start3A_710 = arith.constant 8960 : i32
    %dma_start3A_711 = tpu.memref_slice %arg6[%dma_start3A_710] : memref<16640xi32, #tpu.memory_space<vmem>> -> memref<256xi32, #tpu.memory_space<vmem>>
    %dma_start3A_712 = tpu.memref_slice %arg3[%add3A_706] : memref<524288xi32, #tpu.memory_space<hbm>> -> memref<256xi32, #tpu.memory_space<hbm>>
    tpu.enqueue_dma source(%dma_start3A_712 : memref<256xi32, #tpu.memory_space<hbm>>) target(%dma_start3A_711 : memref<256xi32, #tpu.memory_space<vmem>>) target_semaphore(%arg12 : memref<!tpu.dma_semaphore, #tpu.memory_space<semaphore_mem>>)
    %add3A_713 = arith.constant 36864 : i32
    %add3A_714 = arith.addi %add3A_425, %add3A_713 : i32
    %dma_start3A_715 = arith.constant 9216 : i32
    %dma_start3A_716 = tpu.memref_slice %arg6[%dma_start3A_715] : memref<16640xi32, #tpu.memory_space<vmem>> -> memref<256xi32, #tpu.memory_space<vmem>>
    %dma_start3A_717 = tpu.memref_slice %arg3[%add3A_714] : memref<524288xi32, #tpu.memory_space<hbm>> -> memref<256xi32, #tpu.memory_space<hbm>>
    %dma_start3A_718 = arith.constant 9216 : i32
    %dma_start3A_719 = tpu.memref_slice %arg6[%dma_start3A_718] : memref<16640xi32, #tpu.memory_space<vmem>> -> memref<256xi32, #tpu.memory_space<vmem>>
    %dma_start3A_720 = tpu.memref_slice %arg3[%add3A_714] : memref<524288xi32, #tpu.memory_space<hbm>> -> memref<256xi32, #tpu.memory_space<hbm>>
    tpu.enqueue_dma source(%dma_start3A_720 : memref<256xi32, #tpu.memory_space<hbm>>) target(%dma_start3A_719 : memref<256xi32, #tpu.memory_space<vmem>>) target_semaphore(%arg12 : memref<!tpu.dma_semaphore, #tpu.memory_space<semaphore_mem>>)
    %add3A_721 = arith.constant 37888 : i32
    %add3A_722 = arith.addi %add3A_425, %add3A_721 : i32
    %dma_start3A_723 = arith.constant 9472 : i32
    %dma_start3A_724 = tpu.memref_slice %arg6[%dma_start3A_723] : memref<16640xi32, #tpu.memory_space<vmem>> -> memref<256xi32, #tpu.memory_space<vmem>>
    %dma_start3A_725 = tpu.memref_slice %arg3[%add3A_722] : memref<524288xi32, #tpu.memory_space<hbm>> -> memref<256xi32, #tpu.memory_space<hbm>>
    %dma_start3A_726 = arith.constant 9472 : i32
    %dma_start3A_727 = tpu.memref_slice %arg6[%dma_start3A_726] : memref<16640xi32, #tpu.memory_space<vmem>> -> memref<256xi32, #tpu.memory_space<vmem>>
    %dma_start3A_728 = tpu.memref_slice %arg3[%add3A_722] : memref<524288xi32, #tpu.memory_space<hbm>> -> memref<256xi32, #tpu.memory_space<hbm>>
    tpu.enqueue_dma source(%dma_start3A_728 : memref<256xi32, #tpu.memory_space<hbm>>) target(%dma_start3A_727 : memref<256xi32, #tpu.memory_space<vmem>>) target_semaphore(%arg12 : memref<!tpu.dma_semaphore, #tpu.memory_space<semaphore_mem>>)
    %add3A_729 = arith.constant 38912 : i32
    %add3A_730 = arith.addi %add3A_425, %add3A_729 : i32
    %dma_start3A_731 = arith.constant 9728 : i32
    %dma_start3A_732 = tpu.memref_slice %arg6[%dma_start3A_731] : memref<16640xi32, #tpu.memory_space<vmem>> -> memref<256xi32, #tpu.memory_space<vmem>>
    %dma_start3A_733 = tpu.memref_slice %arg3[%add3A_730] : memref<524288xi32, #tpu.memory_space<hbm>> -> memref<256xi32, #tpu.memory_space<hbm>>
    %dma_start3A_734 = arith.constant 9728 : i32
    %dma_start3A_735 = tpu.memref_slice %arg6[%dma_start3A_734] : memref<16640xi32, #tpu.memory_space<vmem>> -> memref<256xi32, #tpu.memory_space<vmem>>
    %dma_start3A_736 = tpu.memref_slice %arg3[%add3A_730] : memref<524288xi32, #tpu.memory_space<hbm>> -> memref<256xi32, #tpu.memory_space<hbm>>
    tpu.enqueue_dma source(%dma_start3A_736 : memref<256xi32, #tpu.memory_space<hbm>>) target(%dma_start3A_735 : memref<256xi32, #tpu.memory_space<vmem>>) target_semaphore(%arg12 : memref<!tpu.dma_semaphore, #tpu.memory_space<semaphore_mem>>)
    %add3A_737 = arith.constant 39936 : i32
    %add3A_738 = arith.addi %add3A_425, %add3A_737 : i32
    %dma_start3A_739 = arith.constant 9984 : i32
    %dma_start3A_740 = tpu.memref_slice %arg6[%dma_start3A_739] : memref<16640xi32, #tpu.memory_space<vmem>> -> memref<256xi32, #tpu.memory_space<vmem>>
    %dma_start3A_741 = tpu.memref_slice %arg3[%add3A_738] : memref<524288xi32, #tpu.memory_space<hbm>> -> memref<256xi32, #tpu.memory_space<hbm>>
    %dma_start3A_742 = arith.constant 9984 : i32
    %dma_start3A_743 = tpu.memref_slice %arg6[%dma_start3A_742] : memref<16640xi32, #tpu.memory_space<vmem>> -> memref<256xi32, #tpu.memory_space<vmem>>
    %dma_start3A_744 = tpu.memref_slice %arg3[%add3A_738] : memref<524288xi32, #tpu.memory_space<hbm>> -> memref<256xi32, #tpu.memory_space<hbm>>
    tpu.enqueue_dma source(%dma_start3A_744 : memref<256xi32, #tpu.memory_space<hbm>>) target(%dma_start3A_743 : memref<256xi32, #tpu.memory_space<vmem>>) target_semaphore(%arg12 : memref<!tpu.dma_semaphore, #tpu.memory_space<semaphore_mem>>)
    %add3A_745 = arith.constant 40960 : i32
    %add3A_746 = arith.addi %add3A_425, %add3A_745 : i32
    %dma_start3A_747 = arith.constant 10240 : i32
    %dma_start3A_748 = tpu.memref_slice %arg6[%dma_start3A_747] : memref<16640xi32, #tpu.memory_space<vmem>> -> memref<256xi32, #tpu.memory_space<vmem>>
    %dma_start3A_749 = tpu.memref_slice %arg3[%add3A_746] : memref<524288xi32, #tpu.memory_space<hbm>> -> memref<256xi32, #tpu.memory_space<hbm>>
    %dma_start3A_750 = arith.constant 10240 : i32
    %dma_start3A_751 = tpu.memref_slice %arg6[%dma_start3A_750] : memref<16640xi32, #tpu.memory_space<vmem>> -> memref<256xi32, #tpu.memory_space<vmem>>
    %dma_start3A_752 = tpu.memref_slice %arg3[%add3A_746] : memref<524288xi32, #tpu.memory_space<hbm>> -> memref<256xi32, #tpu.memory_space<hbm>>
    tpu.enqueue_dma source(%dma_start3A_752 : memref<256xi32, #tpu.memory_space<hbm>>) target(%dma_start3A_751 : memref<256xi32, #tpu.memory_space<vmem>>) target_semaphore(%arg12 : memref<!tpu.dma_semaphore, #tpu.memory_space<semaphore_mem>>)
    %add3A_753 = arith.constant 41984 : i32
    %add3A_754 = arith.addi %add3A_425, %add3A_753 : i32
    %dma_start3A_755 = arith.constant 10496 : i32
    %dma_start3A_756 = tpu.memref_slice %arg6[%dma_start3A_755] : memref<16640xi32, #tpu.memory_space<vmem>> -> memref<256xi32, #tpu.memory_space<vmem>>
    %dma_start3A_757 = tpu.memref_slice %arg3[%add3A_754] : memref<524288xi32, #tpu.memory_space<hbm>> -> memref<256xi32, #tpu.memory_space<hbm>>
    %dma_start3A_758 = arith.constant 10496 : i32
    %dma_start3A_759 = tpu.memref_slice %arg6[%dma_start3A_758] : memref<16640xi32, #tpu.memory_space<vmem>> -> memref<256xi32, #tpu.memory_space<vmem>>
    %dma_start3A_760 = tpu.memref_slice %arg3[%add3A_754] : memref<524288xi32, #tpu.memory_space<hbm>> -> memref<256xi32, #tpu.memory_space<hbm>>
    tpu.enqueue_dma source(%dma_start3A_760 : memref<256xi32, #tpu.memory_space<hbm>>) target(%dma_start3A_759 : memref<256xi32, #tpu.memory_space<vmem>>) target_semaphore(%arg12 : memref<!tpu.dma_semaphore, #tpu.memory_space<semaphore_mem>>)
    %add3A_761 = arith.constant 43008 : i32
    %add3A_762 = arith.addi %add3A_425, %add3A_761 : i32
    %dma_start3A_763 = arith.constant 10752 : i32
    %dma_start3A_764 = tpu.memref_slice %arg6[%dma_start3A_763] : memref<16640xi32, #tpu.memory_space<vmem>> -> memref<256xi32, #tpu.memory_space<vmem>>
    %dma_start3A_765 = tpu.memref_slice %arg3[%add3A_762] : memref<524288xi32, #tpu.memory_space<hbm>> -> memref<256xi32, #tpu.memory_space<hbm>>
    %dma_start3A_766 = arith.constant 10752 : i32
    %dma_start3A_767 = tpu.memref_slice %arg6[%dma_start3A_766] : memref<16640xi32, #tpu.memory_space<vmem>> -> memref<256xi32, #tpu.memory_space<vmem>>
    %dma_start3A_768 = tpu.memref_slice %arg3[%add3A_762] : memref<524288xi32, #tpu.memory_space<hbm>> -> memref<256xi32, #tpu.memory_space<hbm>>
    tpu.enqueue_dma source(%dma_start3A_768 : memref<256xi32, #tpu.memory_space<hbm>>) target(%dma_start3A_767 : memref<256xi32, #tpu.memory_space<vmem>>) target_semaphore(%arg12 : memref<!tpu.dma_semaphore, #tpu.memory_space<semaphore_mem>>)
    %add3A_769 = arith.constant 44032 : i32
    %add3A_770 = arith.addi %add3A_425, %add3A_769 : i32
    %dma_start3A_771 = arith.constant 11008 : i32
    %dma_start3A_772 = tpu.memref_slice %arg6[%dma_start3A_771] : memref<16640xi32, #tpu.memory_space<vmem>> -> memref<256xi32, #tpu.memory_space<vmem>>
    %dma_start3A_773 = tpu.memref_slice %arg3[%add3A_770] : memref<524288xi32, #tpu.memory_space<hbm>> -> memref<256xi32, #tpu.memory_space<hbm>>
    %dma_start3A_774 = arith.constant 11008 : i32
    %dma_start3A_775 = tpu.memref_slice %arg6[%dma_start3A_774] : memref<16640xi32, #tpu.memory_space<vmem>> -> memref<256xi32, #tpu.memory_space<vmem>>
    %dma_start3A_776 = tpu.memref_slice %arg3[%add3A_770] : memref<524288xi32, #tpu.memory_space<hbm>> -> memref<256xi32, #tpu.memory_space<hbm>>
    tpu.enqueue_dma source(%dma_start3A_776 : memref<256xi32, #tpu.memory_space<hbm>>) target(%dma_start3A_775 : memref<256xi32, #tpu.memory_space<vmem>>) target_semaphore(%arg12 : memref<!tpu.dma_semaphore, #tpu.memory_space<semaphore_mem>>)
    %add3A_777 = arith.constant 45056 : i32
    %add3A_778 = arith.addi %add3A_425, %add3A_777 : i32
    %dma_start3A_779 = arith.constant 11264 : i32
    %dma_start3A_780 = tpu.memref_slice %arg6[%dma_start3A_779] : memref<16640xi32, #tpu.memory_space<vmem>> -> memref<256xi32, #tpu.memory_space<vmem>>
    %dma_start3A_781 = tpu.memref_slice %arg3[%add3A_778] : memref<524288xi32, #tpu.memory_space<hbm>> -> memref<256xi32, #tpu.memory_space<hbm>>
    %dma_start3A_782 = arith.constant 11264 : i32
    %dma_start3A_783 = tpu.memref_slice %arg6[%dma_start3A_782] : memref<16640xi32, #tpu.memory_space<vmem>> -> memref<256xi32, #tpu.memory_space<vmem>>
    %dma_start3A_784 = tpu.memref_slice %arg3[%add3A_778] : memref<524288xi32, #tpu.memory_space<hbm>> -> memref<256xi32, #tpu.memory_space<hbm>>
    tpu.enqueue_dma source(%dma_start3A_784 : memref<256xi32, #tpu.memory_space<hbm>>) target(%dma_start3A_783 : memref<256xi32, #tpu.memory_space<vmem>>) target_semaphore(%arg12 : memref<!tpu.dma_semaphore, #tpu.memory_space<semaphore_mem>>)
    %add3A_785 = arith.constant 46080 : i32
    %add3A_786 = arith.addi %add3A_425, %add3A_785 : i32
    %dma_start3A_787 = arith.constant 11520 : i32
    %dma_start3A_788 = tpu.memref_slice %arg6[%dma_start3A_787] : memref<16640xi32, #tpu.memory_space<vmem>> -> memref<256xi32, #tpu.memory_space<vmem>>
    %dma_start3A_789 = tpu.memref_slice %arg3[%add3A_786] : memref<524288xi32, #tpu.memory_space<hbm>> -> memref<256xi32, #tpu.memory_space<hbm>>
    %dma_start3A_790 = arith.constant 11520 : i32
    %dma_start3A_791 = tpu.memref_slice %arg6[%dma_start3A_790] : memref<16640xi32, #tpu.memory_space<vmem>> -> memref<256xi32, #tpu.memory_space<vmem>>
    %dma_start3A_792 = tpu.memref_slice %arg3[%add3A_786] : memref<524288xi32, #tpu.memory_space<hbm>> -> memref<256xi32, #tpu.memory_space<hbm>>
    tpu.enqueue_dma source(%dma_start3A_792 : memref<256xi32, #tpu.memory_space<hbm>>) target(%dma_start3A_791 : memref<256xi32, #tpu.memory_space<vmem>>) target_semaphore(%arg12 : memref<!tpu.dma_semaphore, #tpu.memory_space<semaphore_mem>>)
    %add3A_793 = arith.constant 47104 : i32
    %add3A_794 = arith.addi %add3A_425, %add3A_793 : i32
    %dma_start3A_795 = arith.constant 11776 : i32
    %dma_start3A_796 = tpu.memref_slice %arg6[%dma_start3A_795] : memref<16640xi32, #tpu.memory_space<vmem>> -> memref<256xi32, #tpu.memory_space<vmem>>
    %dma_start3A_797 = tpu.memref_slice %arg3[%add3A_794] : memref<524288xi32, #tpu.memory_space<hbm>> -> memref<256xi32, #tpu.memory_space<hbm>>
    %dma_start3A_798 = arith.constant 11776 : i32
    %dma_start3A_799 = tpu.memref_slice %arg6[%dma_start3A_798] : memref<16640xi32, #tpu.memory_space<vmem>> -> memref<256xi32, #tpu.memory_space<vmem>>
    %dma_start3A_800 = tpu.memref_slice %arg3[%add3A_794] : memref<524288xi32, #tpu.memory_space<hbm>> -> memref<256xi32, #tpu.memory_space<hbm>>
    tpu.enqueue_dma source(%dma_start3A_800 : memref<256xi32, #tpu.memory_space<hbm>>) target(%dma_start3A_799 : memref<256xi32, #tpu.memory_space<vmem>>) target_semaphore(%arg12 : memref<!tpu.dma_semaphore, #tpu.memory_space<semaphore_mem>>)
    %add3A_801 = arith.constant 48128 : i32
    %add3A_802 = arith.addi %add3A_425, %add3A_801 : i32
    %dma_start3A_803 = arith.constant 12032 : i32
    %dma_start3A_804 = tpu.memref_slice %arg6[%dma_start3A_803] : memref<16640xi32, #tpu.memory_space<vmem>> -> memref<256xi32, #tpu.memory_space<vmem>>
    %dma_start3A_805 = tpu.memref_slice %arg3[%add3A_802] : memref<524288xi32, #tpu.memory_space<hbm>> -> memref<256xi32, #tpu.memory_space<hbm>>
    %dma_start3A_806 = arith.constant 12032 : i32
    %dma_start3A_807 = tpu.memref_slice %arg6[%dma_start3A_806] : memref<16640xi32, #tpu.memory_space<vmem>> -> memref<256xi32, #tpu.memory_space<vmem>>
    %dma_start3A_808 = tpu.memref_slice %arg3[%add3A_802] : memref<524288xi32, #tpu.memory_space<hbm>> -> memref<256xi32, #tpu.memory_space<hbm>>
    tpu.enqueue_dma source(%dma_start3A_808 : memref<256xi32, #tpu.memory_space<hbm>>) target(%dma_start3A_807 : memref<256xi32, #tpu.memory_space<vmem>>) target_semaphore(%arg12 : memref<!tpu.dma_semaphore, #tpu.memory_space<semaphore_mem>>)
    %add3A_809 = arith.constant 49152 : i32
    %add3A_810 = arith.addi %add3A_425, %add3A_809 : i32
    %dma_start3A_811 = arith.constant 12288 : i32
    %dma_start3A_812 = tpu.memref_slice %arg6[%dma_start3A_811] : memref<16640xi32, #tpu.memory_space<vmem>> -> memref<256xi32, #tpu.memory_space<vmem>>
    %dma_start3A_813 = tpu.memref_slice %arg3[%add3A_810] : memref<524288xi32, #tpu.memory_space<hbm>> -> memref<256xi32, #tpu.memory_space<hbm>>
    %dma_start3A_814 = arith.constant 12288 : i32
    %dma_start3A_815 = tpu.memref_slice %arg6[%dma_start3A_814] : memref<16640xi32, #tpu.memory_space<vmem>> -> memref<256xi32, #tpu.memory_space<vmem>>
    %dma_start3A_816 = tpu.memref_slice %arg3[%add3A_810] : memref<524288xi32, #tpu.memory_space<hbm>> -> memref<256xi32, #tpu.memory_space<hbm>>
    tpu.enqueue_dma source(%dma_start3A_816 : memref<256xi32, #tpu.memory_space<hbm>>) target(%dma_start3A_815 : memref<256xi32, #tpu.memory_space<vmem>>) target_semaphore(%arg12 : memref<!tpu.dma_semaphore, #tpu.memory_space<semaphore_mem>>)
    %add3A_817 = arith.constant 50176 : i32
    %add3A_818 = arith.addi %add3A_425, %add3A_817 : i32
    %dma_start3A_819 = arith.constant 12544 : i32
    %dma_start3A_820 = tpu.memref_slice %arg6[%dma_start3A_819] : memref<16640xi32, #tpu.memory_space<vmem>> -> memref<256xi32, #tpu.memory_space<vmem>>
    %dma_start3A_821 = tpu.memref_slice %arg3[%add3A_818] : memref<524288xi32, #tpu.memory_space<hbm>> -> memref<256xi32, #tpu.memory_space<hbm>>
    %dma_start3A_822 = arith.constant 12544 : i32
    %dma_start3A_823 = tpu.memref_slice %arg6[%dma_start3A_822] : memref<16640xi32, #tpu.memory_space<vmem>> -> memref<256xi32, #tpu.memory_space<vmem>>
    %dma_start3A_824 = tpu.memref_slice %arg3[%add3A_818] : memref<524288xi32, #tpu.memory_space<hbm>> -> memref<256xi32, #tpu.memory_space<hbm>>
    tpu.enqueue_dma source(%dma_start3A_824 : memref<256xi32, #tpu.memory_space<hbm>>) target(%dma_start3A_823 : memref<256xi32, #tpu.memory_space<vmem>>) target_semaphore(%arg12 : memref<!tpu.dma_semaphore, #tpu.memory_space<semaphore_mem>>)
    %add3A_825 = arith.constant 51200 : i32
    %add3A_826 = arith.addi %add3A_425, %add3A_825 : i32
    %dma_start3A_827 = arith.constant 12800 : i32
    %dma_start3A_828 = tpu.memref_slice %arg6[%dma_start3A_827] : memref<16640xi32, #tpu.memory_space<vmem>> -> memref<256xi32, #tpu.memory_space<vmem>>
    %dma_start3A_829 = tpu.memref_slice %arg3[%add3A_826] : memref<524288xi32, #tpu.memory_space<hbm>> -> memref<256xi32, #tpu.memory_space<hbm>>
    %dma_start3A_830 = arith.constant 12800 : i32
    %dma_start3A_831 = tpu.memref_slice %arg6[%dma_start3A_830] : memref<16640xi32, #tpu.memory_space<vmem>> -> memref<256xi32, #tpu.memory_space<vmem>>
    %dma_start3A_832 = tpu.memref_slice %arg3[%add3A_826] : memref<524288xi32, #tpu.memory_space<hbm>> -> memref<256xi32, #tpu.memory_space<hbm>>
    tpu.enqueue_dma source(%dma_start3A_832 : memref<256xi32, #tpu.memory_space<hbm>>) target(%dma_start3A_831 : memref<256xi32, #tpu.memory_space<vmem>>) target_semaphore(%arg12 : memref<!tpu.dma_semaphore, #tpu.memory_space<semaphore_mem>>)
    %add3A_833 = arith.constant 52224 : i32
    %add3A_834 = arith.addi %add3A_425, %add3A_833 : i32
    %dma_start3A_835 = arith.constant 13056 : i32
    %dma_start3A_836 = tpu.memref_slice %arg6[%dma_start3A_835] : memref<16640xi32, #tpu.memory_space<vmem>> -> memref<256xi32, #tpu.memory_space<vmem>>
    %dma_start3A_837 = tpu.memref_slice %arg3[%add3A_834] : memref<524288xi32, #tpu.memory_space<hbm>> -> memref<256xi32, #tpu.memory_space<hbm>>
    %dma_start3A_838 = arith.constant 13056 : i32
    %dma_start3A_839 = tpu.memref_slice %arg6[%dma_start3A_838] : memref<16640xi32, #tpu.memory_space<vmem>> -> memref<256xi32, #tpu.memory_space<vmem>>
    %dma_start3A_840 = tpu.memref_slice %arg3[%add3A_834] : memref<524288xi32, #tpu.memory_space<hbm>> -> memref<256xi32, #tpu.memory_space<hbm>>
    tpu.enqueue_dma source(%dma_start3A_840 : memref<256xi32, #tpu.memory_space<hbm>>) target(%dma_start3A_839 : memref<256xi32, #tpu.memory_space<vmem>>) target_semaphore(%arg12 : memref<!tpu.dma_semaphore, #tpu.memory_space<semaphore_mem>>)
    %add3A_841 = arith.constant 53248 : i32
    %add3A_842 = arith.addi %add3A_425, %add3A_841 : i32
    %dma_start3A_843 = arith.constant 13312 : i32
    %dma_start3A_844 = tpu.memref_slice %arg6[%dma_start3A_843] : memref<16640xi32, #tpu.memory_space<vmem>> -> memref<256xi32, #tpu.memory_space<vmem>>
    %dma_start3A_845 = tpu.memref_slice %arg3[%add3A_842] : memref<524288xi32, #tpu.memory_space<hbm>> -> memref<256xi32, #tpu.memory_space<hbm>>
    %dma_start3A_846 = arith.constant 13312 : i32
    %dma_start3A_847 = tpu.memref_slice %arg6[%dma_start3A_846] : memref<16640xi32, #tpu.memory_space<vmem>> -> memref<256xi32, #tpu.memory_space<vmem>>
    %dma_start3A_848 = tpu.memref_slice %arg3[%add3A_842] : memref<524288xi32, #tpu.memory_space<hbm>> -> memref<256xi32, #tpu.memory_space<hbm>>
    tpu.enqueue_dma source(%dma_start3A_848 : memref<256xi32, #tpu.memory_space<hbm>>) target(%dma_start3A_847 : memref<256xi32, #tpu.memory_space<vmem>>) target_semaphore(%arg12 : memref<!tpu.dma_semaphore, #tpu.memory_space<semaphore_mem>>)
    %add3A_849 = arith.constant 54272 : i32
    %add3A_850 = arith.addi %add3A_425, %add3A_849 : i32
    %dma_start3A_851 = arith.constant 13568 : i32
    %dma_start3A_852 = tpu.memref_slice %arg6[%dma_start3A_851] : memref<16640xi32, #tpu.memory_space<vmem>> -> memref<256xi32, #tpu.memory_space<vmem>>
    %dma_start3A_853 = tpu.memref_slice %arg3[%add3A_850] : memref<524288xi32, #tpu.memory_space<hbm>> -> memref<256xi32, #tpu.memory_space<hbm>>
    %dma_start3A_854 = arith.constant 13568 : i32
    %dma_start3A_855 = tpu.memref_slice %arg6[%dma_start3A_854] : memref<16640xi32, #tpu.memory_space<vmem>> -> memref<256xi32, #tpu.memory_space<vmem>>
    %dma_start3A_856 = tpu.memref_slice %arg3[%add3A_850] : memref<524288xi32, #tpu.memory_space<hbm>> -> memref<256xi32, #tpu.memory_space<hbm>>
    tpu.enqueue_dma source(%dma_start3A_856 : memref<256xi32, #tpu.memory_space<hbm>>) target(%dma_start3A_855 : memref<256xi32, #tpu.memory_space<vmem>>) target_semaphore(%arg12 : memref<!tpu.dma_semaphore, #tpu.memory_space<semaphore_mem>>)
    %add3A_857 = arith.constant 55296 : i32
    %add3A_858 = arith.addi %add3A_425, %add3A_857 : i32
    %dma_start3A_859 = arith.constant 13824 : i32
    %dma_start3A_860 = tpu.memref_slice %arg6[%dma_start3A_859] : memref<16640xi32, #tpu.memory_space<vmem>> -> memref<256xi32, #tpu.memory_space<vmem>>
    %dma_start3A_861 = tpu.memref_slice %arg3[%add3A_858] : memref<524288xi32, #tpu.memory_space<hbm>> -> memref<256xi32, #tpu.memory_space<hbm>>
    %dma_start3A_862 = arith.constant 13824 : i32
    %dma_start3A_863 = tpu.memref_slice %arg6[%dma_start3A_862] : memref<16640xi32, #tpu.memory_space<vmem>> -> memref<256xi32, #tpu.memory_space<vmem>>
    %dma_start3A_864 = tpu.memref_slice %arg3[%add3A_858] : memref<524288xi32, #tpu.memory_space<hbm>> -> memref<256xi32, #tpu.memory_space<hbm>>
    tpu.enqueue_dma source(%dma_start3A_864 : memref<256xi32, #tpu.memory_space<hbm>>) target(%dma_start3A_863 : memref<256xi32, #tpu.memory_space<vmem>>) target_semaphore(%arg12 : memref<!tpu.dma_semaphore, #tpu.memory_space<semaphore_mem>>)
    %add3A_865 = arith.constant 56320 : i32
    %add3A_866 = arith.addi %add3A_425, %add3A_865 : i32
    %dma_start3A_867 = arith.constant 14080 : i32
    %dma_start3A_868 = tpu.memref_slice %arg6[%dma_start3A_867] : memref<16640xi32, #tpu.memory_space<vmem>> -> memref<256xi32, #tpu.memory_space<vmem>>
    %dma_start3A_869 = tpu.memref_slice %arg3[%add3A_866] : memref<524288xi32, #tpu.memory_space<hbm>> -> memref<256xi32, #tpu.memory_space<hbm>>
    %dma_start3A_870 = arith.constant 14080 : i32
    %dma_start3A_871 = tpu.memref_slice %arg6[%dma_start3A_870] : memref<16640xi32, #tpu.memory_space<vmem>> -> memref<256xi32, #tpu.memory_space<vmem>>
    %dma_start3A_872 = tpu.memref_slice %arg3[%add3A_866] : memref<524288xi32, #tpu.memory_space<hbm>> -> memref<256xi32, #tpu.memory_space<hbm>>
    tpu.enqueue_dma source(%dma_start3A_872 : memref<256xi32, #tpu.memory_space<hbm>>) target(%dma_start3A_871 : memref<256xi32, #tpu.memory_space<vmem>>) target_semaphore(%arg12 : memref<!tpu.dma_semaphore, #tpu.memory_space<semaphore_mem>>)
    %add3A_873 = arith.constant 57344 : i32
    %add3A_874 = arith.addi %add3A_425, %add3A_873 : i32
    %dma_start3A_875 = arith.constant 14336 : i32
    %dma_start3A_876 = tpu.memref_slice %arg6[%dma_start3A_875] : memref<16640xi32, #tpu.memory_space<vmem>> -> memref<256xi32, #tpu.memory_space<vmem>>
    %dma_start3A_877 = tpu.memref_slice %arg3[%add3A_874] : memref<524288xi32, #tpu.memory_space<hbm>> -> memref<256xi32, #tpu.memory_space<hbm>>
    %dma_start3A_878 = arith.constant 14336 : i32
    %dma_start3A_879 = tpu.memref_slice %arg6[%dma_start3A_878] : memref<16640xi32, #tpu.memory_space<vmem>> -> memref<256xi32, #tpu.memory_space<vmem>>
    %dma_start3A_880 = tpu.memref_slice %arg3[%add3A_874] : memref<524288xi32, #tpu.memory_space<hbm>> -> memref<256xi32, #tpu.memory_space<hbm>>
    tpu.enqueue_dma source(%dma_start3A_880 : memref<256xi32, #tpu.memory_space<hbm>>) target(%dma_start3A_879 : memref<256xi32, #tpu.memory_space<vmem>>) target_semaphore(%arg12 : memref<!tpu.dma_semaphore, #tpu.memory_space<semaphore_mem>>)
    %add3A_881 = arith.constant 58368 : i32
    %add3A_882 = arith.addi %add3A_425, %add3A_881 : i32
    %dma_start3A_883 = arith.constant 14592 : i32
    %dma_start3A_884 = tpu.memref_slice %arg6[%dma_start3A_883] : memref<16640xi32, #tpu.memory_space<vmem>> -> memref<256xi32, #tpu.memory_space<vmem>>
    %dma_start3A_885 = tpu.memref_slice %arg3[%add3A_882] : memref<524288xi32, #tpu.memory_space<hbm>> -> memref<256xi32, #tpu.memory_space<hbm>>
    %dma_start3A_886 = arith.constant 14592 : i32
    %dma_start3A_887 = tpu.memref_slice %arg6[%dma_start3A_886] : memref<16640xi32, #tpu.memory_space<vmem>> -> memref<256xi32, #tpu.memory_space<vmem>>
    %dma_start3A_888 = tpu.memref_slice %arg3[%add3A_882] : memref<524288xi32, #tpu.memory_space<hbm>> -> memref<256xi32, #tpu.memory_space<hbm>>
    tpu.enqueue_dma source(%dma_start3A_888 : memref<256xi32, #tpu.memory_space<hbm>>) target(%dma_start3A_887 : memref<256xi32, #tpu.memory_space<vmem>>) target_semaphore(%arg12 : memref<!tpu.dma_semaphore, #tpu.memory_space<semaphore_mem>>)
    %add3A_889 = arith.constant 59392 : i32
    %add3A_890 = arith.addi %add3A_425, %add3A_889 : i32
    %dma_start3A_891 = arith.constant 14848 : i32
    %dma_start3A_892 = tpu.memref_slice %arg6[%dma_start3A_891] : memref<16640xi32, #tpu.memory_space<vmem>> -> memref<256xi32, #tpu.memory_space<vmem>>
    %dma_start3A_893 = tpu.memref_slice %arg3[%add3A_890] : memref<524288xi32, #tpu.memory_space<hbm>> -> memref<256xi32, #tpu.memory_space<hbm>>
    %dma_start3A_894 = arith.constant 14848 : i32
    %dma_start3A_895 = tpu.memref_slice %arg6[%dma_start3A_894] : memref<16640xi32, #tpu.memory_space<vmem>> -> memref<256xi32, #tpu.memory_space<vmem>>
    %dma_start3A_896 = tpu.memref_slice %arg3[%add3A_890] : memref<524288xi32, #tpu.memory_space<hbm>> -> memref<256xi32, #tpu.memory_space<hbm>>
    tpu.enqueue_dma source(%dma_start3A_896 : memref<256xi32, #tpu.memory_space<hbm>>) target(%dma_start3A_895 : memref<256xi32, #tpu.memory_space<vmem>>) target_semaphore(%arg12 : memref<!tpu.dma_semaphore, #tpu.memory_space<semaphore_mem>>)
    %add3A_897 = arith.constant 60416 : i32
    %add3A_898 = arith.addi %add3A_425, %add3A_897 : i32
    %dma_start3A_899 = arith.constant 15104 : i32
    %dma_start3A_900 = tpu.memref_slice %arg6[%dma_start3A_899] : memref<16640xi32, #tpu.memory_space<vmem>> -> memref<256xi32, #tpu.memory_space<vmem>>
    %dma_start3A_901 = tpu.memref_slice %arg3[%add3A_898] : memref<524288xi32, #tpu.memory_space<hbm>> -> memref<256xi32, #tpu.memory_space<hbm>>
    %dma_start3A_902 = arith.constant 15104 : i32
    %dma_start3A_903 = tpu.memref_slice %arg6[%dma_start3A_902] : memref<16640xi32, #tpu.memory_space<vmem>> -> memref<256xi32, #tpu.memory_space<vmem>>
    %dma_start3A_904 = tpu.memref_slice %arg3[%add3A_898] : memref<524288xi32, #tpu.memory_space<hbm>> -> memref<256xi32, #tpu.memory_space<hbm>>
    tpu.enqueue_dma source(%dma_start3A_904 : memref<256xi32, #tpu.memory_space<hbm>>) target(%dma_start3A_903 : memref<256xi32, #tpu.memory_space<vmem>>) target_semaphore(%arg12 : memref<!tpu.dma_semaphore, #tpu.memory_space<semaphore_mem>>)
    %add3A_905 = arith.constant 61440 : i32
    %add3A_906 = arith.addi %add3A_425, %add3A_905 : i32
    %dma_start3A_907 = arith.constant 15360 : i32
    %dma_start3A_908 = tpu.memref_slice %arg6[%dma_start3A_907] : memref<16640xi32, #tpu.memory_space<vmem>> -> memref<256xi32, #tpu.memory_space<vmem>>
    %dma_start3A_909 = tpu.memref_slice %arg3[%add3A_906] : memref<524288xi32, #tpu.memory_space<hbm>> -> memref<256xi32, #tpu.memory_space<hbm>>
    %dma_start3A_910 = arith.constant 15360 : i32
    %dma_start3A_911 = tpu.memref_slice %arg6[%dma_start3A_910] : memref<16640xi32, #tpu.memory_space<vmem>> -> memref<256xi32, #tpu.memory_space<vmem>>
    %dma_start3A_912 = tpu.memref_slice %arg3[%add3A_906] : memref<524288xi32, #tpu.memory_space<hbm>> -> memref<256xi32, #tpu.memory_space<hbm>>
    tpu.enqueue_dma source(%dma_start3A_912 : memref<256xi32, #tpu.memory_space<hbm>>) target(%dma_start3A_911 : memref<256xi32, #tpu.memory_space<vmem>>) target_semaphore(%arg12 : memref<!tpu.dma_semaphore, #tpu.memory_space<semaphore_mem>>)
    %add3A_913 = arith.constant 62464 : i32
    %add3A_914 = arith.addi %add3A_425, %add3A_913 : i32
    %dma_start3A_915 = arith.constant 15616 : i32
    %dma_start3A_916 = tpu.memref_slice %arg6[%dma_start3A_915] : memref<16640xi32, #tpu.memory_space<vmem>> -> memref<256xi32, #tpu.memory_space<vmem>>
    %dma_start3A_917 = tpu.memref_slice %arg3[%add3A_914] : memref<524288xi32, #tpu.memory_space<hbm>> -> memref<256xi32, #tpu.memory_space<hbm>>
    %dma_start3A_918 = arith.constant 15616 : i32
    %dma_start3A_919 = tpu.memref_slice %arg6[%dma_start3A_918] : memref<16640xi32, #tpu.memory_space<vmem>> -> memref<256xi32, #tpu.memory_space<vmem>>
    %dma_start3A_920 = tpu.memref_slice %arg3[%add3A_914] : memref<524288xi32, #tpu.memory_space<hbm>> -> memref<256xi32, #tpu.memory_space<hbm>>
    tpu.enqueue_dma source(%dma_start3A_920 : memref<256xi32, #tpu.memory_space<hbm>>) target(%dma_start3A_919 : memref<256xi32, #tpu.memory_space<vmem>>) target_semaphore(%arg12 : memref<!tpu.dma_semaphore, #tpu.memory_space<semaphore_mem>>)
    %add3A_921 = arith.constant 63488 : i32
    %add3A_922 = arith.addi %add3A_425, %add3A_921 : i32
    %dma_start3A_923 = arith.constant 15872 : i32
    %dma_start3A_924 = tpu.memref_slice %arg6[%dma_start3A_923] : memref<16640xi32, #tpu.memory_space<vmem>> -> memref<256xi32, #tpu.memory_space<vmem>>
    %dma_start3A_925 = tpu.memref_slice %arg3[%add3A_922] : memref<524288xi32, #tpu.memory_space<hbm>> -> memref<256xi32, #tpu.memory_space<hbm>>
    %dma_start3A_926 = arith.constant 15872 : i32
    %dma_start3A_927 = tpu.memref_slice %arg6[%dma_start3A_926] : memref<16640xi32, #tpu.memory_space<vmem>> -> memref<256xi32, #tpu.memory_space<vmem>>
    %dma_start3A_928 = tpu.memref_slice %arg3[%add3A_922] : memref<524288xi32, #tpu.memory_space<hbm>> -> memref<256xi32, #tpu.memory_space<hbm>>
    tpu.enqueue_dma source(%dma_start3A_928 : memref<256xi32, #tpu.memory_space<hbm>>) target(%dma_start3A_927 : memref<256xi32, #tpu.memory_space<vmem>>) target_semaphore(%arg12 : memref<!tpu.dma_semaphore, #tpu.memory_space<semaphore_mem>>)
    %add3A_929 = arith.constant 64512 : i32
    %add3A_930 = arith.addi %add3A_425, %add3A_929 : i32
    %dma_start3A_931 = arith.constant 16128 : i32
    %dma_start3A_932 = tpu.memref_slice %arg6[%dma_start3A_931] : memref<16640xi32, #tpu.memory_space<vmem>> -> memref<256xi32, #tpu.memory_space<vmem>>
    %dma_start3A_933 = tpu.memref_slice %arg3[%add3A_930] : memref<524288xi32, #tpu.memory_space<hbm>> -> memref<256xi32, #tpu.memory_space<hbm>>
    %dma_start3A_934 = arith.constant 16128 : i32
    %dma_start3A_935 = tpu.memref_slice %arg6[%dma_start3A_934] : memref<16640xi32, #tpu.memory_space<vmem>> -> memref<256xi32, #tpu.memory_space<vmem>>
    %dma_start3A_936 = tpu.memref_slice %arg3[%add3A_930] : memref<524288xi32, #tpu.memory_space<hbm>> -> memref<256xi32, #tpu.memory_space<hbm>>
    tpu.enqueue_dma source(%dma_start3A_936 : memref<256xi32, #tpu.memory_space<hbm>>) target(%dma_start3A_935 : memref<256xi32, #tpu.memory_space<vmem>>) target_semaphore(%arg12 : memref<!tpu.dma_semaphore, #tpu.memory_space<semaphore_mem>>)
    %broadcast_in_dim3A_937 = arith.constant 18 : i32
    %broadcast_in_dim3A_938 = vector.broadcast %broadcast_in_dim3A_937 : i32 to vector<16xi32>
    %swap3A_939 = arith.constant 16384 : index
    %swap3A_940 = tpu.vector_load %arg6[%swap3A_939] {strides = array<i32>} : memref<16640xi32, #tpu.memory_space<vmem>>, vector<16xi32>,
    tpu.vector_store %arg6[%swap3A_939], %broadcast_in_dim3A_938 {strides = array<i32>} : memref<16640xi32, #tpu.memory_space<vmem>>, vector<16xi32>,
    %broadcast_in_dim3A_941 = arith.constant 18 : i32
    %broadcast_in_dim3A_942 = vector.broadcast %broadcast_in_dim3A_941 : i32 to vector<16xi32>
    %swap3A_943 = arith.constant 16512 : index
    %swap3A_944 = tpu.vector_load %arg6[%swap3A_943] {strides = array<i32>} : memref<16640xi32, #tpu.memory_space<vmem>>, vector<16xi32>,
    tpu.vector_store %arg6[%swap3A_943], %broadcast_in_dim3A_942 {strides = array<i32>} : memref<16640xi32, #tpu.memory_space<vmem>>, vector<16xi32>,
    %dma_wait3A = arith.constant 0 : i32
    %dma_wait3A_945 = tpu.memref_slice %arg6[%dma_wait3A] : memref<16640xi32, #tpu.memory_space<vmem>> -> memref<16384xi32, #tpu.memory_space<vmem>>
    %dma_wait3A_946 = arith.constant 0 : i32
    %dma_wait3A_947 = tpu.memref_slice %arg3[%dma_wait3A_946] : memref<524288xi32, #tpu.memory_space<hbm>> -> memref<16384xi32, #tpu.memory_space<hbm>>
    %dma_wait3A_948 = arith.constant 0 : i32
    %dma_wait3A_949 = tpu.memref_slice %arg6[%dma_wait3A_948] : memref<16640xi32, #tpu.memory_space<vmem>> -> memref<16384xi32, #tpu.memory_space<vmem>>
    %dma_wait3A_950 = arith.constant 0 : i32
    %dma_wait3A_951 = tpu.memref_slice %arg3[%dma_wait3A_950] : memref<524288xi32, #tpu.memory_space<hbm>> -> memref<16384xi32, #tpu.memory_space<hbm>>
    tpu.wait_dma2 semaphore(%arg12 : memref<!tpu.dma_semaphore, #tpu.memory_space<semaphore_mem>>) src(%dma_wait3A_951 : memref<16384xi32, #tpu.memory_space<hbm>>) dst(%dma_wait3A_949 : memref<16384xi32, #tpu.memory_space<vmem>>)
    %broadcast_in_dim3A_952 = arith.constant 0.000000e+00 : f32
    %broadcast_in_dim3A_953 = vector.broadcast %broadcast_in_dim3A_952 : f32 to vector<16xf32>
    %broadcast_in_dim3A_954 = arith.constant 0.000000e+00 : f32
    %broadcast_in_dim3A_955 = vector.broadcast %broadcast_in_dim3A_954 : f32 to vector<16xf32>
    %mul3A_956 = arith.constant 65536 : i32
    %mul3A_957 = arith.muli %select_n3A, %mul3A_956 : i32
    %add3A_958 = arith.constant 0 : i32
    %add3A_959 = arith.addi %select_n3A_32, %add3A_958 : i32
    %mul3A_960 = arith.constant 128 : i32
    %mul3A_961 = arith.muli %add3A_959, %mul3A_960 : i32
    %add3A_962 = arith.addi %mul3A_957, %mul3A_961 : i32
    %scan3A = arith.constant 0 : i32
    %scan3A_963 = arith.constant 32 : i32
    %scan3A_964 = arith.addi %scan3A, %scan3A_963 : i32
    %scan3A_965 = arith.constant 1 : i32
    %scan3A_966:2 = scf.for %scan3A_1038 = %scan3A to %scan3A_964 step %scan3A_965 iter_args(%scan3A_1039 = %broadcast_in_dim3A_953, %scan3A_1040 = %broadcast_in_dim3A_955) -> (vector<16xf32>, vector<16xf32>)  : i32 {
      %mul3A_1041 = arith.constant 256 : i32
      %mul3A_1042 = arith.muli %scan3A_1038, %mul3A_1041 : i32
      %add3A_1043 = arith.constant 0 : i32
      %add3A_1044 = arith.addi %mul3A_1042, %add3A_1043 : i32
      %add3A_1045 = arith.constant 0 : i32
      %add3A_1046 = arith.addi %add3A_1044, %add3A_1045 : i32
      %get3A_1047 = arith.index_cast %add3A_1046 : i32 to index
      %get3A_1048 = tpu.vector_load %arg6[%get3A_1047] {strides = array<i32>} : memref<16640xi32, #tpu.memory_space<vmem>>, vector<16xi32>,
      %add3A_1049 = arith.constant 0 : i32
      %add3A_1050 = arith.addi %add3A_1044, %add3A_1049 : i32
      %add3A_1051 = arith.constant 1 : i32
      %add3A_1052 = arith.addi %add3A_1050, %add3A_1051 : i32
      %get3A_1053 = arith.index_cast %add3A_1052 : i32 to index
      %get3A_1054 = tpu.vector_load %arg6[%get3A_1053] {strides = array<i32>} : memref<16640xi32, #tpu.memory_space<vmem>>, vector<16xi32>,
      %mul3A_1055 = arith.constant 17 : i32
      %mul3A_1056 = vector.broadcast %mul3A_1055 : i32 to vector<16xi32>
      %mul3A_1057 = arith.muli %get3A_1048, %mul3A_1056 : vector<16xi32>
      %add3A_1058 = arith.addi %mul3A_1057, %get3A_1054 : vector<16xi32>
      %gather3A_1059 = tpu.vector_load_idx %arg9[%add3A_1058] : memref<384xf32, #tpu.memory_space<vmem>>[vector<16xi32>], vector<16xf32>,
      %mul3A_1060 = arith.constant 524288 : i32
      %mul3A_1061 = vector.broadcast %mul3A_1060 : i32 to vector<16xi32>
      %mul3A_1062 = arith.muli %get3A_1048, %mul3A_1061 : vector<16xi32>
      %mul3A_1063 = arith.constant 1024 : i32
      %mul3A_1064 = arith.muli %scan3A_1038, %mul3A_1063 : i32
      %add3A_1065 = arith.addi %add3A_962, %mul3A_1064 : i32
      %add3A_1066 = arith.constant 0 : i32
      %add3A_1067 = arith.addi %add3A_1065, %add3A_1066 : i32
      %add3A_1068 = vector.broadcast %add3A_1067 : i32 to vector<16xi32>
      %add3A_1069 = arith.addi %add3A_1068, %iota3A : vector<16xi32>
      %add3A_1070 = arith.addi %mul3A_1062, %add3A_1069 : vector<16xi32>
      %add3A_1071 = arith.constant 0 : i32
      %add3A_1072 = arith.addi %add3A_1071, %scan3A_1038 : i32
      %swap3A_1073 = arith.index_cast %add3A_1072 : i32 to index
      %swap3A_1074 = arith.constant 0 : index
      %swap3A_1075 = tpu.vector_load %arg7[%swap3A_1073, %swap3A_1074] {strides = array<i32>} : memref<64x128xi32, #tpu.memory_space<vmem>>, vector<16xi32>,
      tpu.vector_store %arg7[%swap3A_1073, %swap3A_1074], %add3A_1070 {strides = array<i32>} : memref<64x128xi32, #tpu.memory_space<vmem>>, vector<16xi32>,
      %add3A_1076 = arith.addf %scan3A_1039, %gather3A_1059 : vector<16xf32>
      %add3A_1077 = arith.constant 16 : i32
      %add3A_1078 = arith.addi %add3A_1044, %add3A_1077 : i32
      %get3A_1079 = arith.index_cast %add3A_1078 : i32 to index
      %get3A_1080 = tpu.vector_load %arg6[%get3A_1079] {strides = array<i32>} : memref<16640xi32, #tpu.memory_space<vmem>>, vector<16xi32>,
      %add3A_1081 = arith.constant 16 : i32
      %add3A_1082 = arith.addi %add3A_1044, %add3A_1081 : i32
      %add3A_1083 = arith.constant 1 : i32
      %add3A_1084 = arith.addi %add3A_1082, %add3A_1083 : i32
      %get3A_1085 = arith.index_cast %add3A_1084 : i32 to index
      %get3A_1086 = tpu.vector_load %arg6[%get3A_1085] {strides = array<i32>} : memref<16640xi32, #tpu.memory_space<vmem>>, vector<16xi32>,
      %mul3A_1087 = arith.constant 17 : i32
      %mul3A_1088 = vector.broadcast %mul3A_1087 : i32 to vector<16xi32>
      %mul3A_1089 = arith.muli %get3A_1080, %mul3A_1088 : vector<16xi32>
      %add3A_1090 = arith.addi %mul3A_1089, %get3A_1086 : vector<16xi32>
      %gather3A_1091 = tpu.vector_load_idx %arg9[%add3A_1090] : memref<384xf32, #tpu.memory_space<vmem>>[vector<16xi32>], vector<16xf32>,
      %mul3A_1092 = arith.constant 524288 : i32
      %mul3A_1093 = vector.broadcast %mul3A_1092 : i32 to vector<16xi32>
      %mul3A_1094 = arith.muli %get3A_1080, %mul3A_1093 : vector<16xi32>
      %mul3A_1095 = arith.constant 1024 : i32
      %mul3A_1096 = arith.muli %scan3A_1038, %mul3A_1095 : i32
      %add3A_1097 = arith.addi %add3A_962, %mul3A_1096 : i32
      %add3A_1098 = arith.constant 16 : i32
      %add3A_1099 = arith.addi %add3A_1097, %add3A_1098 : i32
      %add3A_1100 = vector.broadcast %add3A_1099 : i32 to vector<16xi32>
      %add3A_1101 = arith.addi %add3A_1100, %iota3A : vector<16xi32>
      %add3A_1102 = arith.addi %mul3A_1094, %add3A_1101 : vector<16xi32>
      %add3A_1103 = arith.constant 0 : i32
      %add3A_1104 = arith.addi %add3A_1103, %scan3A_1038 : i32
      %swap3A_1105 = arith.index_cast %add3A_1104 : i32 to index
      %swap3A_1106 = arith.constant 16 : index
      %swap3A_1107 = tpu.vector_load %arg7[%swap3A_1105, %swap3A_1106] {strides = array<i32>} : memref<64x128xi32, #tpu.memory_space<vmem>>, vector<16xi32>,
      tpu.vector_store %arg7[%swap3A_1105, %swap3A_1106], %add3A_1102 {strides = array<i32>} : memref<64x128xi32, #tpu.memory_space<vmem>>, vector<16xi32>,
      %add3A_1108 = arith.addf %scan3A_1040, %gather3A_1091 : vector<16xf32>
      %add3A_1109 = arith.constant 32 : i32
      %add3A_1110 = arith.addi %add3A_1044, %add3A_1109 : i32
      %get3A_1111 = arith.index_cast %add3A_1110 : i32 to index
      %get3A_1112 = tpu.vector_load %arg6[%get3A_1111] {strides = array<i32>} : memref<16640xi32, #tpu.memory_space<vmem>>, vector<16xi32>,
      %add3A_1113 = arith.constant 32 : i32
      %add3A_1114 = arith.addi %add3A_1044, %add3A_1113 : i32
      %add3A_1115 = arith.constant 1 : i32
      %add3A_1116 = arith.addi %add3A_1114, %add3A_1115 : i32
      %get3A_1117 = arith.index_cast %add3A_1116 : i32 to index
      %get3A_1118 = tpu.vector_load %arg6[%get3A_1117] {strides = array<i32>} : memref<16640xi32, #tpu.memory_space<vmem>>, vector<16xi32>,
      %mul3A_1119 = arith.constant 17 : i32
      %mul3A_1120 = vector.broadcast %mul3A_1119 : i32 to vector<16xi32>
      %mul3A_1121 = arith.muli %get3A_1112, %mul3A_1120 : vector<16xi32>
      %add3A_1122 = arith.addi %mul3A_1121, %get3A_1118 : vector<16xi32>
      %gather3A_1123 = tpu.vector_load_idx %arg9[%add3A_1122] : memref<384xf32, #tpu.memory_space<vmem>>[vector<16xi32>], vector<16xf32>,
      %mul3A_1124 = arith.constant 524288 : i32
      %mul3A_1125 = vector.broadcast %mul3A_1124 : i32 to vector<16xi32>
      %mul3A_1126 = arith.muli %get3A_1112, %mul3A_1125 : vector<16xi32>
      %mul3A_1127 = arith.constant 1024 : i32
      %mul3A_1128 = arith.muli %scan3A_1038, %mul3A_1127 : i32
      %add3A_1129 = arith.addi %add3A_962, %mul3A_1128 : i32
      %add3A_1130 = arith.constant 32 : i32
      %add3A_1131 = arith.addi %add3A_1129, %add3A_1130 : i32
      %add3A_1132 = vector.broadcast %add3A_1131 : i32 to vector<16xi32>
      %add3A_1133 = arith.addi %add3A_1132, %iota3A : vector<16xi32>
      %add3A_1134 = arith.addi %mul3A_1126, %add3A_1133 : vector<16xi32>
      %add3A_1135 = arith.constant 0 : i32
      %add3A_1136 = arith.addi %add3A_1135, %scan3A_1038 : i32
      %swap3A_1137 = arith.index_cast %add3A_1136 : i32 to index
      %swap3A_1138 = arith.constant 32 : index
      %swap3A_1139 = tpu.vector_load %arg7[%swap3A_1137, %swap3A_1138] {strides = array<i32>} : memref<64x128xi32, #tpu.memory_space<vmem>>, vector<16xi32>,
      tpu.vector_store %arg7[%swap3A_1137, %swap3A_1138], %add3A_1134 {strides = array<i32>} : memref<64x128xi32, #tpu.memory_space<vmem>>, vector<16xi32>,
      %add3A_1140 = arith.addf %add3A_1076, %gather3A_1123 : vector<16xf32>
      %add3A_1141 = arith.constant 48 : i32
      %add3A_1142 = arith.addi %add3A_1044, %add3A_1141 : i32
      %get3A_1143 = arith.index_cast %add3A_1142 : i32 to index
      %get3A_1144 = tpu.vector_load %arg6[%get3A_1143] {strides = array<i32>} : memref<16640xi32, #tpu.memory_space<vmem>>, vector<16xi32>,
      %add3A_1145 = arith.constant 48 : i32
      %add3A_1146 = arith.addi %add3A_1044, %add3A_1145 : i32
      %add3A_1147 = arith.constant 1 : i32
      %add3A_1148 = arith.addi %add3A_1146, %add3A_1147 : i32
      %get3A_1149 = arith.index_cast %add3A_1148 : i32 to index
      %get3A_1150 = tpu.vector_load %arg6[%get3A_1149] {strides = array<i32>} : memref<16640xi32, #tpu.memory_space<vmem>>, vector<16xi32>,
      %mul3A_1151 = arith.constant 17 : i32
      %mul3A_1152 = vector.broadcast %mul3A_1151 : i32 to vector<16xi32>
      %mul3A_1153 = arith.muli %get3A_1144, %mul3A_1152 : vector<16xi32>
      %add3A_1154 = arith.addi %mul3A_1153, %get3A_1150 : vector<16xi32>
      %gather3A_1155 = tpu.vector_load_idx %arg9[%add3A_1154] : memref<384xf32, #tpu.memory_space<vmem>>[vector<16xi32>], vector<16xf32>,
      %mul3A_1156 = arith.constant 524288 : i32
      %mul3A_1157 = vector.broadcast %mul3A_1156 : i32 to vector<16xi32>
      %mul3A_1158 = arith.muli %get3A_1144, %mul3A_1157 : vector<16xi32>
      %mul3A_1159 = arith.constant 1024 : i32
      %mul3A_1160 = arith.muli %scan3A_1038, %mul3A_1159 : i32
      %add3A_1161 = arith.addi %add3A_962, %mul3A_1160 : i32
      %add3A_1162 = arith.constant 48 : i32
      %add3A_1163 = arith.addi %add3A_1161, %add3A_1162 : i32
      %add3A_1164 = vector.broadcast %add3A_1163 : i32 to vector<16xi32>
      %add3A_1165 = arith.addi %add3A_1164, %iota3A : vector<16xi32>
      %add3A_1166 = arith.addi %mul3A_1158, %add3A_1165 : vector<16xi32>
      %add3A_1167 = arith.constant 0 : i32
      %add3A_1168 = arith.addi %add3A_1167, %scan3A_1038 : i32
      %swap3A_1169 = arith.index_cast %add3A_1168 : i32 to index
      %swap3A_1170 = arith.constant 48 : index
      %swap3A_1171 = tpu.vector_load %arg7[%swap3A_1169, %swap3A_1170] {strides = array<i32>} : memref<64x128xi32, #tpu.memory_space<vmem>>, vector<16xi32>,
      tpu.vector_store %arg7[%swap3A_1169, %swap3A_1170], %add3A_1166 {strides = array<i32>} : memref<64x128xi32, #tpu.memory_space<vmem>>, vector<16xi32>,
      %add3A_1172 = arith.addf %add3A_1108, %gather3A_1155 : vector<16xf32>
      %add3A_1173 = arith.constant 64 : i32
      %add3A_1174 = arith.addi %add3A_1044, %add3A_1173 : i32
      %get3A_1175 = arith.index_cast %add3A_1174 : i32 to index
      %get3A_1176 = tpu.vector_load %arg6[%get3A_1175] {strides = array<i32>} : memref<16640xi32, #tpu.memory_space<vmem>>, vector<16xi32>,
      %add3A_1177 = arith.constant 64 : i32
      %add3A_1178 = arith.addi %add3A_1044, %add3A_1177 : i32
      %add3A_1179 = arith.constant 1 : i32
      %add3A_1180 = arith.addi %add3A_1178, %add3A_1179 : i32
      %get3A_1181 = arith.index_cast %add3A_1180 : i32 to index
      %get3A_1182 = tpu.vector_load %arg6[%get3A_1181] {strides = array<i32>} : memref<16640xi32, #tpu.memory_space<vmem>>, vector<16xi32>,
      %mul3A_1183 = arith.constant 17 : i32
      %mul3A_1184 = vector.broadcast %mul3A_1183 : i32 to vector<16xi32>
      %mul3A_1185 = arith.muli %get3A_1176, %mul3A_1184 : vector<16xi32>
      %add3A_1186 = arith.addi %mul3A_1185, %get3A_1182 : vector<16xi32>
      %gather3A_1187 = tpu.vector_load_idx %arg9[%add3A_1186] : memref<384xf32, #tpu.memory_space<vmem>>[vector<16xi32>], vector<16xf32>,
      %mul3A_1188 = arith.constant 524288 : i32
      %mul3A_1189 = vector.broadcast %mul3A_1188 : i32 to vector<16xi32>
      %mul3A_1190 = arith.muli %get3A_1176, %mul3A_1189 : vector<16xi32>
      %mul3A_1191 = arith.constant 1024 : i32
      %mul3A_1192 = arith.muli %scan3A_1038, %mul3A_1191 : i32
      %add3A_1193 = arith.addi %add3A_962, %mul3A_1192 : i32
      %add3A_1194 = arith.constant 64 : i32
      %add3A_1195 = arith.addi %add3A_1193, %add3A_1194 : i32
      %add3A_1196 = vector.broadcast %add3A_1195 : i32 to vector<16xi32>
      %add3A_1197 = arith.addi %add3A_1196, %iota3A : vector<16xi32>
      %add3A_1198 = arith.addi %mul3A_1190, %add3A_1197 : vector<16xi32>
      %add3A_1199 = arith.constant 0 : i32
      %add3A_1200 = arith.addi %add3A_1199, %scan3A_1038 : i32
      %swap3A_1201 = arith.index_cast %add3A_1200 : i32 to index
      %swap3A_1202 = arith.constant 64 : index
      %swap3A_1203 = tpu.vector_load %arg7[%swap3A_1201, %swap3A_1202] {strides = array<i32>} : memref<64x128xi32, #tpu.memory_space<vmem>>, vector<16xi32>,
      tpu.vector_store %arg7[%swap3A_1201, %swap3A_1202], %add3A_1198 {strides = array<i32>} : memref<64x128xi32, #tpu.memory_space<vmem>>, vector<16xi32>,
      %add3A_1204 = arith.addf %add3A_1140, %gather3A_1187 : vector<16xf32>
      %add3A_1205 = arith.constant 80 : i32
      %add3A_1206 = arith.addi %add3A_1044, %add3A_1205 : i32
      %get3A_1207 = arith.index_cast %add3A_1206 : i32 to index
      %get3A_1208 = tpu.vector_load %arg6[%get3A_1207] {strides = array<i32>} : memref<16640xi32, #tpu.memory_space<vmem>>, vector<16xi32>,
      %add3A_1209 = arith.constant 80 : i32
      %add3A_1210 = arith.addi %add3A_1044, %add3A_1209 : i32
      %add3A_1211 = arith.constant 1 : i32
      %add3A_1212 = arith.addi %add3A_1210, %add3A_1211 : i32
      %get3A_1213 = arith.index_cast %add3A_1212 : i32 to index
      %get3A_1214 = tpu.vector_load %arg6[%get3A_1213] {strides = array<i32>} : memref<16640xi32, #tpu.memory_space<vmem>>, vector<16xi32>,
      %mul3A_1215 = arith.constant 17 : i32
      %mul3A_1216 = vector.broadcast %mul3A_1215 : i32 to vector<16xi32>
      %mul3A_1217 = arith.muli %get3A_1208, %mul3A_1216 : vector<16xi32>
      %add3A_1218 = arith.addi %mul3A_1217, %get3A_1214 : vector<16xi32>
      %gather3A_1219 = tpu.vector_load_idx %arg9[%add3A_1218] : memref<384xf32, #tpu.memory_space<vmem>>[vector<16xi32>], vector<16xf32>,
      %mul3A_1220 = arith.constant 524288 : i32
      %mul3A_1221 = vector.broadcast %mul3A_1220 : i32 to vector<16xi32>
      %mul3A_1222 = arith.muli %get3A_1208, %mul3A_1221 : vector<16xi32>
      %mul3A_1223 = arith.constant 1024 : i32
      %mul3A_1224 = arith.muli %scan3A_1038, %mul3A_1223 : i32
      %add3A_1225 = arith.addi %add3A_962, %mul3A_1224 : i32
      %add3A_1226 = arith.constant 80 : i32
      %add3A_1227 = arith.addi %add3A_1225, %add3A_1226 : i32
      %add3A_1228 = vector.broadcast %add3A_1227 : i32 to vector<16xi32>
      %add3A_1229 = arith.addi %add3A_1228, %iota3A : vector<16xi32>
      %add3A_1230 = arith.addi %mul3A_1222, %add3A_1229 : vector<16xi32>
      %add3A_1231 = arith.constant 0 : i32
      %add3A_1232 = arith.addi %add3A_1231, %scan3A_1038 : i32
      %swap3A_1233 = arith.index_cast %add3A_1232 : i32 to index
      %swap3A_1234 = arith.constant 80 : index
      %swap3A_1235 = tpu.vector_load %arg7[%swap3A_1233, %swap3A_1234] {strides = array<i32>} : memref<64x128xi32, #tpu.memory_space<vmem>>, vector<16xi32>,
      tpu.vector_store %arg7[%swap3A_1233, %swap3A_1234], %add3A_1230 {strides = array<i32>} : memref<64x128xi32, #tpu.memory_space<vmem>>, vector<16xi32>,
      %add3A_1236 = arith.addf %add3A_1172, %gather3A_1219 : vector<16xf32>
      %add3A_1237 = arith.constant 96 : i32
      %add3A_1238 = arith.addi %add3A_1044, %add3A_1237 : i32
      %get3A_1239 = arith.index_cast %add3A_1238 : i32 to index
      %get3A_1240 = tpu.vector_load %arg6[%get3A_1239] {strides = array<i32>} : memref<16640xi32, #tpu.memory_space<vmem>>, vector<16xi32>,
      %add3A_1241 = arith.constant 96 : i32
      %add3A_1242 = arith.addi %add3A_1044, %add3A_1241 : i32
      %add3A_1243 = arith.constant 1 : i32
      %add3A_1244 = arith.addi %add3A_1242, %add3A_1243 : i32
      %get3A_1245 = arith.index_cast %add3A_1244 : i32 to index
      %get3A_1246 = tpu.vector_load %arg6[%get3A_1245] {strides = array<i32>} : memref<16640xi32, #tpu.memory_space<vmem>>, vector<16xi32>,
      %mul3A_1247 = arith.constant 17 : i32
      %mul3A_1248 = vector.broadcast %mul3A_1247 : i32 to vector<16xi32>
      %mul3A_1249 = arith.muli %get3A_1240, %mul3A_1248 : vector<16xi32>
      %add3A_1250 = arith.addi %mul3A_1249, %get3A_1246 : vector<16xi32>
      %gather3A_1251 = tpu.vector_load_idx %arg9[%add3A_1250] : memref<384xf32, #tpu.memory_space<vmem>>[vector<16xi32>], vector<16xf32>,
      %mul3A_1252 = arith.constant 524288 : i32
      %mul3A_1253 = vector.broadcast %mul3A_1252 : i32 to vector<16xi32>
      %mul3A_1254 = arith.muli %get3A_1240, %mul3A_1253 : vector<16xi32>
      %mul3A_1255 = arith.constant 1024 : i32
      %mul3A_1256 = arith.muli %scan3A_1038, %mul3A_1255 : i32
      %add3A_1257 = arith.addi %add3A_962, %mul3A_1256 : i32
      %add3A_1258 = arith.constant 96 : i32
      %add3A_1259 = arith.addi %add3A_1257, %add3A_1258 : i32
      %add3A_1260 = vector.broadcast %add3A_1259 : i32 to vector<16xi32>
      %add3A_1261 = arith.addi %add3A_1260, %iota3A : vector<16xi32>
      %add3A_1262 = arith.addi %mul3A_1254, %add3A_1261 : vector<16xi32>
      %add3A_1263 = arith.constant 0 : i32
      %add3A_1264 = arith.addi %add3A_1263, %scan3A_1038 : i32
      %swap3A_1265 = arith.index_cast %add3A_1264 : i32 to index
      %swap3A_1266 = arith.constant 96 : index
      %swap3A_1267 = tpu.vector_load %arg7[%swap3A_1265, %swap3A_1266] {strides = array<i32>} : memref<64x128xi32, #tpu.memory_space<vmem>>, vector<16xi32>,
      tpu.vector_store %arg7[%swap3A_1265, %swap3A_1266], %add3A_1262 {strides = array<i32>} : memref<64x128xi32, #tpu.memory_space<vmem>>, vector<16xi32>,
      %add3A_1268 = arith.addf %add3A_1204, %gather3A_1251 : vector<16xf32>
      %add3A_1269 = arith.constant 112 : i32
      %add3A_1270 = arith.addi %add3A_1044, %add3A_1269 : i32
      %get3A_1271 = arith.index_cast %add3A_1270 : i32 to index
      %get3A_1272 = tpu.vector_load %arg6[%get3A_1271] {strides = array<i32>} : memref<16640xi32, #tpu.memory_space<vmem>>, vector<16xi32>,
      %mul3A_1273 = arith.constant 128 : i32
      %mul3A_1274 = arith.muli %scan3A_1038, %mul3A_1273 : i32
      %add3A_1275 = arith.constant 112 : i32
      %add3A_1276 = arith.addi %mul3A_1274, %add3A_1275 : i32
      %add3A_1277 = arith.constant 1 : i32
      %add3A_1278 = arith.addi %add3A_1276, %add3A_1277 : i32
      %add3A_1279 = vector.broadcast %add3A_1278 : i32 to vector<16xi32>
      %add3A_1280 = arith.addi %add3A_1279, %iota3A : vector<16xi32>
      %shift_right_arithmetic3A = arith.constant 7 : i32
      %shift_right_arithmetic3A_1281 = vector.broadcast %shift_right_arithmetic3A : i32 to vector<16xi32>
      %shift_right_arithmetic3A_1282 = arith.shrsi %add3A_1280, %shift_right_arithmetic3A_1281 : vector<16xi32>
      %mul3A_1283 = arith.constant 256 : i32
      %mul3A_1284 = vector.broadcast %mul3A_1283 : i32 to vector<16xi32>
      %mul3A_1285 = arith.muli %shift_right_arithmetic3A_1282, %mul3A_1284 : vector<16xi32>
      %add3A_1286 = arith.constant 0 : i32
      %add3A_1287 = vector.broadcast %add3A_1286 : i32 to vector<16xi32>
      %add3A_1288 = arith.addi %mul3A_1285, %add3A_1287 : vector<16xi32>
      %and3A_1289 = arith.constant 127 : i32
      %and3A_1290 = vector.broadcast %and3A_1289 : i32 to vector<16xi32>
      %and3A_1291 = arith.andi %add3A_1280, %and3A_1290 : vector<16xi32>
      %add3A_1292 = arith.addi %add3A_1288, %and3A_1291 : vector<16xi32>
      %gather3A_1293 = tpu.vector_load_idx %arg6[%add3A_1292] : memref<16640xi32, #tpu.memory_space<vmem>>[vector<16xi32>], vector<16xi32>,
      %mul3A_1294 = arith.constant 17 : i32
      %mul3A_1295 = vector.broadcast %mul3A_1294 : i32 to vector<16xi32>
      %mul3A_1296 = arith.muli %get3A_1272, %mul3A_1295 : vector<16xi32>
      %add3A_1297 = arith.addi %mul3A_1296, %gather3A_1293 : vector<16xi32>
      %gather3A_1298 = tpu.vector_load_idx %arg9[%add3A_1297] : memref<384xf32, #tpu.memory_space<vmem>>[vector<16xi32>], vector<16xf32>,
      %mul3A_1299 = arith.constant 524288 : i32
      %mul3A_1300 = vector.broadcast %mul3A_1299 : i32 to vector<16xi32>
      %mul3A_1301 = arith.muli %get3A_1272, %mul3A_1300 : vector<16xi32>
      %mul3A_1302 = arith.constant 1024 : i32
      %mul3A_1303 = arith.muli %scan3A_1038, %mul3A_1302 : i32
      %add3A_1304 = arith.addi %add3A_962, %mul3A_1303 : i32
      %add3A_1305 = arith.constant 112 : i32
      %add3A_1306 = arith.addi %add3A_1304, %add3A_1305 : i32
      %add3A_1307 = vector.broadcast %add3A_1306 : i32 to vector<16xi32>
      %add3A_1308 = arith.addi %add3A_1307, %iota3A : vector<16xi32>
      %add3A_1309 = arith.addi %mul3A_1301, %add3A_1308 : vector<16xi32>
      %add3A_1310 = arith.constant 0 : i32
      %add3A_1311 = arith.addi %add3A_1310, %scan3A_1038 : i32
      %swap3A_1312 = arith.index_cast %add3A_1311 : i32 to index
      %swap3A_1313 = arith.constant 112 : index
      %swap3A_1314 = tpu.vector_load %arg7[%swap3A_1312, %swap3A_1313] {strides = array<i32>} : memref<64x128xi32, #tpu.memory_space<vmem>>, vector<16xi32>,
      tpu.vector_store %arg7[%swap3A_1312, %swap3A_1313], %add3A_1309 {strides = array<i32>} : memref<64x128xi32, #tpu.memory_space<vmem>>, vector<16xi32>,
      %add3A_1315 = arith.addf %add3A_1236, %gather3A_1298 : vector<16xf32>
      %add3A_1316 = arith.constant 0 : i32
      %add3A_1317 = arith.addi %add3A_1316, %scan3A_1038 : i32
      %add3A_1318 = arith.constant 0 : i32
      %add3A_1319 = arith.addi %add3A_1318, %scan3A_1038 : i32
      %mul3A_1320 = arith.constant 128 : i32
      %mul3A_1321 = arith.muli %add3A_1319, %mul3A_1320 : i32
      %dma_start3A_1322 = tpu.memref_slice %arg8[%mul3A_1321] : memref<8192xf32, #tpu.memory_space<vmem>> -> memref<128xf32, #tpu.memory_space<vmem>>
      %dma_start3A_1323 = arith.constant 0 : i32
      %dma_start3A_1324 = tpu.memref_slice %arg7[%add3A_1317, %dma_start3A_1323] : memref<64x128xi32, #tpu.memory_space<vmem>> -> memref<1x128xi32, #tpu.memory_space<vmem>>
      %dma_start3A_1325 = tpu.memref_squeeze %dma_start3A_1324 : memref<1x128xi32, #tpu.memory_space<vmem>> -> memref<128xi32, #tpu.memory_space<vmem>>
      %dma_start3A_1326 = arith.constant 0 : i32
      %dma_start3A_1327 = tpu.memref_slice %arg2[%dma_start3A_1326] : memref<9437184xf32, #tpu.memory_space<hbm>> -> memref<9437184xf32, #tpu.memory_space<hbm>>
      tpu.enqueue_indirect_dma source(%dma_start3A_1327 : memref<9437184xf32, #tpu.memory_space<hbm>>) target(%dma_start3A_1322 : memref<128xf32, #tpu.memory_space<vmem>>) offsets(%dma_start3A_1325 : memref<128xi32, #tpu.memory_space<vmem>>) semaphore(%arg13 : memref<!tpu.dma_semaphore, #tpu.memory_space<semaphore_mem>>)
      scf.yield %add3A_1268, %add3A_1315 : vector<16xf32>, vector<16xf32>
    }
    %scan3A_967 = arith.constant 32 : i32
    %scan3A_968 = arith.constant 32 : i32
    %scan3A_969 = arith.constant 32 : i32
    %scan3A_970 = arith.addi %scan3A_968, %scan3A_969 : i32
    %scan3A_971 = arith.constant 1 : i32
    %scan3A_972:2 = scf.for %scan3A_1038 = %scan3A_968 to %scan3A_970 step %scan3A_971 iter_args(%scan3A_1039 = %scan3A_966#0, %scan3A_1040 = %scan3A_966#1) -> (vector<16xf32>, vector<16xf32>)  : i32 {
      %mul3A_1041 = arith.constant 256 : i32
      %mul3A_1042 = arith.muli %scan3A_1038, %mul3A_1041 : i32
      %add3A_1043 = arith.constant 0 : i32
      %add3A_1044 = arith.addi %mul3A_1042, %add3A_1043 : i32
      %add3A_1045 = arith.constant 0 : i32
      %add3A_1046 = arith.addi %add3A_1044, %add3A_1045 : i32
      %get3A_1047 = arith.index_cast %add3A_1046 : i32 to index
      %get3A_1048 = tpu.vector_load %arg6[%get3A_1047] {strides = array<i32>} : memref<16640xi32, #tpu.memory_space<vmem>>, vector<16xi32>,
      %add3A_1049 = arith.constant 0 : i32
      %add3A_1050 = arith.addi %add3A_1044, %add3A_1049 : i32
      %add3A_1051 = arith.constant 1 : i32
      %add3A_1052 = arith.addi %add3A_1050, %add3A_1051 : i32
      %get3A_1053 = arith.index_cast %add3A_1052 : i32 to index
      %get3A_1054 = tpu.vector_load %arg6[%get3A_1053] {strides = array<i32>} : memref<16640xi32, #tpu.memory_space<vmem>>, vector<16xi32>,
      %mul3A_1055 = arith.constant 17 : i32
      %mul3A_1056 = vector.broadcast %mul3A_1055 : i32 to vector<16xi32>
      %mul3A_1057 = arith.muli %get3A_1048, %mul3A_1056 : vector<16xi32>
      %add3A_1058 = arith.addi %mul3A_1057, %get3A_1054 : vector<16xi32>
      %gather3A_1059 = tpu.vector_load_idx %arg9[%add3A_1058] : memref<384xf32, #tpu.memory_space<vmem>>[vector<16xi32>], vector<16xf32>,
      %add3A_1060 = arith.addf %scan3A_1039, %gather3A_1059 : vector<16xf32>
      %add3A_1061 = arith.constant 16 : i32
      %add3A_1062 = arith.addi %add3A_1044, %add3A_1061 : i32
      %get3A_1063 = arith.index_cast %add3A_1062 : i32 to index
      %get3A_1064 = tpu.vector_load %arg6[%get3A_1063] {strides = array<i32>} : memref<16640xi32, #tpu.memory_space<vmem>>, vector<16xi32>,
      %add3A_1065 = arith.constant 16 : i32
      %add3A_1066 = arith.addi %add3A_1044, %add3A_1065 : i32
      %add3A_1067 = arith.constant 1 : i32
      %add3A_1068 = arith.addi %add3A_1066, %add3A_1067 : i32
      %get3A_1069 = arith.index_cast %add3A_1068 : i32 to index
      %get3A_1070 = tpu.vector_load %arg6[%get3A_1069] {strides = array<i32>} : memref<16640xi32, #tpu.memory_space<vmem>>, vector<16xi32>,
      %mul3A_1071 = arith.constant 17 : i32
      %mul3A_1072 = vector.broadcast %mul3A_1071 : i32 to vector<16xi32>
      %mul3A_1073 = arith.muli %get3A_1064, %mul3A_1072 : vector<16xi32>
      %add3A_1074 = arith.addi %mul3A_1073, %get3A_1070 : vector<16xi32>
      %gather3A_1075 = tpu.vector_load_idx %arg9[%add3A_1074] : memref<384xf32, #tpu.memory_space<vmem>>[vector<16xi32>], vector<16xf32>,
      %add3A_1076 = arith.addf %scan3A_1040, %gather3A_1075 : vector<16xf32>
      %add3A_1077 = arith.constant 32 : i32
      %add3A_1078 = arith.addi %add3A_1044, %add3A_1077 : i32
      %get3A_1079 = arith.index_cast %add3A_1078 : i32 to index
      %get3A_1080 = tpu.vector_load %arg6[%get3A_1079] {strides = array<i32>} : memref<16640xi32, #tpu.memory_space<vmem>>, vector<16xi32>,
      %add3A_1081 = arith.constant 32 : i32
      %add3A_1082 = arith.addi %add3A_1044, %add3A_1081 : i32
      %add3A_1083 = arith.constant 1 : i32
      %add3A_1084 = arith.addi %add3A_1082, %add3A_1083 : i32
      %get3A_1085 = arith.index_cast %add3A_1084 : i32 to index
      %get3A_1086 = tpu.vector_load %arg6[%get3A_1085] {strides = array<i32>} : memref<16640xi32, #tpu.memory_space<vmem>>, vector<16xi32>,
      %mul3A_1087 = arith.constant 17 : i32
      %mul3A_1088 = vector.broadcast %mul3A_1087 : i32 to vector<16xi32>
      %mul3A_1089 = arith.muli %get3A_1080, %mul3A_1088 : vector<16xi32>
      %add3A_1090 = arith.addi %mul3A_1089, %get3A_1086 : vector<16xi32>
      %gather3A_1091 = tpu.vector_load_idx %arg9[%add3A_1090] : memref<384xf32, #tpu.memory_space<vmem>>[vector<16xi32>], vector<16xf32>,
      %add3A_1092 = arith.addf %add3A_1060, %gather3A_1091 : vector<16xf32>
      %add3A_1093 = arith.constant 48 : i32
      %add3A_1094 = arith.addi %add3A_1044, %add3A_1093 : i32
      %get3A_1095 = arith.index_cast %add3A_1094 : i32 to index
      %get3A_1096 = tpu.vector_load %arg6[%get3A_1095] {strides = array<i32>} : memref<16640xi32, #tpu.memory_space<vmem>>, vector<16xi32>,
      %add3A_1097 = arith.constant 48 : i32
      %add3A_1098 = arith.addi %add3A_1044, %add3A_1097 : i32
      %add3A_1099 = arith.constant 1 : i32
      %add3A_1100 = arith.addi %add3A_1098, %add3A_1099 : i32
      %get3A_1101 = arith.index_cast %add3A_1100 : i32 to index
      %get3A_1102 = tpu.vector_load %arg6[%get3A_1101] {strides = array<i32>} : memref<16640xi32, #tpu.memory_space<vmem>>, vector<16xi32>,
      %mul3A_1103 = arith.constant 17 : i32
      %mul3A_1104 = vector.broadcast %mul3A_1103 : i32 to vector<16xi32>
      %mul3A_1105 = arith.muli %get3A_1096, %mul3A_1104 : vector<16xi32>
      %add3A_1106 = arith.addi %mul3A_1105, %get3A_1102 : vector<16xi32>
      %gather3A_1107 = tpu.vector_load_idx %arg9[%add3A_1106] : memref<384xf32, #tpu.memory_space<vmem>>[vector<16xi32>], vector<16xf32>,
      %add3A_1108 = arith.addf %add3A_1076, %gather3A_1107 : vector<16xf32>
      %add3A_1109 = arith.constant 64 : i32
      %add3A_1110 = arith.addi %add3A_1044, %add3A_1109 : i32
      %get3A_1111 = arith.index_cast %add3A_1110 : i32 to index
      %get3A_1112 = tpu.vector_load %arg6[%get3A_1111] {strides = array<i32>} : memref<16640xi32, #tpu.memory_space<vmem>>, vector<16xi32>,
      %add3A_1113 = arith.constant 64 : i32
      %add3A_1114 = arith.addi %add3A_1044, %add3A_1113 : i32
      %add3A_1115 = arith.constant 1 : i32
      %add3A_1116 = arith.addi %add3A_1114, %add3A_1115 : i32
      %get3A_1117 = arith.index_cast %add3A_1116 : i32 to index
      %get3A_1118 = tpu.vector_load %arg6[%get3A_1117] {strides = array<i32>} : memref<16640xi32, #tpu.memory_space<vmem>>, vector<16xi32>,
      %mul3A_1119 = arith.constant 17 : i32
      %mul3A_1120 = vector.broadcast %mul3A_1119 : i32 to vector<16xi32>
      %mul3A_1121 = arith.muli %get3A_1112, %mul3A_1120 : vector<16xi32>
      %add3A_1122 = arith.addi %mul3A_1121, %get3A_1118 : vector<16xi32>
      %gather3A_1123 = tpu.vector_load_idx %arg9[%add3A_1122] : memref<384xf32, #tpu.memory_space<vmem>>[vector<16xi32>], vector<16xf32>,
      %add3A_1124 = arith.addf %add3A_1092, %gather3A_1123 : vector<16xf32>
      %add3A_1125 = arith.constant 80 : i32
      %add3A_1126 = arith.addi %add3A_1044, %add3A_1125 : i32
      %get3A_1127 = arith.index_cast %add3A_1126 : i32 to index
      %get3A_1128 = tpu.vector_load %arg6[%get3A_1127] {strides = array<i32>} : memref<16640xi32, #tpu.memory_space<vmem>>, vector<16xi32>,
      %add3A_1129 = arith.constant 80 : i32
      %add3A_1130 = arith.addi %add3A_1044, %add3A_1129 : i32
      %add3A_1131 = arith.constant 1 : i32
      %add3A_1132 = arith.addi %add3A_1130, %add3A_1131 : i32
      %get3A_1133 = arith.index_cast %add3A_1132 : i32 to index
      %get3A_1134 = tpu.vector_load %arg6[%get3A_1133] {strides = array<i32>} : memref<16640xi32, #tpu.memory_space<vmem>>, vector<16xi32>,
      %mul3A_1135 = arith.constant 17 : i32
      %mul3A_1136 = vector.broadcast %mul3A_1135 : i32 to vector<16xi32>
      %mul3A_1137 = arith.muli %get3A_1128, %mul3A_1136 : vector<16xi32>
      %add3A_1138 = arith.addi %mul3A_1137, %get3A_1134 : vector<16xi32>
      %gather3A_1139 = tpu.vector_load_idx %arg9[%add3A_1138] : memref<384xf32, #tpu.memory_space<vmem>>[vector<16xi32>], vector<16xf32>,
      %add3A_1140 = arith.addf %add3A_1108, %gather3A_1139 : vector<16xf32>
      %add3A_1141 = arith.constant 96 : i32
      %add3A_1142 = arith.addi %add3A_1044, %add3A_1141 : i32
      %get3A_1143 = arith.index_cast %add3A_1142 : i32 to index
      %get3A_1144 = tpu.vector_load %arg6[%get3A_1143] {strides = array<i32>} : memref<16640xi32, #tpu.memory_space<vmem>>, vector<16xi32>,
      %add3A_1145 = arith.constant 96 : i32
      %add3A_1146 = arith.addi %add3A_1044, %add3A_1145 : i32
      %add3A_1147 = arith.constant 1 : i32
      %add3A_1148 = arith.addi %add3A_1146, %add3A_1147 : i32
      %get3A_1149 = arith.index_cast %add3A_1148 : i32 to index
      %get3A_1150 = tpu.vector_load %arg6[%get3A_1149] {strides = array<i32>} : memref<16640xi32, #tpu.memory_space<vmem>>, vector<16xi32>,
      %mul3A_1151 = arith.constant 17 : i32
      %mul3A_1152 = vector.broadcast %mul3A_1151 : i32 to vector<16xi32>
      %mul3A_1153 = arith.muli %get3A_1144, %mul3A_1152 : vector<16xi32>
      %add3A_1154 = arith.addi %mul3A_1153, %get3A_1150 : vector<16xi32>
      %gather3A_1155 = tpu.vector_load_idx %arg9[%add3A_1154] : memref<384xf32, #tpu.memory_space<vmem>>[vector<16xi32>], vector<16xf32>,
      %add3A_1156 = arith.addf %add3A_1124, %gather3A_1155 : vector<16xf32>
      %add3A_1157 = arith.constant 112 : i32
      %add3A_1158 = arith.addi %add3A_1044, %add3A_1157 : i32
      %get3A_1159 = arith.index_cast %add3A_1158 : i32 to index
      %get3A_1160 = tpu.vector_load %arg6[%get3A_1159] {strides = array<i32>} : memref<16640xi32, #tpu.memory_space<vmem>>, vector<16xi32>,
      %mul3A_1161 = arith.constant 128 : i32
      %mul3A_1162 = arith.muli %scan3A_1038, %mul3A_1161 : i32
      %add3A_1163 = arith.constant 112 : i32
      %add3A_1164 = arith.addi %mul3A_1162, %add3A_1163 : i32
      %add3A_1165 = arith.constant 1 : i32
      %add3A_1166 = arith.addi %add3A_1164, %add3A_1165 : i32
      %add3A_1167 = vector.broadcast %add3A_1166 : i32 to vector<16xi32>
      %add3A_1168 = arith.addi %add3A_1167, %iota3A : vector<16xi32>
      %shift_right_arithmetic3A = arith.constant 7 : i32
      %shift_right_arithmetic3A_1169 = vector.broadcast %shift_right_arithmetic3A : i32 to vector<16xi32>
      %shift_right_arithmetic3A_1170 = arith.shrsi %add3A_1168, %shift_right_arithmetic3A_1169 : vector<16xi32>
      %mul3A_1171 = arith.constant 256 : i32
      %mul3A_1172 = vector.broadcast %mul3A_1171 : i32 to vector<16xi32>
      %mul3A_1173 = arith.muli %shift_right_arithmetic3A_1170, %mul3A_1172 : vector<16xi32>
      %add3A_1174 = arith.constant 0 : i32
      %add3A_1175 = vector.broadcast %add3A_1174 : i32 to vector<16xi32>
      %add3A_1176 = arith.addi %mul3A_1173, %add3A_1175 : vector<16xi32>
      %and3A_1177 = arith.constant 127 : i32
      %and3A_1178 = vector.broadcast %and3A_1177 : i32 to vector<16xi32>
      %and3A_1179 = arith.andi %add3A_1168, %and3A_1178 : vector<16xi32>
      %add3A_1180 = arith.addi %add3A_1176, %and3A_1179 : vector<16xi32>
      %gather3A_1181 = tpu.vector_load_idx %arg6[%add3A_1180] : memref<16640xi32, #tpu.memory_space<vmem>>[vector<16xi32>], vector<16xi32>,
      %mul3A_1182 = arith.constant 17 : i32
      %mul3A_1183 = vector.broadcast %mul3A_1182 : i32 to vector<16xi32>
      %mul3A_1184 = arith.muli %get3A_1160, %mul3A_1183 : vector<16xi32>
      %add3A_1185 = arith.addi %mul3A_1184, %gather3A_1181 : vector<16xi32>
      %gather3A_1186 = tpu.vector_load_idx %arg9[%add3A_1185] : memref<384xf32, #tpu.memory_space<vmem>>[vector<16xi32>], vector<16xf32>,
      %add3A_1187 = arith.addf %add3A_1140, %gather3A_1186 : vector<16xf32>
      scf.yield %add3A_1156, %add3A_1187 : vector<16xf32>, vector<16xf32>
    }
    %scan3A_973 = arith.constant 32 : i32
    %add3A_974 = arith.addf %scan3A_972#0, %scan3A_972#1 : vector<16xf32>
    %get3A_975 = arith.constant 0 : index
    %get3A_976 = tpu.vector_load %arg6[%get3A_975] {strides = array<i32>} : memref<16640xi32, #tpu.memory_space<vmem>>, vector<16xi32>,
    %add3A_977 = arith.constant 308 : i32
    %add3A_978 = vector.broadcast %add3A_977 : i32 to vector<16xi32>
    %add3A_979 = arith.addi %add3A_978, %get3A_976 : vector<16xi32>
    %gather3A_980 = tpu.vector_load_idx %arg9[%add3A_979] : memref<384xf32, #tpu.memory_space<vmem>>[vector<16xi32>], vector<16xf32>,
    %eq3A_981 = arith.constant 0 : i32
    %eq3A_982 = vector.broadcast %eq3A_981 : i32 to vector<16xi32>
    %eq3A_983 = arith.cmpi eq, %iota3A, %eq3A_982 : vector<16xi32>
    %broadcast_in_dim3A_984 = arith.constant 0.000000e+00 : f32
    %broadcast_in_dim3A_985 = vector.broadcast %broadcast_in_dim3A_984 : f32 to vector<16xf32>
    %select_n3A_986 = arith.select %eq3A_983, %gather3A_980, %broadcast_in_dim3A_985 : vector<16xi1>, vector<16xf32>
    %add3A_987 = arith.addf %add3A_974, %select_n3A_986 : vector<16xf32>
    %mul3A_988 = arith.constant 65536 : i32
    %mul3A_989 = arith.muli %select_n3A, %mul3A_988 : i32
    %add3A_990 = arith.constant 1 : i32
    %add3A_991 = arith.addi %select_n3A_32, %add3A_990 : i32
    %mul3A_992 = arith.constant 128 : i32
    %mul3A_993 = arith.muli %add3A_991, %mul3A_992 : i32
    %add3A_994 = arith.addi %mul3A_989, %mul3A_993 : i32
    %scan3A_995 = arith.constant 0 : i32
    %scan3A_996 = arith.constant 32 : i32
    %scan3A_997 = arith.addi %scan3A_995, %scan3A_996 : i32
    %scan3A_998 = arith.constant 1 : i32
    %scan3A_999:2 = scf.for %scan3A_1038 = %scan3A_995 to %scan3A_997 step %scan3A_998 iter_args(%scan3A_1039 = %add3A_987, %scan3A_1040 = %broadcast_in_dim3A_955) -> (vector<16xf32>, vector<16xf32>)  : i32 {
      %mul3A_1041 = arith.constant 256 : i32
      %mul3A_1042 = arith.muli %scan3A_1038, %mul3A_1041 : i32
      %add3A_1043 = arith.constant 128 : i32
      %add3A_1044 = arith.addi %mul3A_1042, %add3A_1043 : i32
      %add3A_1045 = arith.constant 0 : i32
      %add3A_1046 = arith.addi %add3A_1044, %add3A_1045 : i32
      %get3A_1047 = arith.index_cast %add3A_1046 : i32 to index
      %get3A_1048 = tpu.vector_load %arg6[%get3A_1047] {strides = array<i32>} : memref<16640xi32, #tpu.memory_space<vmem>>, vector<16xi32>,
      %add3A_1049 = arith.constant 0 : i32
      %add3A_1050 = arith.addi %add3A_1044, %add3A_1049 : i32
      %add3A_1051 = arith.constant 1 : i32
      %add3A_1052 = arith.addi %add3A_1050, %add3A_1051 : i32
      %get3A_1053 = arith.index_cast %add3A_1052 : i32 to index
      %get3A_1054 = tpu.vector_load %arg6[%get3A_1053] {strides = array<i32>} : memref<16640xi32, #tpu.memory_space<vmem>>, vector<16xi32>,
      %mul3A_1055 = arith.constant 17 : i32
      %mul3A_1056 = vector.broadcast %mul3A_1055 : i32 to vector<16xi32>
      %mul3A_1057 = arith.muli %get3A_1048, %mul3A_1056 : vector<16xi32>
      %add3A_1058 = arith.addi %mul3A_1057, %get3A_1054 : vector<16xi32>
      %gather3A_1059 = tpu.vector_load_idx %arg9[%add3A_1058] : memref<384xf32, #tpu.memory_space<vmem>>[vector<16xi32>], vector<16xf32>,
      %mul3A_1060 = arith.constant 524288 : i32
      %mul3A_1061 = vector.broadcast %mul3A_1060 : i32 to vector<16xi32>
      %mul3A_1062 = arith.muli %get3A_1048, %mul3A_1061 : vector<16xi32>
      %mul3A_1063 = arith.constant 1024 : i32
      %mul3A_1064 = arith.muli %scan3A_1038, %mul3A_1063 : i32
      %add3A_1065 = arith.addi %add3A_994, %mul3A_1064 : i32
      %add3A_1066 = arith.constant 0 : i32
      %add3A_1067 = arith.addi %add3A_1065, %add3A_1066 : i32
      %add3A_1068 = vector.broadcast %add3A_1067 : i32 to vector<16xi32>
      %add3A_1069 = arith.addi %add3A_1068, %iota3A : vector<16xi32>
      %add3A_1070 = arith.addi %mul3A_1062, %add3A_1069 : vector<16xi32>
      %add3A_1071 = arith.constant 32 : i32
      %add3A_1072 = arith.addi %add3A_1071, %scan3A_1038 : i32
      %swap3A_1073 = arith.index_cast %add3A_1072 : i32 to index
      %swap3A_1074 = arith.constant 0 : index
      %swap3A_1075 = tpu.vector_load %arg7[%swap3A_1073, %swap3A_1074] {strides = array<i32>} : memref<64x128xi32, #tpu.memory_space<vmem>>, vector<16xi32>,
      tpu.vector_store %arg7[%swap3A_1073, %swap3A_1074], %add3A_1070 {strides = array<i32>} : memref<64x128xi32, #tpu.memory_space<vmem>>, vector<16xi32>,
      %add3A_1076 = arith.addf %scan3A_1039, %gather3A_1059 : vector<16xf32>
      %add3A_1077 = arith.constant 16 : i32
      %add3A_1078 = arith.addi %add3A_1044, %add3A_1077 : i32
      %get3A_1079 = arith.index_cast %add3A_1078 : i32 to index
      %get3A_1080 = tpu.vector_load %arg6[%get3A_1079] {strides = array<i32>} : memref<16640xi32, #tpu.memory_space<vmem>>, vector<16xi32>,
      %add3A_1081 = arith.constant 16 : i32
      %add3A_1082 = arith.addi %add3A_1044, %add3A_1081 : i32
      %add3A_1083 = arith.constant 1 : i32
      %add3A_1084 = arith.addi %add3A_1082, %add3A_1083 : i32
      %get3A_1085 = arith.index_cast %add3A_1084 : i32 to index
      %get3A_1086 = tpu.vector_load %arg6[%get3A_1085] {strides = array<i32>} : memref<16640xi32, #tpu.memory_space<vmem>>, vector<16xi32>,
      %mul3A_1087 = arith.constant 17 : i32
      %mul3A_1088 = vector.broadcast %mul3A_1087 : i32 to vector<16xi32>
      %mul3A_1089 = arith.muli %get3A_1080, %mul3A_1088 : vector<16xi32>
      %add3A_1090 = arith.addi %mul3A_1089, %get3A_1086 : vector<16xi32>
      %gather3A_1091 = tpu.vector_load_idx %arg9[%add3A_1090] : memref<384xf32, #tpu.memory_space<vmem>>[vector<16xi32>], vector<16xf32>,
      %mul3A_1092 = arith.constant 524288 : i32
      %mul3A_1093 = vector.broadcast %mul3A_1092 : i32 to vector<16xi32>
      %mul3A_1094 = arith.muli %get3A_1080, %mul3A_1093 : vector<16xi32>
      %mul3A_1095 = arith.constant 1024 : i32
      %mul3A_1096 = arith.muli %scan3A_1038, %mul3A_1095 : i32
      %add3A_1097 = arith.addi %add3A_994, %mul3A_1096 : i32
      %add3A_1098 = arith.constant 16 : i32
      %add3A_1099 = arith.addi %add3A_1097, %add3A_1098 : i32
      %add3A_1100 = vector.broadcast %add3A_1099 : i32 to vector<16xi32>
      %add3A_1101 = arith.addi %add3A_1100, %iota3A : vector<16xi32>
      %add3A_1102 = arith.addi %mul3A_1094, %add3A_1101 : vector<16xi32>
      %add3A_1103 = arith.constant 32 : i32
      %add3A_1104 = arith.addi %add3A_1103, %scan3A_1038 : i32
      %swap3A_1105 = arith.index_cast %add3A_1104 : i32 to index
      %swap3A_1106 = arith.constant 16 : index
      %swap3A_1107 = tpu.vector_load %arg7[%swap3A_1105, %swap3A_1106] {strides = array<i32>} : memref<64x128xi32, #tpu.memory_space<vmem>>, vector<16xi32>,
      tpu.vector_store %arg7[%swap3A_1105, %swap3A_1106], %add3A_1102 {strides = array<i32>} : memref<64x128xi32, #tpu.memory_space<vmem>>, vector<16xi32>,
      %add3A_1108 = arith.addf %scan3A_1040, %gather3A_1091 : vector<16xf32>
      %add3A_1109 = arith.constant 32 : i32
      %add3A_1110 = arith.addi %add3A_1044, %add3A_1109 : i32
      %get3A_1111 = arith.index_cast %add3A_1110 : i32 to index
      %get3A_1112 = tpu.vector_load %arg6[%get3A_1111] {strides = array<i32>} : memref<16640xi32, #tpu.memory_space<vmem>>, vector<16xi32>,
      %add3A_1113 = arith.constant 32 : i32
      %add3A_1114 = arith.addi %add3A_1044, %add3A_1113 : i32
      %add3A_1115 = arith.constant 1 : i32
      %add3A_1116 = arith.addi %add3A_1114, %add3A_1115 : i32
      %get3A_1117 = arith.index_cast %add3A_1116 : i32 to index
      %get3A_1118 = tpu.vector_load %arg6[%get3A_1117] {strides = array<i32>} : memref<16640xi32, #tpu.memory_space<vmem>>, vector<16xi32>,
      %mul3A_1119 = arith.constant 17 : i32
      %mul3A_1120 = vector.broadcast %mul3A_1119 : i32 to vector<16xi32>
      %mul3A_1121 = arith.muli %get3A_1112, %mul3A_1120 : vector<16xi32>
      %add3A_1122 = arith.addi %mul3A_1121, %get3A_1118 : vector<16xi32>
      %gather3A_1123 = tpu.vector_load_idx %arg9[%add3A_1122] : memref<384xf32, #tpu.memory_space<vmem>>[vector<16xi32>], vector<16xf32>,
      %mul3A_1124 = arith.constant 524288 : i32
      %mul3A_1125 = vector.broadcast %mul3A_1124 : i32 to vector<16xi32>
      %mul3A_1126 = arith.muli %get3A_1112, %mul3A_1125 : vector<16xi32>
      %mul3A_1127 = arith.constant 1024 : i32
      %mul3A_1128 = arith.muli %scan3A_1038, %mul3A_1127 : i32
      %add3A_1129 = arith.addi %add3A_994, %mul3A_1128 : i32
      %add3A_1130 = arith.constant 32 : i32
      %add3A_1131 = arith.addi %add3A_1129, %add3A_1130 : i32
      %add3A_1132 = vector.broadcast %add3A_1131 : i32 to vector<16xi32>
      %add3A_1133 = arith.addi %add3A_1132, %iota3A : vector<16xi32>
      %add3A_1134 = arith.addi %mul3A_1126, %add3A_1133 : vector<16xi32>
      %add3A_1135 = arith.constant 32 : i32
      %add3A_1136 = arith.addi %add3A_1135, %scan3A_1038 : i32
      %swap3A_1137 = arith.index_cast %add3A_1136 : i32 to index
      %swap3A_1138 = arith.constant 32 : index
      %swap3A_1139 = tpu.vector_load %arg7[%swap3A_1137, %swap3A_1138] {strides = array<i32>} : memref<64x128xi32, #tpu.memory_space<vmem>>, vector<16xi32>,
      tpu.vector_store %arg7[%swap3A_1137, %swap3A_1138], %add3A_1134 {strides = array<i32>} : memref<64x128xi32, #tpu.memory_space<vmem>>, vector<16xi32>,
      %add3A_1140 = arith.addf %add3A_1076, %gather3A_1123 : vector<16xf32>
      %add3A_1141 = arith.constant 48 : i32
      %add3A_1142 = arith.addi %add3A_1044, %add3A_1141 : i32
      %get3A_1143 = arith.index_cast %add3A_1142 : i32 to index
      %get3A_1144 = tpu.vector_load %arg6[%get3A_1143] {strides = array<i32>} : memref<16640xi32, #tpu.memory_space<vmem>>, vector<16xi32>,
      %add3A_1145 = arith.constant 48 : i32
      %add3A_1146 = arith.addi %add3A_1044, %add3A_1145 : i32
      %add3A_1147 = arith.constant 1 : i32
      %add3A_1148 = arith.addi %add3A_1146, %add3A_1147 : i32
      %get3A_1149 = arith.index_cast %add3A_1148 : i32 to index
      %get3A_1150 = tpu.vector_load %arg6[%get3A_1149] {strides = array<i32>} : memref<16640xi32, #tpu.memory_space<vmem>>, vector<16xi32>,
      %mul3A_1151 = arith.constant 17 : i32
      %mul3A_1152 = vector.broadcast %mul3A_1151 : i32 to vector<16xi32>
      %mul3A_1153 = arith.muli %get3A_1144, %mul3A_1152 : vector<16xi32>
      %add3A_1154 = arith.addi %mul3A_1153, %get3A_1150 : vector<16xi32>
      %gather3A_1155 = tpu.vector_load_idx %arg9[%add3A_1154] : memref<384xf32, #tpu.memory_space<vmem>>[vector<16xi32>], vector<16xf32>,
      %mul3A_1156 = arith.constant 524288 : i32
      %mul3A_1157 = vector.broadcast %mul3A_1156 : i32 to vector<16xi32>
      %mul3A_1158 = arith.muli %get3A_1144, %mul3A_1157 : vector<16xi32>
      %mul3A_1159 = arith.constant 1024 : i32
      %mul3A_1160 = arith.muli %scan3A_1038, %mul3A_1159 : i32
      %add3A_1161 = arith.addi %add3A_994, %mul3A_1160 : i32
      %add3A_1162 = arith.constant 48 : i32
      %add3A_1163 = arith.addi %add3A_1161, %add3A_1162 : i32
      %add3A_1164 = vector.broadcast %add3A_1163 : i32 to vector<16xi32>
      %add3A_1165 = arith.addi %add3A_1164, %iota3A : vector<16xi32>
      %add3A_1166 = arith.addi %mul3A_1158, %add3A_1165 : vector<16xi32>
      %add3A_1167 = arith.constant 32 : i32
      %add3A_1168 = arith.addi %add3A_1167, %scan3A_1038 : i32
      %swap3A_1169 = arith.index_cast %add3A_1168 : i32 to index
      %swap3A_1170 = arith.constant 48 : index
      %swap3A_1171 = tpu.vector_load %arg7[%swap3A_1169, %swap3A_1170] {strides = array<i32>} : memref<64x128xi32, #tpu.memory_space<vmem>>, vector<16xi32>,
      tpu.vector_store %arg7[%swap3A_1169, %swap3A_1170], %add3A_1166 {strides = array<i32>} : memref<64x128xi32, #tpu.memory_space<vmem>>, vector<16xi32>,
      %add3A_1172 = arith.addf %add3A_1108, %gather3A_1155 : vector<16xf32>
      %add3A_1173 = arith.constant 64 : i32
      %add3A_1174 = arith.addi %add3A_1044, %add3A_1173 : i32
      %get3A_1175 = arith.index_cast %add3A_1174 : i32 to index
      %get3A_1176 = tpu.vector_load %arg6[%get3A_1175] {strides = array<i32>} : memref<16640xi32, #tpu.memory_space<vmem>>, vector<16xi32>,
      %add3A_1177 = arith.constant 64 : i32
      %add3A_1178 = arith.addi %add3A_1044, %add3A_1177 : i32
      %add3A_1179 = arith.constant 1 : i32
      %add3A_1180 = arith.addi %add3A_1178, %add3A_1179 : i32
      %get3A_1181 = arith.index_cast %add3A_1180 : i32 to index
      %get3A_1182 = tpu.vector_load %arg6[%get3A_1181] {strides = array<i32>} : memref<16640xi32, #tpu.memory_space<vmem>>, vector<16xi32>,
      %mul3A_1183 = arith.constant 17 : i32
      %mul3A_1184 = vector.broadcast %mul3A_1183 : i32 to vector<16xi32>
      %mul3A_1185 = arith.muli %get3A_1176, %mul3A_1184 : vector<16xi32>
      %add3A_1186 = arith.addi %mul3A_1185, %get3A_1182 : vector<16xi32>
      %gather3A_1187 = tpu.vector_load_idx %arg9[%add3A_1186] : memref<384xf32, #tpu.memory_space<vmem>>[vector<16xi32>], vector<16xf32>,
      %mul3A_1188 = arith.constant 524288 : i32
      %mul3A_1189 = vector.broadcast %mul3A_1188 : i32 to vector<16xi32>
      %mul3A_1190 = arith.muli %get3A_1176, %mul3A_1189 : vector<16xi32>
      %mul3A_1191 = arith.constant 1024 : i32
      %mul3A_1192 = arith.muli %scan3A_1038, %mul3A_1191 : i32
      %add3A_1193 = arith.addi %add3A_994, %mul3A_1192 : i32
      %add3A_1194 = arith.constant 64 : i32
      %add3A_1195 = arith.addi %add3A_1193, %add3A_1194 : i32
      %add3A_1196 = vector.broadcast %add3A_1195 : i32 to vector<16xi32>
      %add3A_1197 = arith.addi %add3A_1196, %iota3A : vector<16xi32>
      %add3A_1198 = arith.addi %mul3A_1190, %add3A_1197 : vector<16xi32>
      %add3A_1199 = arith.constant 32 : i32
      %add3A_1200 = arith.addi %add3A_1199, %scan3A_1038 : i32
      %swap3A_1201 = arith.index_cast %add3A_1200 : i32 to index
      %swap3A_1202 = arith.constant 64 : index
      %swap3A_1203 = tpu.vector_load %arg7[%swap3A_1201, %swap3A_1202] {strides = array<i32>} : memref<64x128xi32, #tpu.memory_space<vmem>>, vector<16xi32>,
      tpu.vector_store %arg7[%swap3A_1201, %swap3A_1202], %add3A_1198 {strides = array<i32>} : memref<64x128xi32, #tpu.memory_space<vmem>>, vector<16xi32>,
      %add3A_1204 = arith.addf %add3A_1140, %gather3A_1187 : vector<16xf32>
      %add3A_1205 = arith.constant 80 : i32
      %add3A_1206 = arith.addi %add3A_1044, %add3A_1205 : i32
      %get3A_1207 = arith.index_cast %add3A_1206 : i32 to index
      %get3A_1208 = tpu.vector_load %arg6[%get3A_1207] {strides = array<i32>} : memref<16640xi32, #tpu.memory_space<vmem>>, vector<16xi32>,
      %add3A_1209 = arith.constant 80 : i32
      %add3A_1210 = arith.addi %add3A_1044, %add3A_1209 : i32
      %add3A_1211 = arith.constant 1 : i32
      %add3A_1212 = arith.addi %add3A_1210, %add3A_1211 : i32
      %get3A_1213 = arith.index_cast %add3A_1212 : i32 to index
      %get3A_1214 = tpu.vector_load %arg6[%get3A_1213] {strides = array<i32>} : memref<16640xi32, #tpu.memory_space<vmem>>, vector<16xi32>,
      %mul3A_1215 = arith.constant 17 : i32
      %mul3A_1216 = vector.broadcast %mul3A_1215 : i32 to vector<16xi32>
      %mul3A_1217 = arith.muli %get3A_1208, %mul3A_1216 : vector<16xi32>
      %add3A_1218 = arith.addi %mul3A_1217, %get3A_1214 : vector<16xi32>
      %gather3A_1219 = tpu.vector_load_idx %arg9[%add3A_1218] : memref<384xf32, #tpu.memory_space<vmem>>[vector<16xi32>], vector<16xf32>,
      %mul3A_1220 = arith.constant 524288 : i32
      %mul3A_1221 = vector.broadcast %mul3A_1220 : i32 to vector<16xi32>
      %mul3A_1222 = arith.muli %get3A_1208, %mul3A_1221 : vector<16xi32>
      %mul3A_1223 = arith.constant 1024 : i32
      %mul3A_1224 = arith.muli %scan3A_1038, %mul3A_1223 : i32
      %add3A_1225 = arith.addi %add3A_994, %mul3A_1224 : i32
      %add3A_1226 = arith.constant 80 : i32
      %add3A_1227 = arith.addi %add3A_1225, %add3A_1226 : i32
      %add3A_1228 = vector.broadcast %add3A_1227 : i32 to vector<16xi32>
      %add3A_1229 = arith.addi %add3A_1228, %iota3A : vector<16xi32>
      %add3A_1230 = arith.addi %mul3A_1222, %add3A_1229 : vector<16xi32>
      %add3A_1231 = arith.constant 32 : i32
      %add3A_1232 = arith.addi %add3A_1231, %scan3A_1038 : i32
      %swap3A_1233 = arith.index_cast %add3A_1232 : i32 to index
      %swap3A_1234 = arith.constant 80 : index
      %swap3A_1235 = tpu.vector_load %arg7[%swap3A_1233, %swap3A_1234] {strides = array<i32>} : memref<64x128xi32, #tpu.memory_space<vmem>>, vector<16xi32>,
      tpu.vector_store %arg7[%swap3A_1233, %swap3A_1234], %add3A_1230 {strides = array<i32>} : memref<64x128xi32, #tpu.memory_space<vmem>>, vector<16xi32>,
      %add3A_1236 = arith.addf %add3A_1172, %gather3A_1219 : vector<16xf32>
      %add3A_1237 = arith.constant 96 : i32
      %add3A_1238 = arith.addi %add3A_1044, %add3A_1237 : i32
      %get3A_1239 = arith.index_cast %add3A_1238 : i32 to index
      %get3A_1240 = tpu.vector_load %arg6[%get3A_1239] {strides = array<i32>} : memref<16640xi32, #tpu.memory_space<vmem>>, vector<16xi32>,
      %add3A_1241 = arith.constant 96 : i32
      %add3A_1242 = arith.addi %add3A_1044, %add3A_1241 : i32
      %add3A_1243 = arith.constant 1 : i32
      %add3A_1244 = arith.addi %add3A_1242, %add3A_1243 : i32
      %get3A_1245 = arith.index_cast %add3A_1244 : i32 to index
      %get3A_1246 = tpu.vector_load %arg6[%get3A_1245] {strides = array<i32>} : memref<16640xi32, #tpu.memory_space<vmem>>, vector<16xi32>,
      %mul3A_1247 = arith.constant 17 : i32
      %mul3A_1248 = vector.broadcast %mul3A_1247 : i32 to vector<16xi32>
      %mul3A_1249 = arith.muli %get3A_1240, %mul3A_1248 : vector<16xi32>
      %add3A_1250 = arith.addi %mul3A_1249, %get3A_1246 : vector<16xi32>
      %gather3A_1251 = tpu.vector_load_idx %arg9[%add3A_1250] : memref<384xf32, #tpu.memory_space<vmem>>[vector<16xi32>], vector<16xf32>,
      %mul3A_1252 = arith.constant 524288 : i32
      %mul3A_1253 = vector.broadcast %mul3A_1252 : i32 to vector<16xi32>
      %mul3A_1254 = arith.muli %get3A_1240, %mul3A_1253 : vector<16xi32>
      %mul3A_1255 = arith.constant 1024 : i32
      %mul3A_1256 = arith.muli %scan3A_1038, %mul3A_1255 : i32
      %add3A_1257 = arith.addi %add3A_994, %mul3A_1256 : i32
      %add3A_1258 = arith.constant 96 : i32
      %add3A_1259 = arith.addi %add3A_1257, %add3A_1258 : i32
      %add3A_1260 = vector.broadcast %add3A_1259 : i32 to vector<16xi32>
      %add3A_1261 = arith.addi %add3A_1260, %iota3A : vector<16xi32>
      %add3A_1262 = arith.addi %mul3A_1254, %add3A_1261 : vector<16xi32>
      %add3A_1263 = arith.constant 32 : i32
      %add3A_1264 = arith.addi %add3A_1263, %scan3A_1038 : i32
      %swap3A_1265 = arith.index_cast %add3A_1264 : i32 to index
      %swap3A_1266 = arith.constant 96 : index
      %swap3A_1267 = tpu.vector_load %arg7[%swap3A_1265, %swap3A_1266] {strides = array<i32>} : memref<64x128xi32, #tpu.memory_space<vmem>>, vector<16xi32>,
      tpu.vector_store %arg7[%swap3A_1265, %swap3A_1266], %add3A_1262 {strides = array<i32>} : memref<64x128xi32, #tpu.memory_space<vmem>>, vector<16xi32>,
      %add3A_1268 = arith.addf %add3A_1204, %gather3A_1251 : vector<16xf32>
      %add3A_1269 = arith.constant 112 : i32
      %add3A_1270 = arith.addi %add3A_1044, %add3A_1269 : i32
      %get3A_1271 = arith.index_cast %add3A_1270 : i32 to index
      %get3A_1272 = tpu.vector_load %arg6[%get3A_1271] {strides = array<i32>} : memref<16640xi32, #tpu.memory_space<vmem>>, vector<16xi32>,
      %mul3A_1273 = arith.constant 128 : i32
      %mul3A_1274 = arith.muli %scan3A_1038, %mul3A_1273 : i32
      %add3A_1275 = arith.constant 112 : i32
      %add3A_1276 = arith.addi %mul3A_1274, %add3A_1275 : i32
      %add3A_1277 = arith.constant 1 : i32
      %add3A_1278 = arith.addi %add3A_1276, %add3A_1277 : i32
      %add3A_1279 = vector.broadcast %add3A_1278 : i32 to vector<16xi32>
      %add3A_1280 = arith.addi %add3A_1279, %iota3A : vector<16xi32>
      %shift_right_arithmetic3A = arith.constant 7 : i32
      %shift_right_arithmetic3A_1281 = vector.broadcast %shift_right_arithmetic3A : i32 to vector<16xi32>
      %shift_right_arithmetic3A_1282 = arith.shrsi %add3A_1280, %shift_right_arithmetic3A_1281 : vector<16xi32>
      %mul3A_1283 = arith.constant 256 : i32
      %mul3A_1284 = vector.broadcast %mul3A_1283 : i32 to vector<16xi32>
      %mul3A_1285 = arith.muli %shift_right_arithmetic3A_1282, %mul3A_1284 : vector<16xi32>
      %add3A_1286 = arith.constant 128 : i32
      %add3A_1287 = vector.broadcast %add3A_1286 : i32 to vector<16xi32>
      %add3A_1288 = arith.addi %mul3A_1285, %add3A_1287 : vector<16xi32>
      %and3A_1289 = arith.constant 127 : i32
      %and3A_1290 = vector.broadcast %and3A_1289 : i32 to vector<16xi32>
      %and3A_1291 = arith.andi %add3A_1280, %and3A_1290 : vector<16xi32>
      %add3A_1292 = arith.addi %add3A_1288, %and3A_1291 : vector<16xi32>
      %gather3A_1293 = tpu.vector_load_idx %arg6[%add3A_1292] : memref<16640xi32, #tpu.memory_space<vmem>>[vector<16xi32>], vector<16xi32>,
      %mul3A_1294 = arith.constant 17 : i32
      %mul3A_1295 = vector.broadcast %mul3A_1294 : i32 to vector<16xi32>
      %mul3A_1296 = arith.muli %get3A_1272, %mul3A_1295 : vector<16xi32>
      %add3A_1297 = arith.addi %mul3A_1296, %gather3A_1293 : vector<16xi32>
      %gather3A_1298 = tpu.vector_load_idx %arg9[%add3A_1297] : memref<384xf32, #tpu.memory_space<vmem>>[vector<16xi32>], vector<16xf32>,
      %mul3A_1299 = arith.constant 524288 : i32
      %mul3A_1300 = vector.broadcast %mul3A_1299 : i32 to vector<16xi32>
      %mul3A_1301 = arith.muli %get3A_1272, %mul3A_1300 : vector<16xi32>
      %mul3A_1302 = arith.constant 1024 : i32
      %mul3A_1303 = arith.muli %scan3A_1038, %mul3A_1302 : i32
      %add3A_1304 = arith.addi %add3A_994, %mul3A_1303 : i32
      %add3A_1305 = arith.constant 112 : i32
      %add3A_1306 = arith.addi %add3A_1304, %add3A_1305 : i32
      %add3A_1307 = vector.broadcast %add3A_1306 : i32 to vector<16xi32>
      %add3A_1308 = arith.addi %add3A_1307, %iota3A : vector<16xi32>
      %add3A_1309 = arith.addi %mul3A_1301, %add3A_1308 : vector<16xi32>
      %add3A_1310 = arith.constant 32 : i32
      %add3A_1311 = arith.addi %add3A_1310, %scan3A_1038 : i32
      %swap3A_1312 = arith.index_cast %add3A_1311 : i32 to index
      %swap3A_1313 = arith.constant 112 : index
      %swap3A_1314 = tpu.vector_load %arg7[%swap3A_1312, %swap3A_1313] {strides = array<i32>} : memref<64x128xi32, #tpu.memory_space<vmem>>, vector<16xi32>,
      tpu.vector_store %arg7[%swap3A_1312, %swap3A_1313], %add3A_1309 {strides = array<i32>} : memref<64x128xi32, #tpu.memory_space<vmem>>, vector<16xi32>,
      %add3A_1315 = arith.addf %add3A_1236, %gather3A_1298 : vector<16xf32>
      %add3A_1316 = arith.constant 32 : i32
      %add3A_1317 = arith.addi %add3A_1316, %scan3A_1038 : i32
      %add3A_1318 = arith.constant 32 : i32
      %add3A_1319 = arith.addi %add3A_1318, %scan3A_1038 : i32
      %mul3A_1320 = arith.constant 128 : i32
      %mul3A_1321 = arith.muli %add3A_1319, %mul3A_1320 : i32
      %dma_start3A_1322 = tpu.memref_slice %arg8[%mul3A_1321] : memref<8192xf32, #tpu.memory_space<vmem>> -> memref<128xf32, #tpu.memory_space<vmem>>
      %dma_start3A_1323 = arith.constant 0 : i32
      %dma_start3A_1324 = tpu.memref_slice %arg7[%add3A_1317, %dma_start3A_1323] : memref<64x128xi32, #tpu.memory_space<vmem>> -> memref<1x128xi32, #tpu.memory_space<vmem>>
      %dma_start3A_1325 = tpu.memref_squeeze %dma_start3A_1324 : memref<1x128xi32, #tpu.memory_space<vmem>> -> memref<128xi32, #tpu.memory_space<vmem>>
      %dma_start3A_1326 = arith.constant 0 : i32
      %dma_start3A_1327 = tpu.memref_slice %arg2[%dma_start3A_1326] : memref<9437184xf32, #tpu.memory_space<hbm>> -> memref<9437184xf32, #tpu.memory_space<hbm>>
      tpu.enqueue_indirect_dma source(%dma_start3A_1327 : memref<9437184xf32, #tpu.memory_space<hbm>>) target(%dma_start3A_1322 : memref<128xf32, #tpu.memory_space<vmem>>) offsets(%dma_start3A_1325 : memref<128xi32, #tpu.memory_space<vmem>>) semaphore(%arg13 : memref<!tpu.dma_semaphore, #tpu.memory_space<semaphore_mem>>)
      scf.yield %add3A_1268, %add3A_1315 : vector<16xf32>, vector<16xf32>
    }
    %scan3A_1000 = arith.constant 32 : i32
    %scan3A_1001 = arith.constant 32 : i32
    %scan3A_1002 = arith.constant 32 : i32
    %scan3A_1003 = arith.addi %scan3A_1001, %scan3A_1002 : i32
    %scan3A_1004 = arith.constant 1 : i32
    %scan3A_1005:2 = scf.for %scan3A_1038 = %scan3A_1001 to %scan3A_1003 step %scan3A_1004 iter_args(%scan3A_1039 = %scan3A_999#0, %scan3A_1040 = %scan3A_999#1) -> (vector<16xf32>, vector<16xf32>)  : i32 {
      %mul3A_1041 = arith.constant 256 : i32
      %mul3A_1042 = arith.muli %scan3A_1038, %mul3A_1041 : i32
      %add3A_1043 = arith.constant 128 : i32
      %add3A_1044 = arith.addi %mul3A_1042, %add3A_1043 : i32
      %add3A_1045 = arith.constant 0 : i32
      %add3A_1046 = arith.addi %add3A_1044, %add3A_1045 : i32
      %get3A_1047 = arith.index_cast %add3A_1046 : i32 to index
      %get3A_1048 = tpu.vector_load %arg6[%get3A_1047] {strides = array<i32>} : memref<16640xi32, #tpu.memory_space<vmem>>, vector<16xi32>,
      %add3A_1049 = arith.constant 0 : i32
      %add3A_1050 = arith.addi %add3A_1044, %add3A_1049 : i32
      %add3A_1051 = arith.constant 1 : i32
      %add3A_1052 = arith.addi %add3A_1050, %add3A_1051 : i32
      %get3A_1053 = arith.index_cast %add3A_1052 : i32 to index
      %get3A_1054 = tpu.vector_load %arg6[%get3A_1053] {strides = array<i32>} : memref<16640xi32, #tpu.memory_space<vmem>>, vector<16xi32>,
      %mul3A_1055 = arith.constant 17 : i32
      %mul3A_1056 = vector.broadcast %mul3A_1055 : i32 to vector<16xi32>
      %mul3A_1057 = arith.muli %get3A_1048, %mul3A_1056 : vector<16xi32>
      %add3A_1058 = arith.addi %mul3A_1057, %get3A_1054 : vector<16xi32>
      %gather3A_1059 = tpu.vector_load_idx %arg9[%add3A_1058] : memref<384xf32, #tpu.memory_space<vmem>>[vector<16xi32>], vector<16xf32>,
      %add3A_1060 = arith.addf %scan3A_1039, %gather3A_1059 : vector<16xf32>
      %add3A_1061 = arith.constant 16 : i32
      %add3A_1062 = arith.addi %add3A_1044, %add3A_1061 : i32
      %get3A_1063 = arith.index_cast %add3A_1062 : i32 to index
      %get3A_1064 = tpu.vector_load %arg6[%get3A_1063] {strides = array<i32>} : memref<16640xi32, #tpu.memory_space<vmem>>, vector<16xi32>,
      %add3A_1065 = arith.constant 16 : i32
      %add3A_1066 = arith.addi %add3A_1044, %add3A_1065 : i32
      %add3A_1067 = arith.constant 1 : i32
      %add3A_1068 = arith.addi %add3A_1066, %add3A_1067 : i32
      %get3A_1069 = arith.index_cast %add3A_1068 : i32 to index
      %get3A_1070 = tpu.vector_load %arg6[%get3A_1069] {strides = array<i32>} : memref<16640xi32, #tpu.memory_space<vmem>>, vector<16xi32>,
      %mul3A_1071 = arith.constant 17 : i32
      %mul3A_1072 = vector.broadcast %mul3A_1071 : i32 to vector<16xi32>
      %mul3A_1073 = arith.muli %get3A_1064, %mul3A_1072 : vector<16xi32>
      %add3A_1074 = arith.addi %mul3A_1073, %get3A_1070 : vector<16xi32>
      %gather3A_1075 = tpu.vector_load_idx %arg9[%add3A_1074] : memref<384xf32, #tpu.memory_space<vmem>>[vector<16xi32>], vector<16xf32>,
      %add3A_1076 = arith.addf %scan3A_1040, %gather3A_1075 : vector<16xf32>
      %add3A_1077 = arith.constant 32 : i32
      %add3A_1078 = arith.addi %add3A_1044, %add3A_1077 : i32
      %get3A_1079 = arith.index_cast %add3A_1078 : i32 to index
      %get3A_1080 = tpu.vector_load %arg6[%get3A_1079] {strides = array<i32>} : memref<16640xi32, #tpu.memory_space<vmem>>, vector<16xi32>,
      %add3A_1081 = arith.constant 32 : i32
      %add3A_1082 = arith.addi %add3A_1044, %add3A_1081 : i32
      %add3A_1083 = arith.constant 1 : i32
      %add3A_1084 = arith.addi %add3A_1082, %add3A_1083 : i32
      %get3A_1085 = arith.index_cast %add3A_1084 : i32 to index
      %get3A_1086 = tpu.vector_load %arg6[%get3A_1085] {strides = array<i32>} : memref<16640xi32, #tpu.memory_space<vmem>>, vector<16xi32>,
      %mul3A_1087 = arith.constant 17 : i32
      %mul3A_1088 = vector.broadcast %mul3A_1087 : i32 to vector<16xi32>
      %mul3A_1089 = arith.muli %get3A_1080, %mul3A_1088 : vector<16xi32>
      %add3A_1090 = arith.addi %mul3A_1089, %get3A_1086 : vector<16xi32>
      %gather3A_1091 = tpu.vector_load_idx %arg9[%add3A_1090] : memref<384xf32, #tpu.memory_space<vmem>>[vector<16xi32>], vector<16xf32>,
      %add3A_1092 = arith.addf %add3A_1060, %gather3A_1091 : vector<16xf32>
      %add3A_1093 = arith.constant 48 : i32
      %add3A_1094 = arith.addi %add3A_1044, %add3A_1093 : i32
      %get3A_1095 = arith.index_cast %add3A_1094 : i32 to index
      %get3A_1096 = tpu.vector_load %arg6[%get3A_1095] {strides = array<i32>} : memref<16640xi32, #tpu.memory_space<vmem>>, vector<16xi32>,
      %add3A_1097 = arith.constant 48 : i32
      %add3A_1098 = arith.addi %add3A_1044, %add3A_1097 : i32
      %add3A_1099 = arith.constant 1 : i32
      %add3A_1100 = arith.addi %add3A_1098, %add3A_1099 : i32
      %get3A_1101 = arith.index_cast %add3A_1100 : i32 to index
      %get3A_1102 = tpu.vector_load %arg6[%get3A_1101] {strides = array<i32>} : memref<16640xi32, #tpu.memory_space<vmem>>, vector<16xi32>,
      %mul3A_1103 = arith.constant 17 : i32
      %mul3A_1104 = vector.broadcast %mul3A_1103 : i32 to vector<16xi32>
      %mul3A_1105 = arith.muli %get3A_1096, %mul3A_1104 : vector<16xi32>
      %add3A_1106 = arith.addi %mul3A_1105, %get3A_1102 : vector<16xi32>
      %gather3A_1107 = tpu.vector_load_idx %arg9[%add3A_1106] : memref<384xf32, #tpu.memory_space<vmem>>[vector<16xi32>], vector<16xf32>,
      %add3A_1108 = arith.addf %add3A_1076, %gather3A_1107 : vector<16xf32>
      %add3A_1109 = arith.constant 64 : i32
      %add3A_1110 = arith.addi %add3A_1044, %add3A_1109 : i32
      %get3A_1111 = arith.index_cast %add3A_1110 : i32 to index
      %get3A_1112 = tpu.vector_load %arg6[%get3A_1111] {strides = array<i32>} : memref<16640xi32, #tpu.memory_space<vmem>>, vector<16xi32>,
      %add3A_1113 = arith.constant 64 : i32
      %add3A_1114 = arith.addi %add3A_1044, %add3A_1113 : i32
      %add3A_1115 = arith.constant 1 : i32
      %add3A_1116 = arith.addi %add3A_1114, %add3A_1115 : i32
      %get3A_1117 = arith.index_cast %add3A_1116 : i32 to index
      %get3A_1118 = tpu.vector_load %arg6[%get3A_1117] {strides = array<i32>} : memref<16640xi32, #tpu.memory_space<vmem>>, vector<16xi32>,
      %mul3A_1119 = arith.constant 17 : i32
      %mul3A_1120 = vector.broadcast %mul3A_1119 : i32 to vector<16xi32>
      %mul3A_1121 = arith.muli %get3A_1112, %mul3A_1120 : vector<16xi32>
      %add3A_1122 = arith.addi %mul3A_1121, %get3A_1118 : vector<16xi32>
      %gather3A_1123 = tpu.vector_load_idx %arg9[%add3A_1122] : memref<384xf32, #tpu.memory_space<vmem>>[vector<16xi32>], vector<16xf32>,
      %add3A_1124 = arith.addf %add3A_1092, %gather3A_1123 : vector<16xf32>
      %add3A_1125 = arith.constant 80 : i32
      %add3A_1126 = arith.addi %add3A_1044, %add3A_1125 : i32
      %get3A_1127 = arith.index_cast %add3A_1126 : i32 to index
      %get3A_1128 = tpu.vector_load %arg6[%get3A_1127] {strides = array<i32>} : memref<16640xi32, #tpu.memory_space<vmem>>, vector<16xi32>,
      %add3A_1129 = arith.constant 80 : i32
      %add3A_1130 = arith.addi %add3A_1044, %add3A_1129 : i32
      %add3A_1131 = arith.constant 1 : i32
      %add3A_1132 = arith.addi %add3A_1130, %add3A_1131 : i32
      %get3A_1133 = arith.index_cast %add3A_1132 : i32 to index
      %get3A_1134 = tpu.vector_load %arg6[%get3A_1133] {strides = array<i32>} : memref<16640xi32, #tpu.memory_space<vmem>>, vector<16xi32>,
      %mul3A_1135 = arith.constant 17 : i32
      %mul3A_1136 = vector.broadcast %mul3A_1135 : i32 to vector<16xi32>
      %mul3A_1137 = arith.muli %get3A_1128, %mul3A_1136 : vector<16xi32>
      %add3A_1138 = arith.addi %mul3A_1137, %get3A_1134 : vector<16xi32>
      %gather3A_1139 = tpu.vector_load_idx %arg9[%add3A_1138] : memref<384xf32, #tpu.memory_space<vmem>>[vector<16xi32>], vector<16xf32>,
      %add3A_1140 = arith.addf %add3A_1108, %gather3A_1139 : vector<16xf32>
      %add3A_1141 = arith.constant 96 : i32
      %add3A_1142 = arith.addi %add3A_1044, %add3A_1141 : i32
      %get3A_1143 = arith.index_cast %add3A_1142 : i32 to index
      %get3A_1144 = tpu.vector_load %arg6[%get3A_1143] {strides = array<i32>} : memref<16640xi32, #tpu.memory_space<vmem>>, vector<16xi32>,
      %add3A_1145 = arith.constant 96 : i32
      %add3A_1146 = arith.addi %add3A_1044, %add3A_1145 : i32
      %add3A_1147 = arith.constant 1 : i32
      %add3A_1148 = arith.addi %add3A_1146, %add3A_1147 : i32
      %get3A_1149 = arith.index_cast %add3A_1148 : i32 to index
      %get3A_1150 = tpu.vector_load %arg6[%get3A_1149] {strides = array<i32>} : memref<16640xi32, #tpu.memory_space<vmem>>, vector<16xi32>,
      %mul3A_1151 = arith.constant 17 : i32
      %mul3A_1152 = vector.broadcast %mul3A_1151 : i32 to vector<16xi32>
      %mul3A_1153 = arith.muli %get3A_1144, %mul3A_1152 : vector<16xi32>
      %add3A_1154 = arith.addi %mul3A_1153, %get3A_1150 : vector<16xi32>
      %gather3A_1155 = tpu.vector_load_idx %arg9[%add3A_1154] : memref<384xf32, #tpu.memory_space<vmem>>[vector<16xi32>], vector<16xf32>,
      %add3A_1156 = arith.addf %add3A_1124, %gather3A_1155 : vector<16xf32>
      %add3A_1157 = arith.constant 112 : i32
      %add3A_1158 = arith.addi %add3A_1044, %add3A_1157 : i32
      %get3A_1159 = arith.index_cast %add3A_1158 : i32 to index
      %get3A_1160 = tpu.vector_load %arg6[%get3A_1159] {strides = array<i32>} : memref<16640xi32, #tpu.memory_space<vmem>>, vector<16xi32>,
      %mul3A_1161 = arith.constant 128 : i32
      %mul3A_1162 = arith.muli %scan3A_1038, %mul3A_1161 : i32
      %add3A_1163 = arith.constant 112 : i32
      %add3A_1164 = arith.addi %mul3A_1162, %add3A_1163 : i32
      %add3A_1165 = arith.constant 1 : i32
      %add3A_1166 = arith.addi %add3A_1164, %add3A_1165 : i32
      %add3A_1167 = vector.broadcast %add3A_1166 : i32 to vector<16xi32>
      %add3A_1168 = arith.addi %add3A_1167, %iota3A : vector<16xi32>
      %shift_right_arithmetic3A = arith.constant 7 : i32
      %shift_right_arithmetic3A_1169 = vector.broadcast %shift_right_arithmetic3A : i32 to vector<16xi32>
      %shift_right_arithmetic3A_1170 = arith.shrsi %add3A_1168, %shift_right_arithmetic3A_1169 : vector<16xi32>
      %mul3A_1171 = arith.constant 256 : i32
      %mul3A_1172 = vector.broadcast %mul3A_1171 : i32 to vector<16xi32>
      %mul3A_1173 = arith.muli %shift_right_arithmetic3A_1170, %mul3A_1172 : vector<16xi32>
      %add3A_1174 = arith.constant 128 : i32
      %add3A_1175 = vector.broadcast %add3A_1174 : i32 to vector<16xi32>
      %add3A_1176 = arith.addi %mul3A_1173, %add3A_1175 : vector<16xi32>
      %and3A_1177 = arith.constant 127 : i32
      %and3A_1178 = vector.broadcast %and3A_1177 : i32 to vector<16xi32>
      %and3A_1179 = arith.andi %add3A_1168, %and3A_1178 : vector<16xi32>
      %add3A_1180 = arith.addi %add3A_1176, %and3A_1179 : vector<16xi32>
      %gather3A_1181 = tpu.vector_load_idx %arg6[%add3A_1180] : memref<16640xi32, #tpu.memory_space<vmem>>[vector<16xi32>], vector<16xi32>,
      %mul3A_1182 = arith.constant 17 : i32
      %mul3A_1183 = vector.broadcast %mul3A_1182 : i32 to vector<16xi32>
      %mul3A_1184 = arith.muli %get3A_1160, %mul3A_1183 : vector<16xi32>
      %add3A_1185 = arith.addi %mul3A_1184, %gather3A_1181 : vector<16xi32>
      %gather3A_1186 = tpu.vector_load_idx %arg9[%add3A_1185] : memref<384xf32, #tpu.memory_space<vmem>>[vector<16xi32>], vector<16xf32>,
      %add3A_1187 = arith.addf %add3A_1140, %gather3A_1186 : vector<16xf32>
      scf.yield %add3A_1156, %add3A_1187 : vector<16xf32>, vector<16xf32>
    }
    %scan3A_1006 = arith.constant 32 : i32
    %add3A_1007 = arith.addf %scan3A_1005#0, %scan3A_1005#1 : vector<16xf32>
    %get3A_1008 = arith.constant 128 : index
    %get3A_1009 = tpu.vector_load %arg6[%get3A_1008] {strides = array<i32>} : memref<16640xi32, #tpu.memory_space<vmem>>, vector<16xi32>,
    %add3A_1010 = arith.constant 308 : i32
    %add3A_1011 = vector.broadcast %add3A_1010 : i32 to vector<16xi32>
    %add3A_1012 = arith.addi %add3A_1011, %get3A_1009 : vector<16xi32>
    %gather3A_1013 = tpu.vector_load_idx %arg9[%add3A_1012] : memref<384xf32, #tpu.memory_space<vmem>>[vector<16xi32>], vector<16xf32>,
    %eq3A_1014 = arith.constant 0 : i32
    %eq3A_1015 = vector.broadcast %eq3A_1014 : i32 to vector<16xi32>
    %eq3A_1016 = arith.cmpi eq, %iota3A, %eq3A_1015 : vector<16xi32>
    %broadcast_in_dim3A_1017 = arith.constant 0.000000e+00 : f32
    %broadcast_in_dim3A_1018 = vector.broadcast %broadcast_in_dim3A_1017 : f32 to vector<16xf32>
    %select_n3A_1019 = arith.select %eq3A_1016, %gather3A_1013, %broadcast_in_dim3A_1018 : vector<16xi1>, vector<16xf32>
    %add3A_1020 = arith.addf %add3A_1007, %select_n3A_1019 : vector<16xf32>
    %dma_wait3A_1021 = arith.constant 0 : i32
    %dma_wait3A_1022 = tpu.memref_slice %arg2[%dma_wait3A_1021] : memref<9437184xf32, #tpu.memory_space<hbm>> -> memref<8192xf32, #tpu.memory_space<hbm>>
    %dma_wait3A_1023 = arith.constant 0 : i32
    %dma_wait3A_1024 = tpu.memref_slice %arg2[%dma_wait3A_1023] : memref<9437184xf32, #tpu.memory_space<hbm>> -> memref<8192xf32, #tpu.memory_space<hbm>>
    tpu.wait_dma2 semaphore(%arg13 : memref<!tpu.dma_semaphore, #tpu.memory_space<semaphore_mem>>) src(%dma_wait3A_1024 : memref<8192xf32, #tpu.memory_space<hbm>>) dst(%arg8 : memref<8192xf32, #tpu.memory_space<vmem>>)
    %scan3A_1025 = arith.constant 0 : i32
    %scan3A_1026 = arith.constant 128 : i32
    %scan3A_1027 = arith.addi %scan3A_1025, %scan3A_1026 : i32
    %scan3A_1028 = arith.constant 1 : i32
    %scan3A_1029:4 = scf.for %scan3A_1038 = %scan3A_1025 to %scan3A_1027 step %scan3A_1028 iter_args(%scan3A_1039 = %add3A_1020, %scan3A_1040 = %broadcast_in_dim3A_955, %scan3A_1041 = %broadcast_in_dim3A_955, %scan3A_1042 = %broadcast_in_dim3A_955) -> (vector<16xf32>, vector<16xf32>, vector<16xf32>, vector<16xf32>)  : i32 {
      %mul3A_1043 = arith.constant 64 : i32
      %mul3A_1044 = arith.muli %scan3A_1038, %mul3A_1043 : i32
      %get3A_1045 = arith.index_cast %mul3A_1044 : i32 to index
      %get3A_1046 = tpu.vector_load %arg8[%get3A_1045] {strides = array<i32>} : memref<8192xf32, #tpu.memory_space<vmem>>, vector<16xf32>,
      %add3A_1047 = arith.addf %scan3A_1039, %get3A_1046 : vector<16xf32>
      %add3A_1048 = arith.constant 16 : i32
      %add3A_1049 = arith.addi %mul3A_1044, %add3A_1048 : i32
      %get3A_1050 = arith.index_cast %add3A_1049 : i32 to index
      %get3A_1051 = tpu.vector_load %arg8[%get3A_1050] {strides = array<i32>} : memref<8192xf32, #tpu.memory_space<vmem>>, vector<16xf32>,
      %add3A_1052 = arith.addf %scan3A_1040, %get3A_1051 : vector<16xf32>
      %add3A_1053 = arith.constant 32 : i32
      %add3A_1054 = arith.addi %mul3A_1044, %add3A_1053 : i32
      %get3A_1055 = arith.index_cast %add3A_1054 : i32 to index
      %get3A_1056 = tpu.vector_load %arg8[%get3A_1055] {strides = array<i32>} : memref<8192xf32, #tpu.memory_space<vmem>>, vector<16xf32>,
      %add3A_1057 = arith.addf %scan3A_1041, %get3A_1056 : vector<16xf32>
      %add3A_1058 = arith.constant 48 : i32
      %add3A_1059 = arith.addi %mul3A_1044, %add3A_1058 : i32
      %get3A_1060 = arith.index_cast %add3A_1059 : i32 to index
      %get3A_1061 = tpu.vector_load %arg8[%get3A_1060] {strides = array<i32>} : memref<8192xf32, #tpu.memory_space<vmem>>, vector<16xf32>,
      %add3A_1062 = arith.addf %scan3A_1042, %get3A_1061 : vector<16xf32>
      scf.yield %add3A_1047, %add3A_1052, %add3A_1057, %add3A_1062 : vector<16xf32>, vector<16xf32>, vector<16xf32>, vector<16xf32>
    }
    %scan3A_1030 = arith.constant 128 : i32
    %add3A_1031 = arith.addf %scan3A_1029#0, %scan3A_1029#1 : vector<16xf32>
    %add3A_1032 = arith.addf %scan3A_1029#2, %scan3A_1029#3 : vector<16xf32>
    %add3A_1033 = arith.addf %add3A_1031, %add3A_1032 : vector<16xf32>
    %swap3A_1034 = arith.constant 0 : index
    %swap3A_1035 = tpu.vector_load %arg11[%swap3A_1034] {strides = array<i32>} : memref<16xf32, #tpu.memory_space<vmem>>, vector<16xf32>,
    tpu.vector_store %arg11[%swap3A_1034], %add3A_1033 {strides = array<i32>} : memref<16xf32, #tpu.memory_space<vmem>>, vector<16xf32>,
    %mul3A_1036 = arith.constant 16 : i32
    %mul3A_1037 = arith.muli %add3A, %mul3A_1036 : i32
    "tpu.region"() ({
      %run_scoped3A = tpu.sem_alloc : memref<!tpu.dma_semaphore, #tpu.memory_space<semaphore_mem>>
      %dma_start3A_1038 = tpu.memref_slice %arg5[%mul3A_1037] : memref<512xf32, #tpu.memory_space<hbm>> -> memref<16xf32, #tpu.memory_space<hbm>>
      %dma_start3A_1039 = tpu.memref_slice %arg5[%mul3A_1037] : memref<512xf32, #tpu.memory_space<hbm>> -> memref<16xf32, #tpu.memory_space<hbm>>
      tpu.enqueue_dma source(%arg11 : memref<16xf32, #tpu.memory_space<vmem>>) target(%dma_start3A_1039 : memref<16xf32, #tpu.memory_space<hbm>>) target_semaphore(%run_scoped3A : memref<!tpu.dma_semaphore, #tpu.memory_space<semaphore_mem>>)
      %dma_wait3A_1040 = tpu.memref_slice %arg5[%mul3A_1037] : memref<512xf32, #tpu.memory_space<hbm>> -> memref<16xf32, #tpu.memory_space<hbm>>
      %dma_wait3A_1041 = tpu.memref_slice %arg5[%mul3A_1037] : memref<512xf32, #tpu.memory_space<hbm>> -> memref<16xf32, #tpu.memory_space<hbm>>
      tpu.wait_dma2 semaphore(%run_scoped3A : memref<!tpu.dma_semaphore, #tpu.memory_space<semaphore_mem>>) src(%arg11 : memref<16xf32, #tpu.memory_space<vmem>>) dst(%dma_wait3A_1041 : memref<16xf32, #tpu.memory_space<hbm>>)
      tpu.yield
    }) : () -> ()
    return
  }
}

module attributes {stable_mosaic.version = 14 : i64} {
  func.func @tc_kernel(%arg0: i32, %arg1: i32, %arg2: memref<18x1x8x8x128xf32, #tpu.memory_space<vmem>>, %arg3: memref<1x8x8x128xi32, #tpu.memory_space<vmem>>, %arg4: memref<8x128xf32, #tpu.memory_space<vmem>>) attributes {dimension_semantics = [#tpu.dimension_semantics<arbitrary>, #tpu.dimension_semantics<arbitrary>], iteration_bounds = array<i64: 8, 4>, scalar_prefetch = 0 : i64, scratch_operands = 0 : i64, tpu.core_type = #tpu.core_type<tc>, window_params = [{transform_indices = @transform_0, window_bounds = array<i64: 18, 1, 8, 8, 128>}, {transform_indices = @transform_1, window_bounds = array<i64: 1, 8, 8, 128>}, {pipeline_mode = #tpu.pipeline_mode<synchronous>, transform_indices = @transform_2, window_bounds = array<i64: 8, 128>}]} {
    %eq3A = arith.constant 0 : i32
    %eq3A_0 = arith.cmpi eq, %arg0, %eq3A : i32
    %eq3A_1 = arith.constant 0 : i32
    %eq3A_2 = arith.cmpi eq, %arg1, %eq3A_1 : i32
    %and3A = arith.andi %eq3A_0, %eq3A_2 : i1
    %convert_element_type3A = arith.extui %and3A : i1 to i32
    %cond3A = arith.constant 0 : i32
    %cond3A_3 = arith.cmpi ne, %convert_element_type3A, %cond3A : i32
    scf.if %cond3A_3 {
      %broadcast_in_dim3A_235 = arith.constant 0.000000e+00 : f32
      %broadcast_in_dim3A_236 = vector.broadcast %broadcast_in_dim3A_235 : f32 to vector<8x128xf32>
      %swap3A_237 = arith.constant 0 : index
      %swap3A_238 = arith.constant 0 : index
      %swap3A_239 = vector.load %arg4[%swap3A_237, %swap3A_238] : memref<8x128xf32, #tpu.memory_space<vmem>>, vector<8x128xf32>
      tpu.vector_store %arg4[%swap3A_237, %swap3A_238], %broadcast_in_dim3A_236 {strides = array<i32>} : memref<8x128xf32, #tpu.memory_space<vmem>>, vector<8x128xf32>,
    } else {
    }
    %get3A = arith.constant 0 : index
    %get3A_4 = arith.constant 0 : index
    %get3A_5 = arith.constant 0 : index
    %get3A_6 = arith.constant 0 : index
    %get3A_7 = vector.load %arg3[%get3A, %get3A_4, %get3A_5, %get3A_6] : memref<1x8x8x128xi32, #tpu.memory_space<vmem>>, vector<1x8x8x128xi32>
    %get3A_8 = vector.shape_cast %get3A_7 : vector<1x8x8x128xi32> to vector<8x8x128xi32>
    %eq3A_9 = arith.constant 2 : i32
    %eq3A_10 = vector.broadcast %eq3A_9 : i32 to vector<8x8x128xi32>
    %eq3A_11 = arith.cmpi eq, %get3A_8, %eq3A_10 : vector<8x8x128xi32>
    %get3A_12 = arith.constant 2 : index
    %get3A_13 = arith.constant 0 : index
    %get3A_14 = arith.constant 0 : index
    %get3A_15 = arith.constant 0 : index
    %get3A_16 = arith.constant 0 : index
    %get3A_17 = vector.load %arg2[%get3A_12, %get3A_13, %get3A_14, %get3A_15, %get3A_16] : memref<18x1x8x8x128xf32, #tpu.memory_space<vmem>>, vector<1x1x8x8x128xf32>
    %get3A_18 = vector.shape_cast %get3A_17 : vector<1x1x8x8x128xf32> to vector<8x8x128xf32>
    %jit3A = arith.constant 0.000000e+00 : f32
    %broadcast_in_dim3A = vector.broadcast %jit3A : f32 to vector<8x8x128xf32>
    %select_n3A = arith.select %eq3A_11, %get3A_18, %broadcast_in_dim3A : vector<8x8x128xi1>, vector<8x8x128xf32>
    %eq3A_19 = arith.constant 3 : i32
    %eq3A_20 = vector.broadcast %eq3A_19 : i32 to vector<8x8x128xi32>
    %eq3A_21 = arith.cmpi eq, %get3A_8, %eq3A_20 : vector<8x8x128xi32>
    %get3A_22 = arith.constant 3 : index
    %get3A_23 = arith.constant 0 : index
    %get3A_24 = arith.constant 0 : index
    %get3A_25 = arith.constant 0 : index
    %get3A_26 = arith.constant 0 : index
    %get3A_27 = vector.load %arg2[%get3A_22, %get3A_23, %get3A_24, %get3A_25, %get3A_26] : memref<18x1x8x8x128xf32, #tpu.memory_space<vmem>>, vector<1x1x8x8x128xf32>
    %get3A_28 = vector.shape_cast %get3A_27 : vector<1x1x8x8x128xf32> to vector<8x8x128xf32>
    %jit3A_29 = arith.constant 0.000000e+00 : f32
    %broadcast_in_dim3A_30 = vector.broadcast %jit3A_29 : f32 to vector<8x8x128xf32>
    %select_n3A_31 = arith.select %eq3A_21, %get3A_28, %broadcast_in_dim3A_30 : vector<8x8x128xi1>, vector<8x8x128xf32>
    %add3A = arith.addf %select_n3A, %select_n3A_31 : vector<8x8x128xf32>
    %eq3A_32 = arith.constant 4 : i32
    %eq3A_33 = vector.broadcast %eq3A_32 : i32 to vector<8x8x128xi32>
    %eq3A_34 = arith.cmpi eq, %get3A_8, %eq3A_33 : vector<8x8x128xi32>
    %get3A_35 = arith.constant 4 : index
    %get3A_36 = arith.constant 0 : index
    %get3A_37 = arith.constant 0 : index
    %get3A_38 = arith.constant 0 : index
    %get3A_39 = arith.constant 0 : index
    %get3A_40 = vector.load %arg2[%get3A_35, %get3A_36, %get3A_37, %get3A_38, %get3A_39] : memref<18x1x8x8x128xf32, #tpu.memory_space<vmem>>, vector<1x1x8x8x128xf32>
    %get3A_41 = vector.shape_cast %get3A_40 : vector<1x1x8x8x128xf32> to vector<8x8x128xf32>
    %jit3A_42 = arith.constant 0.000000e+00 : f32
    %broadcast_in_dim3A_43 = vector.broadcast %jit3A_42 : f32 to vector<8x8x128xf32>
    %select_n3A_44 = arith.select %eq3A_34, %get3A_41, %broadcast_in_dim3A_43 : vector<8x8x128xi1>, vector<8x8x128xf32>
    %add3A_45 = arith.addf %add3A, %select_n3A_44 : vector<8x8x128xf32>
    %eq3A_46 = arith.constant 5 : i32
    %eq3A_47 = vector.broadcast %eq3A_46 : i32 to vector<8x8x128xi32>
    %eq3A_48 = arith.cmpi eq, %get3A_8, %eq3A_47 : vector<8x8x128xi32>
    %get3A_49 = arith.constant 5 : index
    %get3A_50 = arith.constant 0 : index
    %get3A_51 = arith.constant 0 : index
    %get3A_52 = arith.constant 0 : index
    %get3A_53 = arith.constant 0 : index
    %get3A_54 = vector.load %arg2[%get3A_49, %get3A_50, %get3A_51, %get3A_52, %get3A_53] : memref<18x1x8x8x128xf32, #tpu.memory_space<vmem>>, vector<1x1x8x8x128xf32>
    %get3A_55 = vector.shape_cast %get3A_54 : vector<1x1x8x8x128xf32> to vector<8x8x128xf32>
    %jit3A_56 = arith.constant 0.000000e+00 : f32
    %broadcast_in_dim3A_57 = vector.broadcast %jit3A_56 : f32 to vector<8x8x128xf32>
    %select_n3A_58 = arith.select %eq3A_48, %get3A_55, %broadcast_in_dim3A_57 : vector<8x8x128xi1>, vector<8x8x128xf32>
    %add3A_59 = arith.addf %add3A_45, %select_n3A_58 : vector<8x8x128xf32>
    %eq3A_60 = arith.constant 6 : i32
    %eq3A_61 = vector.broadcast %eq3A_60 : i32 to vector<8x8x128xi32>
    %eq3A_62 = arith.cmpi eq, %get3A_8, %eq3A_61 : vector<8x8x128xi32>
    %get3A_63 = arith.constant 6 : index
    %get3A_64 = arith.constant 0 : index
    %get3A_65 = arith.constant 0 : index
    %get3A_66 = arith.constant 0 : index
    %get3A_67 = arith.constant 0 : index
    %get3A_68 = vector.load %arg2[%get3A_63, %get3A_64, %get3A_65, %get3A_66, %get3A_67] : memref<18x1x8x8x128xf32, #tpu.memory_space<vmem>>, vector<1x1x8x8x128xf32>
    %get3A_69 = vector.shape_cast %get3A_68 : vector<1x1x8x8x128xf32> to vector<8x8x128xf32>
    %jit3A_70 = arith.constant 0.000000e+00 : f32
    %broadcast_in_dim3A_71 = vector.broadcast %jit3A_70 : f32 to vector<8x8x128xf32>
    %select_n3A_72 = arith.select %eq3A_62, %get3A_69, %broadcast_in_dim3A_71 : vector<8x8x128xi1>, vector<8x8x128xf32>
    %add3A_73 = arith.addf %add3A_59, %select_n3A_72 : vector<8x8x128xf32>
    %eq3A_74 = arith.constant 7 : i32
    %eq3A_75 = vector.broadcast %eq3A_74 : i32 to vector<8x8x128xi32>
    %eq3A_76 = arith.cmpi eq, %get3A_8, %eq3A_75 : vector<8x8x128xi32>
    %get3A_77 = arith.constant 7 : index
    %get3A_78 = arith.constant 0 : index
    %get3A_79 = arith.constant 0 : index
    %get3A_80 = arith.constant 0 : index
    %get3A_81 = arith.constant 0 : index
    %get3A_82 = vector.load %arg2[%get3A_77, %get3A_78, %get3A_79, %get3A_80, %get3A_81] : memref<18x1x8x8x128xf32, #tpu.memory_space<vmem>>, vector<1x1x8x8x128xf32>
    %get3A_83 = vector.shape_cast %get3A_82 : vector<1x1x8x8x128xf32> to vector<8x8x128xf32>
    %jit3A_84 = arith.constant 0.000000e+00 : f32
    %broadcast_in_dim3A_85 = vector.broadcast %jit3A_84 : f32 to vector<8x8x128xf32>
    %select_n3A_86 = arith.select %eq3A_76, %get3A_83, %broadcast_in_dim3A_85 : vector<8x8x128xi1>, vector<8x8x128xf32>
    %add3A_87 = arith.addf %add3A_73, %select_n3A_86 : vector<8x8x128xf32>
    %eq3A_88 = arith.constant 8 : i32
    %eq3A_89 = vector.broadcast %eq3A_88 : i32 to vector<8x8x128xi32>
    %eq3A_90 = arith.cmpi eq, %get3A_8, %eq3A_89 : vector<8x8x128xi32>
    %get3A_91 = arith.constant 8 : index
    %get3A_92 = arith.constant 0 : index
    %get3A_93 = arith.constant 0 : index
    %get3A_94 = arith.constant 0 : index
    %get3A_95 = arith.constant 0 : index
    %get3A_96 = vector.load %arg2[%get3A_91, %get3A_92, %get3A_93, %get3A_94, %get3A_95] : memref<18x1x8x8x128xf32, #tpu.memory_space<vmem>>, vector<1x1x8x8x128xf32>
    %get3A_97 = vector.shape_cast %get3A_96 : vector<1x1x8x8x128xf32> to vector<8x8x128xf32>
    %jit3A_98 = arith.constant 0.000000e+00 : f32
    %broadcast_in_dim3A_99 = vector.broadcast %jit3A_98 : f32 to vector<8x8x128xf32>
    %select_n3A_100 = arith.select %eq3A_90, %get3A_97, %broadcast_in_dim3A_99 : vector<8x8x128xi1>, vector<8x8x128xf32>
    %add3A_101 = arith.addf %add3A_87, %select_n3A_100 : vector<8x8x128xf32>
    %eq3A_102 = arith.constant 9 : i32
    %eq3A_103 = vector.broadcast %eq3A_102 : i32 to vector<8x8x128xi32>
    %eq3A_104 = arith.cmpi eq, %get3A_8, %eq3A_103 : vector<8x8x128xi32>
    %get3A_105 = arith.constant 9 : index
    %get3A_106 = arith.constant 0 : index
    %get3A_107 = arith.constant 0 : index
    %get3A_108 = arith.constant 0 : index
    %get3A_109 = arith.constant 0 : index
    %get3A_110 = vector.load %arg2[%get3A_105, %get3A_106, %get3A_107, %get3A_108, %get3A_109] : memref<18x1x8x8x128xf32, #tpu.memory_space<vmem>>, vector<1x1x8x8x128xf32>
    %get3A_111 = vector.shape_cast %get3A_110 : vector<1x1x8x8x128xf32> to vector<8x8x128xf32>
    %jit3A_112 = arith.constant 0.000000e+00 : f32
    %broadcast_in_dim3A_113 = vector.broadcast %jit3A_112 : f32 to vector<8x8x128xf32>
    %select_n3A_114 = arith.select %eq3A_104, %get3A_111, %broadcast_in_dim3A_113 : vector<8x8x128xi1>, vector<8x8x128xf32>
    %add3A_115 = arith.addf %add3A_101, %select_n3A_114 : vector<8x8x128xf32>
    %eq3A_116 = arith.constant 10 : i32
    %eq3A_117 = vector.broadcast %eq3A_116 : i32 to vector<8x8x128xi32>
    %eq3A_118 = arith.cmpi eq, %get3A_8, %eq3A_117 : vector<8x8x128xi32>
    %get3A_119 = arith.constant 10 : index
    %get3A_120 = arith.constant 0 : index
    %get3A_121 = arith.constant 0 : index
    %get3A_122 = arith.constant 0 : index
    %get3A_123 = arith.constant 0 : index
    %get3A_124 = vector.load %arg2[%get3A_119, %get3A_120, %get3A_121, %get3A_122, %get3A_123] : memref<18x1x8x8x128xf32, #tpu.memory_space<vmem>>, vector<1x1x8x8x128xf32>
    %get3A_125 = vector.shape_cast %get3A_124 : vector<1x1x8x8x128xf32> to vector<8x8x128xf32>
    %jit3A_126 = arith.constant 0.000000e+00 : f32
    %broadcast_in_dim3A_127 = vector.broadcast %jit3A_126 : f32 to vector<8x8x128xf32>
    %select_n3A_128 = arith.select %eq3A_118, %get3A_125, %broadcast_in_dim3A_127 : vector<8x8x128xi1>, vector<8x8x128xf32>
    %add3A_129 = arith.addf %add3A_115, %select_n3A_128 : vector<8x8x128xf32>
    %eq3A_130 = arith.constant 11 : i32
    %eq3A_131 = vector.broadcast %eq3A_130 : i32 to vector<8x8x128xi32>
    %eq3A_132 = arith.cmpi eq, %get3A_8, %eq3A_131 : vector<8x8x128xi32>
    %get3A_133 = arith.constant 11 : index
    %get3A_134 = arith.constant 0 : index
    %get3A_135 = arith.constant 0 : index
    %get3A_136 = arith.constant 0 : index
    %get3A_137 = arith.constant 0 : index
    %get3A_138 = vector.load %arg2[%get3A_133, %get3A_134, %get3A_135, %get3A_136, %get3A_137] : memref<18x1x8x8x128xf32, #tpu.memory_space<vmem>>, vector<1x1x8x8x128xf32>
    %get3A_139 = vector.shape_cast %get3A_138 : vector<1x1x8x8x128xf32> to vector<8x8x128xf32>
    %jit3A_140 = arith.constant 0.000000e+00 : f32
    %broadcast_in_dim3A_141 = vector.broadcast %jit3A_140 : f32 to vector<8x8x128xf32>
    %select_n3A_142 = arith.select %eq3A_132, %get3A_139, %broadcast_in_dim3A_141 : vector<8x8x128xi1>, vector<8x8x128xf32>
    %add3A_143 = arith.addf %add3A_129, %select_n3A_142 : vector<8x8x128xf32>
    %eq3A_144 = arith.constant 12 : i32
    %eq3A_145 = vector.broadcast %eq3A_144 : i32 to vector<8x8x128xi32>
    %eq3A_146 = arith.cmpi eq, %get3A_8, %eq3A_145 : vector<8x8x128xi32>
    %get3A_147 = arith.constant 12 : index
    %get3A_148 = arith.constant 0 : index
    %get3A_149 = arith.constant 0 : index
    %get3A_150 = arith.constant 0 : index
    %get3A_151 = arith.constant 0 : index
    %get3A_152 = vector.load %arg2[%get3A_147, %get3A_148, %get3A_149, %get3A_150, %get3A_151] : memref<18x1x8x8x128xf32, #tpu.memory_space<vmem>>, vector<1x1x8x8x128xf32>
    %get3A_153 = vector.shape_cast %get3A_152 : vector<1x1x8x8x128xf32> to vector<8x8x128xf32>
    %jit3A_154 = arith.constant 0.000000e+00 : f32
    %broadcast_in_dim3A_155 = vector.broadcast %jit3A_154 : f32 to vector<8x8x128xf32>
    %select_n3A_156 = arith.select %eq3A_146, %get3A_153, %broadcast_in_dim3A_155 : vector<8x8x128xi1>, vector<8x8x128xf32>
    %add3A_157 = arith.addf %add3A_143, %select_n3A_156 : vector<8x8x128xf32>
    %eq3A_158 = arith.constant 13 : i32
    %eq3A_159 = vector.broadcast %eq3A_158 : i32 to vector<8x8x128xi32>
    %eq3A_160 = arith.cmpi eq, %get3A_8, %eq3A_159 : vector<8x8x128xi32>
    %get3A_161 = arith.constant 13 : index
    %get3A_162 = arith.constant 0 : index
    %get3A_163 = arith.constant 0 : index
    %get3A_164 = arith.constant 0 : index
    %get3A_165 = arith.constant 0 : index
    %get3A_166 = vector.load %arg2[%get3A_161, %get3A_162, %get3A_163, %get3A_164, %get3A_165] : memref<18x1x8x8x128xf32, #tpu.memory_space<vmem>>, vector<1x1x8x8x128xf32>
    %get3A_167 = vector.shape_cast %get3A_166 : vector<1x1x8x8x128xf32> to vector<8x8x128xf32>
    %jit3A_168 = arith.constant 0.000000e+00 : f32
    %broadcast_in_dim3A_169 = vector.broadcast %jit3A_168 : f32 to vector<8x8x128xf32>
    %select_n3A_170 = arith.select %eq3A_160, %get3A_167, %broadcast_in_dim3A_169 : vector<8x8x128xi1>, vector<8x8x128xf32>
    %add3A_171 = arith.addf %add3A_157, %select_n3A_170 : vector<8x8x128xf32>
    %eq3A_172 = arith.constant 14 : i32
    %eq3A_173 = vector.broadcast %eq3A_172 : i32 to vector<8x8x128xi32>
    %eq3A_174 = arith.cmpi eq, %get3A_8, %eq3A_173 : vector<8x8x128xi32>
    %get3A_175 = arith.constant 14 : index
    %get3A_176 = arith.constant 0 : index
    %get3A_177 = arith.constant 0 : index
    %get3A_178 = arith.constant 0 : index
    %get3A_179 = arith.constant 0 : index
    %get3A_180 = vector.load %arg2[%get3A_175, %get3A_176, %get3A_177, %get3A_178, %get3A_179] : memref<18x1x8x8x128xf32, #tpu.memory_space<vmem>>, vector<1x1x8x8x128xf32>
    %get3A_181 = vector.shape_cast %get3A_180 : vector<1x1x8x8x128xf32> to vector<8x8x128xf32>
    %jit3A_182 = arith.constant 0.000000e+00 : f32
    %broadcast_in_dim3A_183 = vector.broadcast %jit3A_182 : f32 to vector<8x8x128xf32>
    %select_n3A_184 = arith.select %eq3A_174, %get3A_181, %broadcast_in_dim3A_183 : vector<8x8x128xi1>, vector<8x8x128xf32>
    %add3A_185 = arith.addf %add3A_171, %select_n3A_184 : vector<8x8x128xf32>
    %eq3A_186 = arith.constant 15 : i32
    %eq3A_187 = vector.broadcast %eq3A_186 : i32 to vector<8x8x128xi32>
    %eq3A_188 = arith.cmpi eq, %get3A_8, %eq3A_187 : vector<8x8x128xi32>
    %get3A_189 = arith.constant 15 : index
    %get3A_190 = arith.constant 0 : index
    %get3A_191 = arith.constant 0 : index
    %get3A_192 = arith.constant 0 : index
    %get3A_193 = arith.constant 0 : index
    %get3A_194 = vector.load %arg2[%get3A_189, %get3A_190, %get3A_191, %get3A_192, %get3A_193] : memref<18x1x8x8x128xf32, #tpu.memory_space<vmem>>, vector<1x1x8x8x128xf32>
    %get3A_195 = vector.shape_cast %get3A_194 : vector<1x1x8x8x128xf32> to vector<8x8x128xf32>
    %jit3A_196 = arith.constant 0.000000e+00 : f32
    %broadcast_in_dim3A_197 = vector.broadcast %jit3A_196 : f32 to vector<8x8x128xf32>
    %select_n3A_198 = arith.select %eq3A_188, %get3A_195, %broadcast_in_dim3A_197 : vector<8x8x128xi1>, vector<8x8x128xf32>
    %add3A_199 = arith.addf %add3A_185, %select_n3A_198 : vector<8x8x128xf32>
    %eq3A_200 = arith.constant 16 : i32
    %eq3A_201 = vector.broadcast %eq3A_200 : i32 to vector<8x8x128xi32>
    %eq3A_202 = arith.cmpi eq, %get3A_8, %eq3A_201 : vector<8x8x128xi32>
    %get3A_203 = arith.constant 16 : index
    %get3A_204 = arith.constant 0 : index
    %get3A_205 = arith.constant 0 : index
    %get3A_206 = arith.constant 0 : index
    %get3A_207 = arith.constant 0 : index
    %get3A_208 = vector.load %arg2[%get3A_203, %get3A_204, %get3A_205, %get3A_206, %get3A_207] : memref<18x1x8x8x128xf32, #tpu.memory_space<vmem>>, vector<1x1x8x8x128xf32>
    %get3A_209 = vector.shape_cast %get3A_208 : vector<1x1x8x8x128xf32> to vector<8x8x128xf32>
    %jit3A_210 = arith.constant 0.000000e+00 : f32
    %broadcast_in_dim3A_211 = vector.broadcast %jit3A_210 : f32 to vector<8x8x128xf32>
    %select_n3A_212 = arith.select %eq3A_202, %get3A_209, %broadcast_in_dim3A_211 : vector<8x8x128xi1>, vector<8x8x128xf32>
    %add3A_213 = arith.addf %add3A_199, %select_n3A_212 : vector<8x8x128xf32>
    %eq3A_214 = arith.constant 17 : i32
    %eq3A_215 = vector.broadcast %eq3A_214 : i32 to vector<8x8x128xi32>
    %eq3A_216 = arith.cmpi eq, %get3A_8, %eq3A_215 : vector<8x8x128xi32>
    %get3A_217 = arith.constant 17 : index
    %get3A_218 = arith.constant 0 : index
    %get3A_219 = arith.constant 0 : index
    %get3A_220 = arith.constant 0 : index
    %get3A_221 = arith.constant 0 : index
    %get3A_222 = vector.load %arg2[%get3A_217, %get3A_218, %get3A_219, %get3A_220, %get3A_221] : memref<18x1x8x8x128xf32, #tpu.memory_space<vmem>>, vector<1x1x8x8x128xf32>
    %get3A_223 = vector.shape_cast %get3A_222 : vector<1x1x8x8x128xf32> to vector<8x8x128xf32>
    %jit3A_224 = arith.constant 0.000000e+00 : f32
    %broadcast_in_dim3A_225 = vector.broadcast %jit3A_224 : f32 to vector<8x8x128xf32>
    %select_n3A_226 = arith.select %eq3A_216, %get3A_223, %broadcast_in_dim3A_225 : vector<8x8x128xi1>, vector<8x8x128xf32>
    %add3A_227 = arith.addf %add3A_213, %select_n3A_226 : vector<8x8x128xf32>
    %get3A_228 = arith.constant 0 : index
    %get3A_229 = arith.constant 0 : index
    %get3A_230 = vector.load %arg4[%get3A_228, %get3A_229] : memref<8x128xf32, #tpu.memory_space<vmem>>, vector<8x128xf32>
    %reduce_sum3A = arith.constant dense<0.000000e+00> : vector<8x128xf32>
    %reduce_sum3A_231 = vector.multi_reduction <add>, %add3A_227, %reduce_sum3A [0] : vector<8x8x128xf32> to vector<8x128xf32>
    %add3A_232 = arith.addf %get3A_230, %reduce_sum3A_231 : vector<8x128xf32>
    %swap3A = arith.constant 0 : index
    %swap3A_233 = arith.constant 0 : index
    %swap3A_234 = vector.load %arg4[%swap3A, %swap3A_233] : memref<8x128xf32, #tpu.memory_space<vmem>>, vector<8x128xf32>
    tpu.vector_store %arg4[%swap3A, %swap3A_233], %add3A_232 {strides = array<i32>} : memref<8x128xf32, #tpu.memory_space<vmem>>, vector<8x128xf32>,
    return
  }
  func.func @transform_0(%arg0: i32, %arg1: i32) -> (i32, i32, i32, i32, i32) {
    %add3A = arith.constant 4 : i32
    %add3A_0 = arith.addi %arg1, %add3A : i32
    %c0_i32 = arith.constant 0 : i32
    %c0_i32_1 = arith.constant 0 : i32
    %c0_i32_2 = arith.constant 0 : i32
    %c0_i32_3 = arith.constant 0 : i32
    return %c0_i32, %arg0, %add3A_0, %c0_i32_1, %c0_i32_2 : i32, i32, i32, i32, i32
  }
  func.func @transform_1(%arg0: i32, %arg1: i32) -> (i32, i32, i32, i32) {
    %add3A = arith.constant 4 : i32
    %add3A_0 = arith.addi %arg1, %add3A : i32
    %c0_i32 = arith.constant 0 : i32
    %c0_i32_1 = arith.constant 0 : i32
    %c0_i32_2 = arith.constant 0 : i32
    return %arg0, %add3A_0, %c0_i32, %c0_i32_1 : i32, i32, i32, i32
  }
  func.func @transform_2(%arg0: i32, %arg1: i32) -> (i32, i32) {
    %c0_i32 = arith.constant 0 : i32
    %c0_i32_0 = arith.constant 0 : i32
    %c0_i32_1 = arith.constant 0 : i32
    return %c0_i32, %c0_i32_0 : i32, i32
  }
}

</mosaic_0001>

<sc_bundles>
// kernel: kernel.4.cloned.1.call-start
scs
__scs_entry_jumppad:
0x0: {  	(pc) =	sbr.rel $0x88, $3  }
0x1: {  	(tag) =	ssettag $0x0;
	lr =	simm.s32 $0x1  }
0x2: {  	[smem:$0x3F9E] =	sst lr;
	_ =	strace $0xD0000000  }
0x3: {  	_ = 	snop  }
0x4: {  	_ = 	snop  }
0x5: {  	_ = 	snop  }
0x6: {  	_ = 	snop  }
0x7: {  	_ = 	snop  }
__scs_overlays_trampoline_lowered:
0x8: {  	[smem:$0x3FAD] =	sst s0  }
0x9: {  	[smem:$0x3FAE] =	sst s1  }
0xa: {  	[smem:$0x3FAF] =	sst s2  }
0xb: {  	[smem:$0x3FB0] =	sst s3  }
0xc: {  	[smem:$0x3FB1] =	sst s4  }
0xd: {  	[smem:$0x3FB2] =	sst s5  }
0xe: {  	[smem:$0x3FB3] =	sst s6  }
0xf: {  	[smem:$0x3FB4] =	sst s7  }
0x10: {  	[smem:$0x3FB5] =	sst s8  }
0x11: {  	[smem:$0x3FB6] =	sst s9;
	s0 =	simm.s32 @!p0 $0x0  }
0x12: {  	s1 =	sld [smem:$0x3F9C];
	s0 =	simm.s32 @p0 $0x1  }
0x13: {  	[smem:$0x3FB7] =	sst s0;
	s0 =	simm.s32 @!p1 $0x0  }
0x14: {  	s2 =	sld [smem:$0x3F9B];
	s0 =	simm.s32 @p1 $0x1  }
0x15: {  	[smem:$0x3FB8] =	sst s0;
	s0 =	simm.s32 @!p2 $0x0  }
0x16: {  	s3 =	sld [smem:$0x3FDB];
	s0 =	simm.s32 @p2 $0x1  }
0x17: {  	s4 =	simm.s32 $0x1BF5;
	[smem:$0x3FBA] =	sst s0  }
0x18: {  	s0 =	sld [smem:$0x3F9D];
	_ =	swait.ge [sflag:s4], $0x0  }
0x19: {  	s7 =	sld [smem:$0x3F9E]  }
0x1a: {  	s8 =	sadd.s32 $0xFFFFE003, lr  }
0x1b: {  	s9 =	sadd.s32 $0xFFFFFEF7, lr;
	s5 =	simm.s32 $0xFFFFFFFF;
	p2 =	slt.u32 s8, $0xFFFFF086  }
0x1c: {  	p1 =	slt.u32 s9, $0xF7A;
	s5 =	simm.s32 @!p2 $0x0  }
0x1d: {  	s5 =	simm.s32 @p1 $0x1;
	p0 =	seq.s32 s7, s2  }
0x1e: {  	s7 =	smul.u32 @!p0 $0xF7A, s2;
	p2 =	seq.s32 @!p0 s5, $0x0  }
0x1f: {  	s9 =	smul.u32 $0xF7A, s1;
	s8 =	simm.s32 @!p0 $0x1BF5;
	p2 =	por !p2, p0  }
0x20: {  	[sflag:s8] =	ssyncset.s32 @!p0 $0xFFFFF086;
	s6 =	sadd.s32 @!p0 s3, s7;
	s7 =	simm.s32 @!p0 $0x108  }
0x21: {  	s3 =	sadd.s32 s3, s9;
	s6 =	sadd.s32 @!p0 $0x88, s6;
	s7 =	simm.s32 @p2 $0x1082  }
0x22: {  	[simem:s7], [sflag:s8] =	dma.local @!p0 [hbm:s6], $0xF7A  }
0x23: {  	s9 =	sor.u32 $0xD0000000, s2;
	s6 =	simm.s32 $0x108;
	_ =	swait.ge @!p0 [sflag:s8], $0x0  }
0x24: {  	s3 =	sadd.s32 $0x88, s3;
	s6 =	simm.s32 @!p1 $0x1082;
	[sflag:s4] =	ssyncset.s32 $0xFFFFF086  }
0x25: {  	[simem:s6], [sflag:s4] =	dma.local [hbm:s3], $0xF7A  }
0x26: {  	[smem:$0x3F9E] =	sst s1;
	(tag) =	ssettag s2;
	_ =	strace s9  }
0x27: {  	s1 =	sld [smem:$0x3FAE]  }
0x28: {  	s2 =	sld [smem:$0x3FAF]  }
0x29: {  	s4 =	sld [smem:$0x3FB1]  }
0x2a: {  	p0 =	seq.s32 s5, $0x0;
	s5 =	sld [smem:$0x3FB2]  }
0x2b: {  	s6 =	sld [smem:$0x3FB3]  }
0x2c: {  	s7 =	sld [smem:$0x3FB4]  }
0x2d: {  	s3 =	simm.s32 $0x108;
	s8 =	sld [smem:$0x3FB5]  }
0x2e: {  	s3 =	simm.s32 @!p0 $0x1082;
	s9 =	sld [smem:$0x3FB6]  }
0x2f: {  	lr =	sadd.s32 s0, s3;
	s0 =	sld [smem:$0x3FAD]  }
0x30: {  	s3 =	sld [smem:$0x3FB0]  }
0x31: {  	[smem:$0x3FB9] =	sst s10  }
0x32: {  	s10 =	sld [smem:$0x3FB7];
	_ =	sdelay $0x3  }
0x33: {  	p0 =	seq.s32 s10, $0x1;
	s10 =	sld [smem:$0x3FB9];
	_ =	sdelay $0x3  }
0x34: {  	[smem:$0x3FB9] =	sst s10  }
0x35: {  	s10 =	sld [smem:$0x3FB8];
	_ =	sdelay $0x3  }
0x36: {  	p1 =	seq.s32 s10, $0x1;
	s10 =	sld [smem:$0x3FB9];
	_ =	sdelay $0x3  }
0x37: {  	[smem:$0x3FB9] =	sst s10  }
0x38: {  	s10 =	sld [smem:$0x3FBA]  }
0x39: {  	_ = 	snop;
	(pc) =	sbr.ind lr, $3  }
0x3a: {  	_ = 	snop  }
0x3b: {  	_ = 	snop  }
0x3c: {  	p2 =	seq.s32 s10, $0x1;
	s10 =	sld [smem:$0x3FB9]  }
0x3d: {  	_ =	shalt  }
0x3e: {  	_ =	shalt  }
0x3f: {  	_ =	shalt  }
0x40: {  	_ =	shalt  }
0x41: {  	_ =	shalt  }
0x42: {  	_ =	shalt  }
0x43: {  	_ =	shalt  }
0x44: {  	_ =	shalt  }
0x45: {  	_ =	shalt  }
0x46: {  	_ =	shalt  }
0x47: {  	_ =	shalt  }
0x48: {  	_ =	shalt  }
0x49: {  	_ =	shalt  }
0x4a: {  	_ =	shalt  }
0x4b: {  	_ =	shalt  }
0x4c: {  	_ =	shalt  }
0x4d: {  	_ =	shalt  }
0x4e: {  	_ =	shalt  }
0x4f: {  	_ =	shalt  }
0x50: {  	_ =	shalt  }
0x51: {  	_ =	shalt  }
0x52: {  	_ =	shalt  }
0x53: {  	_ =	shalt  }
0x54: {  	_ =	shalt  }
0x55: {  	_ =	shalt  }
0x56: {  	_ =	shalt  }
0x57: {  	_ =	shalt  }
0x58: {  	_ =	shalt  }
0x59: {  	_ =	shalt  }
0x5a: {  	_ =	shalt  }
0x5b: {  	_ =	shalt  }
0x5c: {  	_ =	shalt  }
0x5d: {  	_ =	shalt  }
0x5e: {  	_ =	shalt  }
0x5f: {  	_ =	shalt  }
0x60: {  	_ =	shalt  }
0x61: {  	_ =	shalt  }
0x62: {  	_ =	shalt  }
0x63: {  	_ =	shalt  }
0x64: {  	_ =	shalt  }
0x65: {  	_ =	shalt  }
0x66: {  	_ =	shalt  }
0x67: {  	_ =	shalt  }
0x68: {  	_ =	shalt  }
0x69: {  	_ =	shalt  }
0x6a: {  	_ =	shalt  }
0x6b: {  	_ =	shalt  }
0x6c: {  	_ =	shalt  }
0x6d: {  	_ =	shalt  }
0x6e: {  	_ =	shalt  }
0x6f: {  	_ =	shalt  }
0x70: {  	_ =	shalt  }
0x71: {  	_ =	shalt  }
0x72: {  	_ =	shalt  }
0x73: {  	_ =	shalt  }
0x74: {  	_ =	shalt  }
0x75: {  	_ =	shalt  }
0x76: {  	_ =	shalt  }
0x77: {  	_ =	shalt  }
0x78: {  	_ =	shalt  }
0x79: {  	_ =	shalt  }
0x7a: {  	_ =	shalt  }
0x7b: {  	_ =	shalt  }
0x7c: {  	_ =	shalt  }
0x7d: {  	_ =	shalt  }
0x7e: {  	_ =	shalt  }
0x7f: {  	_ =	shalt  }
0x80: {  	_ =	shalt  }
0x81: {  	_ =	shalt  }
0x82: {  	_ =	shalt  }
0x83: {  	_ =	shalt  }
0x84: {  	_ =	shalt  }
0x85: {  	_ =	shalt  }
0x86: {  	_ =	shalt  }
0x87: {  	_ =	shalt  }
.Lfunc_end0:
.L_simem_size_0:
called_computation_lowered:
.L_overlay_start_0:
0x88: {  	s2 =	sld [smem:$0x3FD9]  }
0x89: {  	s3 =	sld [smem:$0x3FFE];
	_ =	sdelay $0x1  }
0x8a: {  	s1 =	srdreg.scid  }
0x8b: {  	s0 =	sand.u32 $0x1, s1  }
0x8c: {  	s17 =	sshll.u32 s0, $0xA;
	s2 =	sadd.s32 s3, s2  }
0x8d: {  	s2 =	sadd.s32 s2, s17  }
0x8e: {  	[smem:$0x3FC5] =	sst s2  }
0x8f: {  	_ = 	snop  }
0x90: {  	s2 =	sld [smem:$0x3FC9]  }
0x91: {  	s18 =	sld [smem:$0x3FC8]  }
0x92: {  	s4 =	sld [smem:$0x3FC7];
	(tm) =	ssettm $0x1  }
0x93: {  	s5 =	sld [smem:$0x3FFB];
	_ =	sdelay $0x3  }
0x94: {  	_ =	strace s5  }
0x95: {  	s5 =	sld [smem:$0x3FFC];
	_ =	sdelay $0x3  }
0x96: {  	_ =	strace s5  }
0x97: {  	s5 =	sld [smem:$0x3FFD];
	_ =	sdelay $0x3  }
0x98: {  	_ =	strace s5  }
0x99: {  	_ =	strace $0x8FFFFFFF  }
0x9a: {  	s19 =	sld [smem:$0x3FDB];
	_ =	sdelay $0x1  }
0x9b: {  	s6 =	simm.s32 $_scs_section_size  }
0x9c: {  	s7 =	simm.s32 $_size__tile_overlayer_lowered;
	s8 =	simm.s32 $_tile_overlayer_lowered  }
0x9d: {  	s22 =	simm.s32 $0x1BFF;
	s21 =	sshll.u32 s8, $0x1;
	s5 =	sadd.s32 s6, s19  }
0x9e: {  	s9 =	simm.s32 $0x0;
	s20 =	sshll.u32 s7, $0x1;
	s7 =	sadd.s32 s21, s5  }
0x9f: {  	[timem:s9], [sflag:s22] =	dma.local [hbm:s7], s20  }
0xa0: {  	_ =	swait.ge [sflag:s22], s20  }
0xa1: {  	s6 =	ssub.s32 $0x0, s20;
	[sflag:s22] =	ssyncset.done $0x0  }
0xa2: {  	[sflag:s22] =	ssyncadd.s32 s6;
	_ =	sdelay $0x1  }
0xa3: {  	s23 =	simm.s32 $0x1B8B  }
0xa4: {  	_ =	swait.ge [sflag:s23], $0x1  }
0xa5: {  	[sflag:s23] =	ssyncset.done $0x0  }
0xa6: {  	s25 =	simm.s32 $0x1B8E;
	s24 =	sld [smem:$0x3FFE];
	[sflag:s23] =	ssyncadd.s32 $0xFFFFFFFF  }
0xa7: {  	s26 =	simm.s32 $execute0_lowered;
	[smem:$0x3FD2] =	sst s25  }
0xa8: {  	s7 =	sshll.u32 s26, $0x1;
	_ =	strace $0x80000046;
	[dreg:$0x1] =	wrdreg $0xFFFFFFFF  }
0xa9: {  	s28 =	simm.s32 $_size_execute0_lowered;
	s5 =	sadd.s32 s5, s7;
	[dreg:$0x0] =	wrdreg $0x0  }
0xaa: {  	s7 =	sshll.u32 s28, $0x1;
	[dreg:$0x2] =	wrdreg s5  }
0xab: {  	[dreg:$0x3] =	wrdreg s7  }
0xac: {  	[dreg:$0x4] =	wrdreg $0xC0  }
0xad: {  	_ =	task [dreg:s9], $0x5FFFF  }
0xae: {  	[dreg:$0x1] =	wrdreg $0xFFFFFFFF  }
0xaf: {  	[dreg:$0x0] =	wrdreg $0x60  }
0xb0: {  	[dreg:$0x2] =	wrdreg s2  }
0xb1: {  	[dreg:$0x3] =	wrdreg s18  }
0xb2: {  	[dreg:$0x4] =	wrdreg s4  }
0xb3: {  	[dreg:$0x5] =	wrdreg s24  }
0xb4: {  	[dreg:$0x6] =	wrdreg $0x9  }
0xb5: {  	_ =	task.clear_ibuf [dreg:s9], $0x7FFFF;
	_ =	strace $0x90000046  }
0xb6: {  	s29 =	simm.s32 $0x9;
	_ =	strace $0x80000048  }
0xb7: {  	_ =	swait.ge [sflag:s29], $0x1  }
0xb8: {  	[sflag:s29] =	ssyncadd.s32 $0xFFFFFFFF  }
0xb9: {  	_ =	strace $0x90000048  }
0xba: {  	_ =	sfence  }
0xbb: {  	s30 =	sld [smem:$0x0];
	_ =	sdelay $0x2  }
0xbc: {  	s31 =	sshll.u32 s1, $0xD;
	s1 =	sshrl.u32 s1, $0x2  }
0xbd: {  	s3 =	sand.u32 $0x4000, s31;
	s1 =	sadd.s32 s1, s30  }
0xbe: {  	s0 =	sor.u32 s3, s0;
	s1 =	sshll.u32 s1, $0x11  }
0xbf: {  	s0 =	sor.u32 s1, s0  }
0xc0: {  	s0 =	sadd.s32 $0x8F2B, s0  }
0xc1: {  	[sflag:s0] =	ssyncadd.remote.s32 $0x1  }
0xc2: {  	_ =	sfence.sel $0xFFFF  }
0xc3: {  	[dreg:$0x0] =	wrdreg $0xFFFFFFFF;
	(pc) =	sbr.abs _section_cstart, $3  }
0xc4: {  	[dreg:$0x1] =	wrdreg $0xFFFFFFFF  }
0xc5: {  	_ =	task.clear_ibuf [dreg:s9], $0x2FFFF;
	_ =	strace $0x9FFFFFFF  }
0xc6: {  	(tm) =	ssettm $0x7FFFFFFF  }
0xc7: {  	_ =	shalt  }
tec
execute0_lowered:
.L_overlay_start_1:
0x0: {  	(tag) =	ssettag $0x1  }
0x1: {  	s2 =	srdreg.scid  }
0x2: {  	s1 =	rddreg [dreg:$0x0];
	s10 =	stileid.u32;
	s2 =	sand.u32 $0x1, s2  }
0x3: {  	s0 =	rddreg [dreg:$0x1];
	s4 =	sshll.u32 s10, $0x2;
	s5 =	sshll.u32 s2, $0x1  }
0x4: {  	s3 =	rddreg [dreg:$0x3];
	s6 =	sor.u32 s5, s4  }
0x5: {  	s7 =	sshll.u32 s10, $0xF;
	s8 =	ssub.s32 $0x2, s2;
	s5 =	sshll.u32 s6, $0x7  }
0x6: {  	s4 =	simm.s32 $0x0;
	s9 =	sshrl.u32 s8, $0x1;
	s5 =	sor.u32 s7, s5  }
0x7: {  	[smem:$0x7FF] =	sst s4;
	s8 =	ssub.s32 s8, s9;
	s5 =	sand.u32 $0x70300, s5  }
0x8: {  	s20 =	sadd.s32 s3, s6;
	_ =	strace $0x80000047;
	s5 =	sshrl.u32 s5, $0x3  }
0x9: {  	[dreg:$0x15] =	wrdreg s20;
	s22 =	smax.u32 s8, $0x1;
	s5 =	sadd.s32 s0, s5  }
0xa: {  	[dreg:$0x17] =	wrdreg s22;
	s28 =	sadd.s32 $0x80, s5  }
0xb: {  	s10 =	sshll.u32 s10, $0x9;
	s29 =	sadd.s32 $0x100, s5;
	[dreg:$0x5] =	wrdreg s28  }
0xc: {  	s2 =	sshll.u32 s2, $0x8;
	s30 =	sadd.s32 $0x180, s5;
	[dreg:$0x6] =	wrdreg s29  }
0xd: {  	s2 =	sor.u32 s2, s10;
	s31 =	sadd.s32 $0x200, s5;
	[dreg:$0x7] =	wrdreg s30  }
0xe: {  	s26 =	sor.u32 s2, s7;
	s7 =	sadd.s32 $0x280, s5;
	[dreg:$0x8] =	wrdreg s31  }
0xf: {  	s9 =	sadd.s32 $0x300, s5;
	[dreg:$0x9] =	wrdreg s7  }
0x10: {  	s10 =	sadd.s32 $0x380, s5;
	[dreg:$0xa] =	wrdreg s9  }
0x11: {  	s11 =	sadd.s32 $0x400, s5;
	[dreg:$0xb] =	wrdreg s10  }
0x12: {  	s12 =	sadd.s32 $0x480, s5;
	[dreg:$0xc] =	wrdreg s11  }
0x13: {  	s13 =	sadd.s32 $0x500, s5;
	[dreg:$0xd] =	wrdreg s12  }
0x14: {  	s14 =	sadd.s32 $0x580, s5;
	[dreg:$0xe] =	wrdreg s13  }
0x15: {  	s15 =	sadd.s32 $0x600, s5;
	[dreg:$0xf] =	wrdreg s14  }
0x16: {  	s16 =	sadd.s32 $0x680, s5;
	[dreg:$0x10] =	wrdreg s15  }
0x17: {  	s17 =	sadd.s32 $0x700, s5;
	[dreg:$0x11] =	wrdreg s16  }
0x18: {  	s18 =	sadd.s32 $0x780, s5;
	[dreg:$0x12] =	wrdreg s17  }
0x19: {  	s19 =	sadd.s32 $0x800, s5;
	[dreg:$0x13] =	wrdreg s18  }
0x1a: {  	s21 =	sadd.s32 $0x880, s5;
	[dreg:$0x14] =	wrdreg s19  }
0x1b: {  	s23 =	sadd.s32 $0x900, s5;
	[dreg:$0x16] =	wrdreg s21  }
0x1c: {  	s24 =	sadd.s32 $0x980, s5;
	[dreg:$0x18] =	wrdreg s23  }
0x1d: {  	s25 =	sand.u32 $0x70300, s26;
	s26 =	sadd.s32 $0xA00, s5;
	[dreg:$0x19] =	wrdreg s24  }
0x1e: {  	s2 =	sadd.s32 $0xC80, s5;
	[dreg:$0x1a] =	wrdreg s26  }
0x1f: {  	s3 =	sadd.s32 $0xD00, s5;
	[dreg:$0x1f] =	wrdreg s2  }
0x20: {  	s6 =	sadd.s32 $0xD80, s5;
	[smem:$0x7E5] =	sst s3  }
0x21: {  	s8 =	sadd.s32 $0xE80, s5;
	[smem:$0x7E6] =	sst s6  }
0x22: {  	s20 =	sadd.s32 $0x1480, s5;
	[smem:$0x7E8] =	sst s8  }
0x23: {  	s22 =	sadd.s32 $0x1580, s5;
	[smem:$0x7F4] =	sst s20  }
0x24: {  	s28 =	sadd.s32 $0xA80, s5;
	[smem:$0x7F6] =	sst s22  }
0x25: {  	s29 =	sadd.s32 $0xB00, s5;
	[dreg:$0x1b] =	wrdreg s28  }
0x26: {  	s30 =	sadd.s32 $0xB80, s5;
	[dreg:$0x1c] =	wrdreg s29  }
0x27: {  	s31 =	sadd.s32 $0xC00, s5;
	[dreg:$0x1d] =	wrdreg s30  }
0x28: {  	s7 =	sadd.s32 $0xE00, s5;
	[dreg:$0x1e] =	wrdreg s31  }
0x29: {  	s9 =	sadd.s32 $0xF00, s5;
	[smem:$0x7E7] =	sst s7  }
0x2a: {  	s10 =	sadd.s32 $0xF80, s5;
	[smem:$0x7E9] =	sst s9  }
0x2b: {  	s11 =	sadd.s32 $0x1000, s5;
	[smem:$0x7EA] =	sst s10  }
0x2c: {  	s12 =	sadd.s32 $0x1080, s5;
	[smem:$0x7EB] =	sst s11  }
0x2d: {  	s13 =	sadd.s32 $0x1100, s5;
	[smem:$0x7EC] =	sst s12  }
0x2e: {  	s14 =	sadd.s32 $0x1180, s5;
	[smem:$0x7ED] =	sst s13  }
0x2f: {  	s15 =	sadd.s32 $0x1200, s5;
	[smem:$0x7EE] =	sst s14  }
0x30: {  	s16 =	sadd.s32 $0x1280, s5;
	[smem:$0x7EF] =	sst s15  }
0x31: {  	v0 =	vlaneseq.u32;
	s17 =	sadd.s32 $0x1300, s5;
	[smem:$0x7F0] =	sst s16  }
0x32: {  	v34 =	vmul.u32 $0x11, v0;
	s18 =	sadd.s32 $0x1380, s5;
	[smem:$0x7F1] =	sst s17  }
0x33: {  	v35 =	vimm.s32 $0x16F;
	s0 =	sadd.s32 $0x1980, s5;
	s19 =	sadd.s32 $0x1400, s5;
	[smem:$0x7F2] =	sst s18  }
0x34: {  	v36 =	vimm.s32 $0x12;
	vm0 =	vmmov $0x1;
	v1 =	vadd.s32 $0x10, v34;
	s21 =	sadd.s32 $0x1500, s5;
	s23 =	sadd.s32 $0x1600, s5;
	[smem:$0x7F3] =	sst s19  }
0x35: {  	v2 =	vadd.s32 $0x11, v34;
	v3 =	vadd.s32 $0x12, v34;
	v4 =	vadd.s32 $0x13, v34;
	s24 =	sadd.s32 $0x1680, s5;
	s26 =	sadd.s32 $0x1700, s5;
	[smem:$0x7F5] =	sst s21  }
0x36: {  	v5 =	vadd.s32 $0x14, v34;
	v6 =	vadd.s32 $0x15, v34;
	v7 =	vadd.s32 $0x16, v34;
	s3 =	sadd.s32 $0x1A00, s5;
	s6 =	sadd.s32 $0x1A80, s5;
	[smem:$0x7F7] =	sst s23  }
0x37: {  	v8 =	vadd.s32 $0x17, v34;
	v9 =	vadd.s32 $0x18, v34;
	v10 =	vadd.s32 $0x19, v34;
	s8 =	sadd.s32 $0x1B80, s5;
	s20 =	simm.s32 $0x1;
	[smem:$0x7F8] =	sst s24  }
0x38: {  	v11 =	vadd.s32 $0x1A, v34;
	v12 =	vadd.s32 $0x1B, v34;
	v13 =	vadd.s32 $0x1C, v34;
	s22 =	simm.s32 $0x2;
	[smem:$0x7F9] =	sst s26;
	s28 =	sadd.s32 $0x1780, s5  }
0x39: {  	v14 =	vadd.s32 $0x1D, v34;
	v15 =	vadd.s32 $0x1E, v34;
	v16 =	vadd.s32 $0x1F, v34;
	s29 =	sadd.s32 $0x1800, s5;
	s30 =	sadd.s32 $0x1880, s5;
	s31 =	sadd.s32 $0x1900, s5  }
0x3a: {  	v17 =	vadd.s32 $0x20, v34;
	v18 =	vadd.s32 $0x24, v34;
	v19 =	vadd.s32 $0x25, v34;
	s7 =	sadd.s32 $0x1B00, s5;
	s9 =	sadd.s32 $0x1C00, s5;
	s10 =	sadd.s32 $0x1C80, s5  }
0x3b: {  	v20 =	vadd.s32 $0x26, v34;
	v21 =	vadd.s32 $0x27, v34;
	v22 =	vadd.s32 $0x28, v34;
	s11 =	sadd.s32 $0x1D00, s5;
	s12 =	sadd.s32 $0x1D80, s5;
	s13 =	sadd.s32 $0x1E00, s5  }
0x3c: {  	v23 =	vadd.s32 $0x29, v34;
	v24 =	vadd.s32 $0x2A, v34;
	v25 =	vadd.s32 $0x2B, v34;
	s14 =	sadd.s32 $0x1E80, s5;
	s15 =	sadd.s32 $0x1F00, s5;
	[smem:$0x7FA] =	sst s28  }
0x3d: {  	v26 =	vadd.s32 $0x2C, v34;
	v27 =	vadd.s32 $0x2D, v34;
	v28 =	vadd.s32 $0x2E, v34;
	s16 =	sadd.s32 $0x1F80, s5;
	s17 =	simm.s32 $0x8280;
	[smem:$0x7FB] =	sst s29  }
0x3e: {  	v29 =	vadd.s32 $0x2F, v34;
	v30 =	vadd.s32 $0x30, v34;
	v31 =	vadd.s32 $0x31, v34;
	s18 =	simm.s32 $0x3;
	s19 =	simm.s32 $0x8100;
	[smem:$0x7FC] =	sst s30  }
0x3f: {  	v32 =	vadd.s32 $0x32, v34;
	v33 =	vadd.s32 $0x33, v34;
	v34 =	vadd.s32 $0x34, v34;
	s21 =	simm.s32 $0x80;
	s23 =	simm.s32 $0x0;
	[smem:$0x7FD] =	sst s31  }
.LBB2_1:
0x40: {  	s2 =	rddreg [dreg:$0x2]  }
0x41: {  	[tilespmem:s17], [sflag:$0x3] =	stream.linear.gather [hbm4b:s2+s4], $0x180, $0x38;
	[tilespmem:$0x8480] =	vst v63  }
0x42: {  	_ =	swait.ge [sflag:s18], $0x180  }
0x43: {  	[sflag:s18] =	ssyncset.done $0x0  }
0x44: {  	[sflag:s18] =	ssyncadd.s32 $0xFFFFFE80  }
0x45: {  	v52 =	vld.idx.msk [tilespmem:v1+s17+$0x0], $0xffff  }
0x46: {  	v53 =	vld.idx.msk [tilespmem:v2+s17+$0x0], $0xffff  }
0x47: {  	v51 =	vld.idx.msk [tilespmem:v3+s17+$0x0], $0xffff  }
0x48: {  	v50 =	vld.idx.msk [tilespmem:v4+s17+$0x0], $0xffff  }
0x49: {  	v49 =	vld.idx.msk [tilespmem:v5+s17+$0x0], $0xffff  }
0x4a: {  	v48 =	vld.idx.msk [tilespmem:v6+s17+$0x0], $0xffff  }
0x4b: {  	v37 =	vld.idx.msk [tilespmem:v7+s17+$0x0], $0xffff;
	v39 =	vmax.f32 v52, v53  }
0x4c: {  	v38 =	vld.idx.msk [tilespmem:v8+s17+$0x0], $0xffff;
	v40 =	vmax.f32 v39, v51  }
0x4d: {  	v39 =	vld.idx.msk [tilespmem:v9+s17+$0x0], $0xffff;
	v41 =	vmax.f32 v40, v50  }
0x4e: {  	v40 =	vld.idx.msk [tilespmem:v10+s17+$0x0], $0xffff;
	v42 =	vmax.f32 v41, v49  }
0x4f: {  	v41 =	vld.idx.msk [tilespmem:v11+s17+$0x0], $0xffff;
	v43 =	vmax.f32 v42, v48  }
0x50: {  	v42 =	vld.idx.msk [tilespmem:v12+s17+$0x0], $0xffff;
	v44 =	vmax.f32 v43, v37  }
0x51: {  	v43 =	vld.idx.msk [tilespmem:v13+s17+$0x0], $0xffff;
	v45 =	vmax.f32 v44, v38  }
0x52: {  	v44 =	vld.idx.msk [tilespmem:v14+s17+$0x0], $0xffff;
	v46 =	vmax.f32 v45, v39  }
0x53: {  	v45 =	vld.idx.msk [tilespmem:v15+s17+$0x0], $0xffff;
	v47 =	vmax.f32 v46, v40  }
0x54: {  	v46 =	vld.idx.msk [tilespmem:v16+s17+$0x0], $0xffff;
	v54 =	vmax.f32 v47, v41  }
0x55: {  	v47 =	vld.idx.msk [tilespmem:v17+s17+$0x0], $0xffff;
	v54 =	vmax.f32 v54, v42  }
0x56: {  	v54 =	vmax.f32 v54, v43  }
0x57: {  	v54 =	vmax.f32 v54, v44  }
0x58: {  	v54 =	vmax.f32 v54, v45  }
0x59: {  	v54 =	vmax.f32 v54, v46  }
0x5a: {  	v54 =	vmax.f32 v54, v47  }
0x5b: {  	v55 =	vsub.f32 v52, v54  }
0x5c: {  	v56 =	vsub.f32 v53, v54  }
0x5d: {  	v55 =	vmul.f32 $1.442695020e+00, v55  }
0x5e: {  	v56 =	vmul.f32 $1.442695020e+00, v56  }
0x5f: {  	v57 =	vsub.f32 v51, v54;
	(erf) = vpow2.f32 v55  }
0x60: {  	(erf) = vpow2.f32 v56  }
0x61: {  	v63 =	vsub.f32 v50, v54;
	v62 =	vmul.f32 $1.442695020e+00, v57  }
0x62: {  	v61 =	vsub.f32 v49, v54  }
0x63: {  	v60 =	vmul.f32 $1.442695020e+00, v63;
	(erf) = vpow2.f32 v62  }
0x64: {  	v63 =	vsub.f32 v48, v54;
	v62 =	vmul.f32 $1.442695020e+00, v61  }
0x65: {  	v61 =	vsub.f32 v37, v54;
	(erf) = vpow2.f32 v60  }
0x66: {  	v60 =	vmul.f32 $1.442695020e+00, v63  }
0x67: {  	(erf) = vpow2.f32 v62;
	v63 =	vmul.f32 $1.442695020e+00, v61  }
0x68: {  	v62 =	vpop (erf);
	(erf) = vpow2.f32 v60;
	v60 =	vsub.f32 v38, v54  }
0x69: {  	v58 =	vpop (erf);
	(erf) = vpow2.f32 v63  }
0x6a: {  	v63 =	vsub.f32 v39, v54;
	v57 =	vadd.f32 v58, v62;
	v62 =	vmul.f32 $1.442695020e+00, v60;
	_ =	sdelay $0x1  }
0x6b: {  	v61 =	vpop (erf);
	v60 =	vmul.f32 $1.442695020e+00, v63  }
0x6c: {  	v57 =	vadd.f32 v57, v61;
	(erf) = vpow2.f32 v62  }
0x6d: {  	v61 =	vsub.f32 v40, v54;
	v62 =	vpop (erf)  }
0x6e: {  	(erf) = vpow2.f32 v60;
	v57 =	vadd.f32 v57, v62  }
0x6f: {  	v63 =	vmul.f32 $1.442695020e+00, v61;
	v61 =	vsub.f32 v41, v54;
	v60 =	vpop (erf)  }
0x70: {  	v56 =	vadd.f32 v57, v60  }
0x71: {  	(erf) = vpow2.f32 v63;
	v63 =	vmul.f32 $1.442695020e+00, v61;
	v62 =	vpop (erf);
	v60 =	vsub.f32 v42, v54  }
0x72: {  	v55 =	vadd.f32 v56, v62  }
0x73: {  	v61 =	vpop (erf);
	(erf) = vpow2.f32 v63;
	v63 =	vsub.f32 v43, v54;
	v62 =	vmul.f32 $1.442695020e+00, v60  }
0x74: {  	v55 =	vadd.f32 v55, v61  }
0x75: {  	v60 =	vpop (erf);
	(erf) = vpow2.f32 v62;
	v61 =	vmul.f32 $1.442695020e+00, v63;
	v62 =	vsub.f32 v44, v54  }
0x76: {  	v55 =	vadd.f32 v55, v60  }
0x77: {  	v63 =	vpop (erf);
	(erf) = vpow2.f32 v61;
	v60 =	vmul.f32 $1.442695020e+00, v62;
	v61 =	vsub.f32 v45, v54  }
0x78: {  	v55 =	vadd.f32 v55, v63  }
0x79: {  	(erf) = vpow2.f32 v60;
	v63 =	vmul.f32 $1.442695020e+00, v61;
	v60 =	vsub.f32 v46, v54;
	_ =	sdelay $0x1  }
0x7a: {  	v62 =	vpop (erf);
	v61 =	vmul.f32 $1.442695020e+00, v60  }
0x7b: {  	v55 =	vadd.f32 v55, v62;
	(erf) = vpow2.f32 v63;
	v62 =	vsub.f32 v47, v54  }
0x7c: {  	v63 =	vpop (erf)  }
0x7d: {  	(erf) = vpow2.f32 v61;
	v60 =	vmul.f32 $1.442695020e+00, v62;
	v55 =	vadd.f32 v55, v63  }
0x7e: {  	v61 =	vpop (erf)  }
0x7f: {  	(erf) = vpow2.f32 v60;
	v55 =	vadd.f32 v55, v61  }
0x80: {  	v62 =	vpop (erf)  }
0x81: {  	v55 =	vadd.f32 v55, v62  }
0x82: {  	v63 =	vpop (erf)  }
0x83: {  	v55 =	vadd.f32 v55, v63  }
0x84: {  	v60 =	vpop (erf)  }
0x85: {  	v55 =	vadd.f32 v55, v60  }
0x86: {  	v61 =	vpop (erf)  }
0x87: {  	v55 =	vadd.f32 v55, v61  }
0x88: {  	v62 =	vpop (erf)  }
0x89: {  	v55 =	vadd.f32 v55, v62;
	_ =	sdelay $0x1  }
0x8a: {  	v56 =	vcvt.s32.f32 v55;
	_ =	sdelay $0x1  }
0x8b: {  	v56 =	vadd.f32 $-1.064866820e+09, v56;
	_ =	sdelay $0x1  }
0x8c: {  	v56 =	vmul.f32 $8.262958320e-08, v56;
	_ =	sdelay $0x1  }
0x8d: {  	v63 =	vsub.f32 $0.0e+00, v56;
	_ =	sdelay $0x1  }
0x8e: {  	v57 =	vmul.f32 $1.442695020e+00, v63;
	_ =	sdelay $0x1  }
0x8f: {  	(erf) = vpow2.f32 v57;
	_ =	sdelay $0x8  }
0x90: {  	v57 =	vpop (erf)  }
0x91: {  	v56 =	vadd.f32 $-1.000000000e+00, v56;
	v57 =	vmul.f32 v57, v55;
	_ =	sdelay $0x1  }
0x92: {  	v56 =	vadd.f32 v57, v56;
	_ =	sdelay $0x1  }
0x93: {  	v57 =	vsub.f32 $0.0e+00, v56;
	_ =	sdelay $0x1  }
0x94: {  	v57 =	vmul.f32 $1.442695020e+00, v57;
	_ =	sdelay $0x1  }
0x95: {  	(erf) = vpow2.f32 v57;
	_ =	sdelay $0x8  }
0x96: {  	v57 =	vpop (erf)  }
0x97: {  	v56 =	vadd.f32 $-1.000000000e+00, v56;
	v57 =	vmul.f32 v57, v55;
	_ =	sdelay $0x1  }
0x98: {  	v56 =	vadd.f32 v57, v56;
	_ =	sdelay $0x1  }
0x99: {  	v57 =	vsub.f32 $0.0e+00, v56;
	_ =	sdelay $0x1  }
0x9a: {  	v57 =	vmul.f32 $1.442695020e+00, v57;
	_ =	sdelay $0x1  }
0x9b: {  	(erf) = vpow2.f32 v57;
	_ =	sdelay $0x8  }
0x9c: {  	v57 =	vpop (erf)  }
0x9d: {  	v56 =	vadd.f32 $-1.000000000e+00, v56;
	v55 =	vmul.f32 v57, v55;
	_ =	sdelay $0x1  }
0x9e: {  	v55 =	vadd.f32 v55, v56;
	_ =	sdelay $0x1  }
0x9f: {  	v54 =	vadd.f32 v55, v54;
	_ =	sdelay $0x1  }
0xa0: {  	v52 =	vsub.f32 v52, v54  }
0xa1: {  	v53 =	vsub.f32 v53, v54  }
0xa2: {  	v51 =	vsub.f32 v51, v54;
	[tilespmem:v18+s19+$0x0] =	vst.idx.msk $0xffff, v52  }
0xa3: {  	v50 =	vsub.f32 v50, v54;
	[tilespmem:v19+s19+$0x0] =	vst.idx.msk $0xffff, v53  }
0xa4: {  	v49 =	vsub.f32 v49, v54;
	[tilespmem:v20+s19+$0x0] =	vst.idx.msk $0xffff, v51  }
0xa5: {  	v48 =	vsub.f32 v48, v54;
	[tilespmem:v21+s19+$0x0] =	vst.idx.msk $0xffff, v50  }
0xa6: {  	v37 =	vsub.f32 v37, v54;
	[tilespmem:v22+s19+$0x0] =	vst.idx.msk $0xffff, v49  }
0xa7: {  	v38 =	vsub.f32 v38, v54;
	[tilespmem:v23+s19+$0x0] =	vst.idx.msk $0xffff, v48  }
0xa8: {  	v51 =	vsub.f32 v39, v54;
	[tilespmem:v24+s19+$0x0] =	vst.idx.msk $0xffff, v37  }
0xa9: {  	v52 =	vsub.f32 v40, v54;
	[tilespmem:v25+s19+$0x0] =	vst.idx.msk $0xffff, v38  }
0xaa: {  	v53 =	vsub.f32 v41, v54;
	[tilespmem:v26+s19+$0x0] =	vst.idx.msk $0xffff, v51  }
0xab: {  	v55 =	vsub.f32 v42, v54;
	[tilespmem:v27+s19+$0x0] =	vst.idx.msk $0xffff, v52  }
0xac: {  	v56 =	vsub.f32 v43, v54;
	[tilespmem:v28+s19+$0x0] =	vst.idx.msk $0xffff, v53  }
0xad: {  	v57 =	vsub.f32 v44, v54;
	[tilespmem:v29+s19+$0x0] =	vst.idx.msk $0xffff, v55  }
0xae: {  	v58 =	vsub.f32 v45, v54;
	[tilespmem:v30+s19+$0x0] =	vst.idx.msk $0xffff, v56  }
0xaf: {  	v59 =	vsub.f32 v46, v54;
	[tilespmem:v31+s19+$0x0] =	vst.idx.msk $0xffff, v57  }
0xb0: {  	v60 =	vsub.f32 v47, v54;
	[tilespmem:v32+s19+$0x0] =	vst.idx.msk $0xffff, v58  }
0xb1: {  	[tilespmem:v33+s19+$0x0] =	vst.idx.msk $0xffff, v59  }
0xb2: {  	[tilespmem:v34+s19+$0x0] =	vst.idx.msk $0xffff, v60  }
0xb3: {  	v37 =	vld [tilespmem:$0x8280];
	_ =	sdelay $0x4  }
0xb4: {  	(xrf0) =	vmax.scan.msk.f32 $0xffff, v37;
	_ =	sdelay $0x5  }
0xb5: {  	v61, _, _ =	vpop (xrf0)  }
0xb6: {  	[tilespmem:$0x8260] =	vst v61  }
0xb7: {  	v38 =	vld.idx.msk [tilespmem:v35+s19+$0x0], $0xffff;
	_ =	sdelay $0x4  }
0xb8: {  	v37 =	vsub.f32 v37, v38;
	_ =	sdelay $0x1  }
0xb9: {  	v38 =	vmul.f32 $1.442695020e+00, v37;
	_ =	sdelay $0x1  }
0xba: {  	(erf) = vpow2.f32 v38;
	_ =	sdelay $0x8  }
0xbb: {  	v38 =	vpop (erf)  }
0xbc: {  	(xrf2) =	vadd.scan.msk.f32 $0xffff, v38;
	_ =	sdelay $0x9  }
0xbd: {  	v38, _, _ =	vpop (xrf2)  }
0xbe: {  	[tilespmem:$0x8260] =	vst v38  }
0xbf: {  	v38 =	vld.idx.msk [tilespmem:v35+s19+$0x0], $0xffff;
	_ =	sdelay $0x4  }
0xc0: {  	v62 =	vcvt.s32.f32 v38;
	_ =	sdelay $0x1  }
0xc1: {  	v39 =	vadd.f32 $-1.064866820e+09, v62;
	_ =	sdelay $0x1  }
0xc2: {  	v39 =	vmul.f32 $8.262958320e-08, v39;
	_ =	sdelay $0x1  }
0xc3: {  	v63 =	vsub.f32 $0.0e+00, v39;
	_ =	sdelay $0x1  }
0xc4: {  	v40 =	vmul.f32 $1.442695020e+00, v63;
	_ =	sdelay $0x1  }
0xc5: {  	(erf) = vpow2.f32 v40;
	_ =	sdelay $0x8  }
0xc6: {  	v40 =	vpop (erf)  }
0xc7: {  	v39 =	vadd.f32 $-1.000000000e+00, v39;
	v40 =	vmul.f32 v40, v38;
	_ =	sdelay $0x1  }
0xc8: {  	v39 =	vadd.f32 v40, v39;
	_ =	sdelay $0x1  }
0xc9: {  	v40 =	vsub.f32 $0.0e+00, v39;
	_ =	sdelay $0x1  }
0xca: {  	v40 =	vmul.f32 $1.442695020e+00, v40;
	_ =	sdelay $0x1  }
0xcb: {  	(erf) = vpow2.f32 v40;
	_ =	sdelay $0x8  }
0xcc: {  	v40 =	vpop (erf)  }
0xcd: {  	v39 =	vadd.f32 $-1.000000000e+00, v39;
	v40 =	vmul.f32 v40, v38;
	_ =	sdelay $0x1  }
0xce: {  	v39 =	vadd.f32 v40, v39;
	_ =	sdelay $0x1  }
0xcf: {  	v40 =	vsub.f32 $0.0e+00, v39;
	_ =	sdelay $0x1  }
0xd0: {  	v40 =	vmul.f32 $1.442695020e+00, v40;
	_ =	sdelay $0x1  }
0xd1: {  	(erf) = vpow2.f32 v40;
	_ =	sdelay $0x8  }
0xd2: {  	v40 =	vpop (erf)  }
0xd3: {  	v39 =	vadd.f32 $-1.000000000e+00, v39;
	v38 =	vmul.f32 v40, v38;
	_ =	sdelay $0x1  }
0xd4: {  	v38 =	vadd.f32 v38, v39;
	_ =	sdelay $0x1  }
0xd5: {  	v37 =	vsub.f32 v37, v38;
	_ =	sdelay $0x1  }
0xd6: {  	s31 =	rddreg [dreg:$0x5];
	[tilespmem:$0x8236] =	vst v37  }
0xd7: {  	[tilespmem:s4], [sflag:$0x1] =	stream.linear.gather [hbm4b:s5+s4], $0x100, $0x38;
	[tilespmem:$0x8480] =	vst v63  }
0xd8: {  	s24 =	simm.s32 $0x100;
	s30 =	rddreg [dreg:$0x7]  }
0xd9: {  	[tilespmem:s24], [sflag:$0x1] =	stream.linear.gather [hbm4b:s31+s4], $0x100, $0x38;
	[tilespmem:$0x8480] =	vst v63  }
0xda: {  	s26 =	simm.s32 $0x200;
	s24 =	rddreg [dreg:$0x6]  }
0xdb: {  	[tilespmem:s26], [sflag:$0x1] =	stream.linear.gather [hbm4b:s24+s4], $0x100, $0x38;
	[tilespmem:$0x8480] =	vst v63  }
0xdc: {  	s31 =	simm.s32 $0x300;
	s24 =	rddreg [dreg:$0x8]  }
0xdd: {  	[tilespmem:s31], [sflag:$0x1] =	stream.linear.gather [hbm4b:s30+s4], $0x100, $0x38;
	[tilespmem:$0x8480] =	vst v63  }
0xde: {  	s26 =	simm.s32 $0x400;
	s30 =	rddreg [dreg:$0x9]  }
0xdf: {  	[tilespmem:s26], [sflag:$0x1] =	stream.linear.gather [hbm4b:s24+s4], $0x100, $0x38;
	[tilespmem:$0x8480] =	vst v63  }
0xe0: {  	s31 =	simm.s32 $0x500;
	s24 =	rddreg [dreg:$0xa]  }
0xe1: {  	[tilespmem:s31], [sflag:$0x1] =	stream.linear.gather [hbm4b:s30+s4], $0x100, $0x38;
	[tilespmem:$0x8480] =	vst v63  }
0xe2: {  	s26 =	simm.s32 $0x600;
	s30 =	rddreg [dreg:$0xb]  }
0xe3: {  	[tilespmem:s26], [sflag:$0x1] =	stream.linear.gather [hbm4b:s24+s4], $0x100, $0x38;
	[tilespmem:$0x8480] =	vst v63  }
0xe4: {  	s31 =	simm.s32 $0x700;
	s24 =	rddreg [dreg:$0xc]  }
0xe5: {  	[tilespmem:s31], [sflag:$0x1] =	stream.linear.gather [hbm4b:s30+s4], $0x100, $0x38;
	[tilespmem:$0x8480] =	vst v63  }
0xe6: {  	s26 =	simm.s32 $0x800;
	s30 =	rddreg [dreg:$0xd]  }
0xe7: {  	[tilespmem:s26], [sflag:$0x1] =	stream.linear.gather [hbm4b:s24+s4], $0x100, $0x38;
	[tilespmem:$0x8480] =	vst v63  }
0xe8: {  	s31 =	simm.s32 $0x900;
	s24 =	rddreg [dreg:$0xe]  }
0xe9: {  	[tilespmem:s31], [sflag:$0x1] =	stream.linear.gather [hbm4b:s30+s4], $0x100, $0x38;
	[tilespmem:$0x8480] =	vst v63  }
0xea: {  	s26 =	simm.s32 $0xA00;
	s30 =	rddreg [dreg:$0xf]  }
0xeb: {  	[tilespmem:s26], [sflag:$0x1] =	stream.linear.gather [hbm4b:s24+s4], $0x100, $0x38;
	[tilespmem:$0x8480] =	vst v63  }
0xec: {  	s31 =	simm.s32 $0xB00;
	s24 =	rddreg [dreg:$0x10]  }
0xed: {  	[tilespmem:s31], [sflag:$0x1] =	stream.linear.gather [hbm4b:s30+s4], $0x100, $0x38;
	[tilespmem:$0x8480] =	vst v63  }
0xee: {  	s26 =	simm.s32 $0xC00;
	s30 =	rddreg [dreg:$0x11]  }
0xef: {  	[tilespmem:s26], [sflag:$0x1] =	stream.linear.gather [hbm4b:s24+s4], $0x100, $0x38;
	[tilespmem:$0x8480] =	vst v63  }
0xf0: {  	s31 =	simm.s32 $0xD00;
	s24 =	rddreg [dreg:$0x12]  }
0xf1: {  	[tilespmem:s31], [sflag:$0x1] =	stream.linear.gather [hbm4b:s30+s4], $0x100, $0x38;
	[tilespmem:$0x8480] =	vst v63  }
0xf2: {  	s26 =	simm.s32 $0xE00;
	s30 =	rddreg [dreg:$0x13]  }
0xf3: {  	[tilespmem:s26], [sflag:$0x1] =	stream.linear.gather [hbm4b:s24+s4], $0x100, $0x38;
	[tilespmem:$0x8480] =	vst v63  }
0xf4: {  	s31 =	simm.s32 $0xF00;
	s24 =	rddreg [dreg:$0x14]  }
0xf5: {  	[tilespmem:s31], [sflag:$0x1] =	stream.linear.gather [hbm4b:s30+s4], $0x100, $0x38;
	[tilespmem:$0x8480] =	vst v63  }
0xf6: {  	s26 =	simm.s32 $0x1000;
	s30 =	rddreg [dreg:$0x16]  }
0xf7: {  	[tilespmem:s26], [sflag:$0x1] =	stream.linear.gather [hbm4b:s24+s4], $0x100, $0x38;
	[tilespmem:$0x8480] =	vst v63  }
0xf8: {  	s31 =	simm.s32 $0x1100;
	s24 =	rddreg [dreg:$0x18]  }
0xf9: {  	[tilespmem:s31], [sflag:$0x1] =	stream.linear.gather [hbm4b:s30+s4], $0x100, $0x38;
	[tilespmem:$0x8480] =	vst v63  }
0xfa: {  	s26 =	simm.s32 $0x1200;
	s30 =	rddreg [dreg:$0x19]  }
0xfb: {  	[tilespmem:s26], [sflag:$0x1] =	stream.linear.gather [hbm4b:s24+s4], $0x100, $0x38;
	[tilespmem:$0x8480] =	vst v63  }
0xfc: {  	s31 =	simm.s32 $0x1300;
	s24 =	rddreg [dreg:$0x1a]  }
0xfd: {  	[tilespmem:s31], [sflag:$0x1] =	stream.linear.gather [hbm4b:s30+s4], $0x100, $0x38;
	[tilespmem:$0x8480] =	vst v63  }
0xfe: {  	s26 =	simm.s32 $0x1400;
	s30 =	rddreg [dreg:$0x1b]  }
0xff: {  	[tilespmem:s26], [sflag:$0x1] =	stream.linear.gather [hbm4b:s24+s4], $0x100, $0x38;
	[tilespmem:$0x8480] =	vst v63  }
0x100: {  	s31 =	simm.s32 $0x1500;
	s24 =	rddreg [dreg:$0x1c]  }
0x101: {  	[tilespmem:s31], [sflag:$0x1] =	stream.linear.gather [hbm4b:s30+s4], $0x100, $0x38;
	[tilespmem:$0x8480] =	vst v63  }
0x102: {  	s26 =	simm.s32 $0x1600;
	s30 =	rddreg [dreg:$0x1d]  }
0x103: {  	[tilespmem:s26], [sflag:$0x1] =	stream.linear.gather [hbm4b:s24+s4], $0x100, $0x38;
	[tilespmem:$0x8480] =	vst v63  }
0x104: {  	s31 =	simm.s32 $0x1700;
	s24 =	rddreg [dreg:$0x1e]  }
0x105: {  	[tilespmem:s31], [sflag:$0x1] =	stream.linear.gather [hbm4b:s30+s4], $0x100, $0x38;
	[tilespmem:$0x8480] =	vst v63  }
0x106: {  	s26 =	simm.s32 $0x1800;
	s30 =	rddreg [dreg:$0x1f]  }
0x107: {  	[tilespmem:s26], [sflag:$0x1] =	stream.linear.gather [hbm4b:s24+s4], $0x100, $0x38;
	[tilespmem:$0x8480] =	vst v63  }
0x108: {  	s31 =	simm.s32 $0x1900;
	s24 =	sld [smem:$0x7E5]  }
0x109: {  	[tilespmem:s31], [sflag:$0x1] =	stream.linear.gather [hbm4b:s30+s4], $0x100, $0x38;
	[tilespmem:$0x8480] =	vst v63  }
0x10a: {  	s26 =	simm.s32 $0x1A00;
	s30 =	sld [smem:$0x7E6]  }
0x10b: {  	[tilespmem:s26], [sflag:$0x1] =	stream.linear.gather [hbm4b:s24+s4], $0x100, $0x38;
	[tilespmem:$0x8480] =	vst v63  }
0x10c: {  	s31 =	simm.s32 $0x1B00;
	s24 =	sld [smem:$0x7E7]  }
0x10d: {  	[tilespmem:s31], [sflag:$0x1] =	stream.linear.gather [hbm4b:s30+s4], $0x100, $0x38;
	[tilespmem:$0x8480] =	vst v63  }
0x10e: {  	s26 =	simm.s32 $0x1C00;
	s30 =	sld [smem:$0x7E8]  }
0x10f: {  	[tilespmem:s26], [sflag:$0x1] =	stream.linear.gather [hbm4b:s24+s4], $0x100, $0x38;
	[tilespmem:$0x8480] =	vst v63  }
0x110: {  	s31 =	simm.s32 $0x1D00;
	s24 =	sld [smem:$0x7E9]  }
0x111: {  	[tilespmem:s31], [sflag:$0x1] =	stream.linear.gather [hbm4b:s30+s4], $0x100, $0x38;
	[tilespmem:$0x8480] =	vst v63  }
0x112: {  	s26 =	simm.s32 $0x1E00;
	s30 =	sld [smem:$0x7EA]  }
0x113: {  	[tilespmem:s26], [sflag:$0x1] =	stream.linear.gather [hbm4b:s24+s4], $0x100, $0x38;
	[tilespmem:$0x8480] =	vst v63  }
0x114: {  	s31 =	simm.s32 $0x1F00;
	s24 =	sld [smem:$0x7EB]  }
0x115: {  	[tilespmem:s31], [sflag:$0x1] =	stream.linear.gather [hbm4b:s30+s4], $0x100, $0x38;
	[tilespmem:$0x8480] =	vst v63  }
0x116: {  	s26 =	simm.s32 $0x2000;
	s30 =	sld [smem:$0x7EC]  }
0x117: {  	[tilespmem:s26], [sflag:$0x1] =	stream.linear.gather [hbm4b:s24+s4], $0x100, $0x38;
	[tilespmem:$0x8480] =	vst v63  }
0x118: {  	s31 =	simm.s32 $0x2100;
	s24 =	sld [smem:$0x7ED]  }
0x119: {  	[tilespmem:s31], [sflag:$0x1] =	stream.linear.gather [hbm4b:s30+s4], $0x100, $0x38;
	[tilespmem:$0x8480] =	vst v63  }
0x11a: {  	s26 =	simm.s32 $0x2200;
	s30 =	sld [smem:$0x7EE]  }
0x11b: {  	[tilespmem:s26], [sflag:$0x1] =	stream.linear.gather [hbm4b:s24+s4], $0x100, $0x38;
	[tilespmem:$0x8480] =	vst v63  }
0x11c: {  	s31 =	simm.s32 $0x2300;
	s24 =	sld [smem:$0x7EF]  }
0x11d: {  	[tilespmem:s31], [sflag:$0x1] =	stream.linear.gather [hbm4b:s30+s4], $0x100, $0x38;
	[tilespmem:$0x8480] =	vst v63  }
0x11e: {  	s26 =	simm.s32 $0x2400;
	s30 =	sld [smem:$0x7F0]  }
0x11f: {  	[tilespmem:s26], [sflag:$0x1] =	stream.linear.gather [hbm4b:s24+s4], $0x100, $0x38;
	[tilespmem:$0x8480] =	vst v63  }
0x120: {  	s31 =	simm.s32 $0x2500;
	s24 =	sld [smem:$0x7F1]  }
0x121: {  	[tilespmem:s31], [sflag:$0x1] =	stream.linear.gather [hbm4b:s30+s4], $0x100, $0x38;
	[tilespmem:$0x8480] =	vst v63  }
0x122: {  	s26 =	simm.s32 $0x2600;
	s30 =	sld [smem:$0x7F2]  }
0x123: {  	[tilespmem:s26], [sflag:$0x1] =	stream.linear.gather [hbm4b:s24+s4], $0x100, $0x38;
	[tilespmem:$0x8480] =	vst v63  }
0x124: {  	s31 =	simm.s32 $0x2700;
	s24 =	sld [smem:$0x7F3]  }
0x125: {  	[tilespmem:s31], [sflag:$0x1] =	stream.linear.gather [hbm4b:s30+s4], $0x100, $0x38;
	[tilespmem:$0x8480] =	vst v63  }
0x126: {  	s26 =	simm.s32 $0x2800;
	s30 =	sld [smem:$0x7F4]  }
0x127: {  	[tilespmem:s26], [sflag:$0x1] =	stream.linear.gather [hbm4b:s24+s4], $0x100, $0x38;
	[tilespmem:$0x8480] =	vst v63  }
0x128: {  	s31 =	simm.s32 $0x2900;
	s24 =	sld [smem:$0x7F5]  }
0x129: {  	[tilespmem:s31], [sflag:$0x1] =	stream.linear.gather [hbm4b:s30+s4], $0x100, $0x38;
	[tilespmem:$0x8480] =	vst v63  }
0x12a: {  	s26 =	simm.s32 $0x2A00;
	s30 =	sld [smem:$0x7F6]  }
0x12b: {  	[tilespmem:s26], [sflag:$0x1] =	stream.linear.gather [hbm4b:s24+s4], $0x100, $0x38;
	[tilespmem:$0x8480] =	vst v63  }
0x12c: {  	s31 =	simm.s32 $0x2B00;
	s24 =	sld [smem:$0x7F7]  }
0x12d: {  	[tilespmem:s31], [sflag:$0x1] =	stream.linear.gather [hbm4b:s30+s4], $0x100, $0x38;
	[tilespmem:$0x8480] =	vst v63  }
0x12e: {  	s26 =	simm.s32 $0x2C00;
	s30 =	sld [smem:$0x7F8]  }
0x12f: {  	[tilespmem:s26], [sflag:$0x1] =	stream.linear.gather [hbm4b:s24+s4], $0x100, $0x38;
	[tilespmem:$0x8480] =	vst v63  }
0x130: {  	s31 =	simm.s32 $0x2D00;
	s24 =	sld [smem:$0x7F9]  }
0x131: {  	[tilespmem:s31], [sflag:$0x1] =	stream.linear.gather [hbm4b:s30+s4], $0x100, $0x38;
	[tilespmem:$0x8480] =	vst v63  }
0x132: {  	s26 =	simm.s32 $0x2E00;
	s30 =	sld [smem:$0x7FA]  }
0x133: {  	[tilespmem:s26], [sflag:$0x1] =	stream.linear.gather [hbm4b:s24+s4], $0x100, $0x38;
	[tilespmem:$0x8480] =	vst v63  }
0x134: {  	s31 =	simm.s32 $0x2F00;
	s24 =	sld [smem:$0x7FB]  }
0x135: {  	[tilespmem:s31], [sflag:$0x1] =	stream.linear.gather [hbm4b:s30+s4], $0x100, $0x38;
	[tilespmem:$0x8480] =	vst v63  }
0x136: {  	s26 =	simm.s32 $0x3000;
	s30 =	sld [smem:$0x7FC]  }
0x137: {  	[tilespmem:s26], [sflag:$0x1] =	stream.linear.gather [hbm4b:s24+s4], $0x100, $0x38;
	[tilespmem:$0x8480] =	vst v63  }
0x138: {  	s31 =	simm.s32 $0x3100;
	s26 =	sld [smem:$0x7FD]  }
0x139: {  	[tilespmem:s31], [sflag:$0x1] =	stream.linear.gather [hbm4b:s30+s4], $0x100, $0x38;
	[tilespmem:$0x8480] =	vst v63  }
0x13a: {  	s30 =	simm.s32 $0x3200  }
0x13b: {  	[tilespmem:s30], [sflag:$0x1] =	stream.linear.gather [hbm4b:s26+s4], $0x100, $0x38;
	[tilespmem:$0x8480] =	vst v63  }
0x13c: {  	s31 =	simm.s32 $0x3300  }
0x13d: {  	[tilespmem:s31], [sflag:$0x1] =	stream.linear.gather [hbm4b:s0+s4], $0x100, $0x38;
	[tilespmem:$0x8480] =	vst v63  }
0x13e: {  	s24 =	simm.s32 $0x3400  }
0x13f: {  	[tilespmem:s24], [sflag:$0x1] =	stream.linear.gather [hbm4b:s3+s4], $0x100, $0x38;
	[tilespmem:$0x8480] =	vst v63  }
0x140: {  	s26 =	simm.s32 $0x3500  }
0x141: {  	[tilespmem:s26], [sflag:$0x1] =	stream.linear.gather [hbm4b:s6+s4], $0x100, $0x38;
	[tilespmem:$0x8480] =	vst v63  }
0x142: {  	s30 =	simm.s32 $0x3600  }
0x143: {  	[tilespmem:s30], [sflag:$0x1] =	stream.linear.gather [hbm4b:s7+s4], $0x100, $0x38;
	[tilespmem:$0x8480] =	vst v63  }
0x144: {  	s31 =	simm.s32 $0x3700  }
0x145: {  	[tilespmem:s31], [sflag:$0x1] =	stream.linear.gather [hbm4b:s8+s4], $0x100, $0x38;
	[tilespmem:$0x8480] =	vst v63  }
0x146: {  	s24 =	simm.s32 $0x3800  }
0x147: {  	[tilespmem:s24], [sflag:$0x1] =	stream.linear.gather [hbm4b:s9+s4], $0x100, $0x38;
	[tilespmem:$0x8480] =	vst v63  }
0x148: {  	s26 =	simm.s32 $0x3900  }
0x149: {  	[tilespmem:s26], [sflag:$0x1] =	stream.linear.gather [hbm4b:s10+s4], $0x100, $0x38;
	[tilespmem:$0x8480] =	vst v63  }
0x14a: {  	s30 =	simm.s32 $0x3A00  }
0x14b: {  	[tilespmem:s30], [sflag:$0x1] =	stream.linear.gather [hbm4b:s11+s4], $0x100, $0x38;
	[tilespmem:$0x8480] =	vst v63  }
0x14c: {  	s31 =	simm.s32 $0x3B00  }
0x14d: {  	[tilespmem:s31], [sflag:$0x1] =	stream.linear.gather [hbm4b:s12+s4], $0x100, $0x38;
	[tilespmem:$0x8480] =	vst v63  }
0x14e: {  	s24 =	simm.s32 $0x3C00  }
0x14f: {  	[tilespmem:s24], [sflag:$0x1] =	stream.linear.gather [hbm4b:s13+s4], $0x100, $0x38;
	[tilespmem:$0x8480] =	vst v63  }
0x150: {  	s26 =	simm.s32 $0x3D00  }
0x151: {  	[tilespmem:s26], [sflag:$0x1] =	stream.linear.gather [hbm4b:s14+s4], $0x100, $0x38;
	[tilespmem:$0x8480] =	vst v63  }
0x152: {  	s30 =	simm.s32 $0x3E00  }
0x153: {  	[tilespmem:s30], [sflag:$0x1] =	stream.linear.gather [hbm4b:s15+s4], $0x100, $0x38;
	[tilespmem:$0x8480] =	vst v63  }
0x154: {  	s31 =	simm.s32 $0x3F00  }
0x155: {  	[tilespmem:s31], [sflag:$0x1] =	stream.linear.gather [hbm4b:s16+s4], $0x100, $0x38;
	[tilespmem:$0x8480] =	vst v63  }
0x156: {  	[tilespmem:$0x4000] =	vst v36  }
0x157: {  	[tilespmem:$0x4080] =	vst v36  }
0x158: {  	_ =	swait.ge [sflag:s20], $0x4000  }
0x159: {  	s28 =	simm.s32 $0x4100;
	s29 =	simm.s32 $0x0;
	[sflag:s20] =	ssyncset.done $0x0  }
0x15a: {  	v39 =	vimm.f32 $0.0e+00;
	v38 =	vimm.f32 $0.0e+00;
	s24 =	simm.s32 $0x6100;
	s26 =	simm.s32 $0x71;
	[sflag:s20] =	ssyncadd.s32 $0xFFFFC000  }
.LBB2_2:
0x15b: {  	s31 =	sshra.s32 s29, $0x2  }
0x15c: {  	v37 =	vld [tilespmem:s31+$0x0];
	_ =	sdelay $0x1  }
0x15d: {  	v40 =	vld [tilespmem:s31+$0x1];
	_ =	sdelay $0x2  }
0x15e: {  	v41 =	vmul.u32 $0x11, v37;
	_ =	sdelay $0x1  }
0x15f: {  	v40 =	vadd.s32 v40, v41;
	_ =	sdelay $0x1  }
0x160: {  	s30 =	sadd.s32 s29, s25;
	v37 =	vshll.u32 v37, $0x13  }
0x161: {  	v37 =	vadd.s32 s30, v37  }
0x162: {  	v37 =	vadd.s32 v0, v37  }
0x163: {  	v40 =	vld.idx.msk [tilespmem:v40+s19+$0x0], $0xffff;
	[tilespmem:s28+$0x0] =	vst v37  }
0x164: {  	v37 =	vld [tilespmem:s31+$0x10];
	_ =	sdelay $0x1  }
0x165: {  	v54 =	vld [tilespmem:s31+$0x11];
	_ =	sdelay $0x2  }
0x166: {  	v42 =	vmul.u32 $0x11, v37;
	_ =	sdelay $0x1  }
0x167: {  	v41 =	vadd.s32 v54, v42;
	_ =	sdelay $0x1  }
0x168: {  	s2 =	sadd.s32 $0x10, s30;
	v37 =	vshll.u32 v37, $0x13  }
0x169: {  	v37 =	vadd.s32 s2, v37  }
0x16a: {  	v37 =	vadd.s32 v0, v37  }
0x16b: {  	v41 =	vld.idx.msk [tilespmem:v41+s19+$0x0], $0xffff;
	[tilespmem:s28+$0x10] =	vst v37  }
0x16c: {  	v37 =	vld [tilespmem:s31+$0x20];
	_ =	sdelay $0x1  }
0x16d: {  	v55 =	vld [tilespmem:s31+$0x21];
	_ =	sdelay $0x2  }
0x16e: {  	v43 =	vmul.u32 $0x11, v37;
	_ =	sdelay $0x1  }
0x16f: {  	v42 =	vadd.s32 v55, v43;
	_ =	sdelay $0x1  }
0x170: {  	s2 =	sadd.s32 $0x20, s30;
	v37 =	vshll.u32 v37, $0x13  }
0x171: {  	v37 =	vadd.s32 s2, v37  }
0x172: {  	v37 =	vadd.s32 v0, v37  }
0x173: {  	v42 =	vld.idx.msk [tilespmem:v42+s19+$0x0], $0xffff;
	[tilespmem:s28+$0x20] =	vst v37  }
0x174: {  	v37 =	vld [tilespmem:s31+$0x30];
	_ =	sdelay $0x1  }
0x175: {  	v56 =	vld [tilespmem:s31+$0x31];
	_ =	sdelay $0x2  }
0x176: {  	v44 =	vmul.u32 $0x11, v37;
	_ =	sdelay $0x1  }
0x177: {  	v43 =	vadd.s32 v56, v44;
	_ =	sdelay $0x1  }
0x178: {  	s2 =	sadd.s32 $0x30, s30;
	v37 =	vshll.u32 v37, $0x13  }
0x179: {  	v37 =	vadd.s32 s2, v37  }
0x17a: {  	v37 =	vadd.s32 v0, v37  }
0x17b: {  	v43 =	vld.idx.msk [tilespmem:v43+s19+$0x0], $0xffff;
	[tilespmem:s28+$0x30] =	vst v37  }
0x17c: {  	v37 =	vld [tilespmem:s31+$0x40];
	_ =	sdelay $0x1  }
0x17d: {  	v57 =	vld [tilespmem:s31+$0x41];
	_ =	sdelay $0x2  }
0x17e: {  	v45 =	vmul.u32 $0x11, v37;
	_ =	sdelay $0x1  }
0x17f: {  	v44 =	vadd.s32 v57, v45;
	_ =	sdelay $0x1  }
0x180: {  	s2 =	sadd.s32 $0x40, s30;
	v37 =	vshll.u32 v37, $0x13  }
0x181: {  	v37 =	vadd.s32 s2, v37  }
0x182: {  	v37 =	vadd.s32 v0, v37  }
0x183: {  	v44 =	vld.idx.msk [tilespmem:v44+s19+$0x0], $0xffff;
	[tilespmem:s28+$0x40] =	vst v37  }
0x184: {  	v37 =	vld [tilespmem:s31+$0x50];
	_ =	sdelay $0x1  }
0x185: {  	v58 =	vld [tilespmem:s31+$0x51];
	_ =	sdelay $0x2  }
0x186: {  	v46 =	vmul.u32 $0x11, v37;
	_ =	sdelay $0x1  }
0x187: {  	v45 =	vadd.s32 v58, v46;
	_ =	sdelay $0x1  }
0x188: {  	s2 =	sadd.s32 $0x50, s30;
	v37 =	vshll.u32 v37, $0x13  }
0x189: {  	v37 =	vadd.s32 s2, v37  }
0x18a: {  	v37 =	vadd.s32 v0, v37  }
0x18b: {  	v45 =	vld.idx.msk [tilespmem:v45+s19+$0x0], $0xffff;
	[tilespmem:s28+$0x50] =	vst v37  }
0x18c: {  	v37 =	vld [tilespmem:s31+$0x60];
	_ =	sdelay $0x1  }
0x18d: {  	v59 =	vld [tilespmem:s31+$0x61];
	_ =	sdelay $0x2  }
0x18e: {  	v47 =	vmul.u32 $0x11, v37;
	_ =	sdelay $0x1  }
0x18f: {  	v60 =	vadd.s32 s26, v0;
	v46 =	vadd.s32 v59, v47  }
0x190: {  	v48 =	vshll.u32 v60, $0x1  }
0x191: {  	v48 =	vand.u32 $0x7FFFFF00, v48;
	s2 =	sadd.s32 $0x60, s30;
	v37 =	vshll.u32 v37, $0x13;
	v47 =	vand.u32 $0x7F, v60  }
0x192: {  	v37 =	vadd.s32 s2, v37;
	v47 =	vor.u32 v47, v48  }
0x193: {  	v37 =	vadd.s32 v0, v37  }
0x194: {  	v46 =	vld.idx.msk [tilespmem:v46+s19+$0x0], $0xffff;
	[tilespmem:s28+$0x60] =	vst v37  }
0x195: {  	v37 =	vld [tilespmem:s31+$0x70];
	_ =	sdelay $0x1  }
0x196: {  	v47 =	vld.idx.msk [tilespmem:v47+s4+$0x0], $0xffff;
	_ =	sdelay $0x2  }
0x197: {  	v61 =	vmul.u32 $0x11, v37;
	_ =	sdelay $0x1  }
0x198: {  	v47 =	vadd.s32 v47, v61;
	_ =	sdelay $0x3  }
0x199: {  	v39 =	vadd.f32 v40, v39;
	v38 =	vadd.f32 v41, v38  }
0x19a: {  	p0 =	sne.s32 s29, $0x7C00;
	s31 =	sadd.s32 $0x70, s30;
	v37 =	vshll.u32 v37, $0x13;
	v62 =	vld.idx.msk [tilespmem:v47+s19+$0x0], $0xffff  }
.Ltmp0:
0x19b: {  	v39 =	vadd.f32 v42, v39;
	v38 =	vadd.f32 v43, v38;
	v37 =	vadd.s32 s31, v37;
	(pc) =	sbr.rel @p0 .LBB2_2-.Ltmp0, $4  }
0x19c: {  	v37 =	vadd.s32 v0, v37  }
0x19d: {  	s26 =	sadd.s32 $0x80, s26;
	v63 =	vadd.f32 v44, v39;
	v38 =	vadd.f32 v45, v38;
	[tilespmem:s28+$0x70] =	vst v37  }
0x19e: {  	[tilespmem:s24], [sflag:$0x2] =	stream.indirect.gather [hbm4b:s1+s21], $0x1, s28, s21, $0xb8;
	[tilespmem:$0x8480] =	vst v63  }
0x19f: {  	s29 =	sadd.s32 $0x400, s29;
	v39 =	vadd.f32 v46, v63;
	s24 =	sadd.s32 $0x80, s24;
	s28 =	sadd.s32 $0x80, s28;
	v38 =	vadd.f32 v62, v38  }
0x1a0: {  	s2 =	simm.s32 $0x2070  }
0x1a1: {  	v42 =	vld [tilespmem:s2+$0xFFFFFFF1]  }
0x1a2: {  	v43 =	vld [tilespmem:s2+$0xFFFFFFD1]  }
0x1a3: {  	v44 =	vld [tilespmem:s2+$0xFFFFFFE1]  }
0x1a4: {  	v40 =	vld [tilespmem:s2+$0xFFFFFFB1]  }
0x1a5: {  	v45 =	vld [tilespmem:s2+$0xFFFFFFC1]  }
0x1a6: {  	v37 =	vld [tilespmem:s2+$0xFFFFFF91]  }
0x1a7: {  	v41 =	vld [tilespmem:s2+$0xFFFFFFA1]  }
0x1a8: {  	v46 =	vld [tilespmem:s2+$0xFFFFFF90]  }
0x1a9: {  	s24 =	simm.s32 $0x1071;
	v48 =	vld [tilespmem:s2+$0xFFFFFFA0]  }
0x1aa: {  	v47 =	vadd.s32 s24, v0;
	v50 =	vld [tilespmem:s2+$0xFFFFFFB0]  }
0x1ab: {  	v51 =	vld [tilespmem:s2+$0xFFFFFFC0];
	v49 =	vshll.u32 v47, $0x1  }
0x1ac: {  	v63 =	vld [tilespmem:s2+$0xFFFFFFD0];
	v47 =	vand.u32 $0x7F, v47;
	v49 =	vand.u32 $0x7FFFFF00, v49  }
0x1ad: {  	v52 =	vld [tilespmem:s2+$0xFFFFFFE0];
	v47 =	vor.u32 v47, v49;
	v46 =	vmul.u32 $0x11, v46  }
0x1ae: {  	v53 =	vld [tilespmem:s2+$0xFFFFFFF0];
	v48 =	vmul.u32 $0x11, v48  }
0x1af: {  	v54 =	vld [tilespmem:s2+$0x0];
	s24 =	simm.s32 $0x2170;
	v50 =	vmul.u32 $0x11, v50;
	v46 =	vadd.s32 v37, v46  }
0x1b0: {  	v51 =	vmul.u32 $0x11, v51;
	v48 =	vadd.s32 v41, v48;
	v37 =	vld [tilespmem:s24+$0xFFFFFFF1]  }
0x1b1: {  	v49 =	vmul.u32 $0x11, v63;
	v50 =	vadd.s32 v40, v50;
	v41 =	vld [tilespmem:s24+$0xFFFFFFD1]  }
0x1b2: {  	v55 =	vmul.u32 $0x11, v52;
	v45 =	vadd.s32 v45, v51;
	v47 =	vld.idx.msk [tilespmem:v47+s4+$0x0], $0xffff  }
0x1b3: {  	v56 =	vmul.u32 $0x11, v53;
	v40 =	vld [tilespmem:s24+$0xFFFFFFE1];
	v43 =	vadd.s32 v43, v49  }
0x1b4: {  	v44 =	vadd.s32 v44, v55;
	v46 =	vld.idx.msk [tilespmem:v46+s19+$0x0], $0xffff  }
0x1b5: {  	v57 =	vmul.u32 $0x11, v54;
	v42 =	vadd.s32 v42, v56;
	v48 =	vld.idx.msk [tilespmem:v48+s19+$0x0], $0xffff  }
0x1b6: {  	v58 =	vld.idx.msk [tilespmem:v50+s19+$0x0], $0xffff  }
0x1b7: {  	v45 =	vld.idx.msk [tilespmem:v45+s19+$0x0], $0xffff;
	v47 =	vadd.s32 v47, v57  }
0x1b8: {  	v59 =	vld.idx.msk [tilespmem:v43+s19+$0x0], $0xffff  }
0x1b9: {  	v60 =	vld.idx.msk [tilespmem:v44+s19+$0x0], $0xffff  }
0x1ba: {  	v42 =	vld.idx.msk [tilespmem:v42+s19+$0x0], $0xffff  }
0x1bb: {  	v44 =	vld [tilespmem:s24+$0xFFFFFFA1];
	v61 =	vadd.f32 v46, v39;
	v62 =	vadd.f32 v48, v38  }
0x1bc: {  	v43 =	vld.idx.msk [tilespmem:v47+s19+$0x0], $0xffff  }
0x1bd: {  	v39 =	vld [tilespmem:s24+$0xFFFFFFB1];
	v63 =	vadd.f32 v58, v61;
	v48 =	vadd.f32 v45, v62  }
0x1be: {  	v38 =	vld [tilespmem:s24+$0xFFFFFFC1]  }
0x1bf: {  	s31 =	simm.s32 $0x10F1;
	v45 =	vld [tilespmem:s24+$0xFFFFFF91];
	v46 =	vadd.f32 v59, v63;
	v47 =	vadd.f32 v60, v48  }
0x1c0: {  	s26 =	simm.s32 $0x1171;
	v49 =	vadd.s32 s31, v0;
	v48 =	vld [tilespmem:s24+$0xFFFFFF90]  }
.LBB2_4:
0x1c1: {  	p0 =	sne.s32 s26, $0x1FF1;
	v50 =	vld [tilespmem:s24+$0xFFFFFFA0];
	v51 =	vshll.u32 v49, $0x1;
	v46 =	vadd.f32 v42, v46;
	v43 =	vadd.f32 v43, v47  }
0x1c2: {  	v47 =	vand.u32 $0x7F, v49;
	v42 =	vld [tilespmem:s24+$0xFFFFFFB0];
	v49 =	vand.u32 $0x7FFFFF00, v51  }
0x1c3: {  	v51 =	vld [tilespmem:s24+$0xFFFFFFC0];
	v47 =	vor.u32 v47, v49  }
0x1c4: {  	v49 =	vld [tilespmem:s24+$0xFFFFFFD0]  }
0x1c5: {  	v48 =	vmul.u32 $0x11, v48;
	v52 =	vld [tilespmem:s24+$0xFFFFFFE0]  }
0x1c6: {  	v50 =	vmul.u32 $0x11, v50;
	v53 =	vld [tilespmem:s24+$0xFFFFFFF0]  }
0x1c7: {  	v45 =	vadd.s32 v45, v48;
	v42 =	vmul.u32 $0x11, v42;
	v48 =	vld [tilespmem:s24+$0x0]  }
0x1c8: {  	s24 =	sadd.s32 $0x100, s24;
	v44 =	vadd.s32 v44, v50;
	v50 =	vmul.u32 $0x11, v51;
	v47 =	vld.idx.msk [tilespmem:v47+s4+$0x0], $0xffff  }
0x1c9: {  	v51 =	vld [tilespmem:s24+$0xFFFFFFF1];
	v39 =	vadd.s32 v39, v42;
	v42 =	vmul.u32 $0x11, v49  }
0x1ca: {  	v49 =	vld [tilespmem:s24+$0xFFFFFFD1];
	v38 =	vadd.s32 v38, v50;
	v50 =	vmul.u32 $0x11, v52  }
0x1cb: {  	v52 =	vld [tilespmem:s24+$0xFFFFFFE1];
	v42 =	vadd.s32 v41, v42;
	v41 =	vmul.u32 $0x11, v53  }
0x1cc: {  	v45 =	vld.idx.msk [tilespmem:v45+s19+$0x0], $0xffff;
	v50 =	vadd.s32 v40, v50;
	v40 =	vmul.u32 $0x11, v48  }
0x1cd: {  	v44 =	vld.idx.msk [tilespmem:v44+s19+$0x0], $0xffff;
	v48 =	vadd.s32 v37, v41  }
0x1ce: {  	v53 =	vld.idx.msk [tilespmem:v39+s19+$0x0], $0xffff;
	v39 =	vadd.s32 v47, v40;
	v37 =	vmov v51  }
0x1cf: {  	v47 =	vld.idx.msk [tilespmem:v38+s19+$0x0], $0xffff;
	v41 =	vmov v49  }
0x1d0: {  	v49 =	vld.idx.msk [tilespmem:v42+s19+$0x0], $0xffff;
	v40 =	vmov v52  }
0x1d1: {  	v50 =	vld.idx.msk [tilespmem:v50+s19+$0x0], $0xffff  }
0x1d2: {  	v42 =	vld.idx.msk [tilespmem:v48+s19+$0x0], $0xffff  }
0x1d3: {  	v45 =	vadd.f32 v45, v46;
	v44 =	vadd.f32 v44, v43;
	v43 =	vld.idx.msk [tilespmem:v39+s19+$0x0], $0xffff  }
.Ltmp1:
0x1d4: {  	v39 =	vld [tilespmem:s24+$0xFFFFFFB1];
	(pc) =	sbr.rel @p0 .LBB2_4-.Ltmp1, $4  }
0x1d5: {  	v46 =	vadd.f32 v53, v45;
	v47 =	vadd.f32 v47, v44;
	v38 =	vld [tilespmem:s24+$0xFFFFFFC1]  }
0x1d6: {  	v45 =	vld [tilespmem:s24+$0xFFFFFF91]  }
0x1d7: {  	v46 =	vadd.f32 v49, v46;
	v47 =	vadd.f32 v50, v47;
	v44 =	vld [tilespmem:s24+$0xFFFFFFA1]  }
0x1d8: {  	v49 =	vadd.s32 s26, v0;
	s26 =	sadd.s32 $0x80, s26;
	v48 =	vld [tilespmem:s24+$0xFFFFFF90]  }
0x1d9: {  	v50 =	vld [tilespmem:s24+$0xFFFFFFA0]  }
0x1da: {  	v51 =	vshll.u32 v49, $0x1;
	v52 =	vld [tilespmem:s24+$0xFFFFFFB0]  }
0x1db: {  	v58 =	vand.u32 $0x7F, v49;
	v53 =	vld [tilespmem:s24+$0xFFFFFFC0];
	v51 =	vand.u32 $0x7FFFFF00, v51  }
0x1dc: {  	v59 =	vld [tilespmem:s24+$0xFFFFFFD0];
	v49 =	vor.u32 v58, v51  }
0x1dd: {  	v54 =	vld [tilespmem:s24+$0xFFFFFFE0];
	v48 =	vmul.u32 $0x11, v48  }
0x1de: {  	v55 =	vld [tilespmem:s24+$0xFFFFFFF0];
	v50 =	vmul.u32 $0x11, v50  }
0x1df: {  	v61 =	vld [tilespmem:s24+$0x0];
	v60 =	vmul.u32 $0x11, v52;
	v45 =	vadd.s32 v45, v48  }
0x1e0: {  	v62 =	vmul.u32 $0x11, v53;
	v44 =	vadd.s32 v44, v50  }
0x1e1: {  	v53 =	vmul.u32 $0x11, v59;
	v39 =	vadd.s32 v39, v60;
	v63 =	vld.idx.msk [tilespmem:v49+s4+$0x0], $0xffff  }
0x1e2: {  	v56 =	vmul.u32 $0x11, v54;
	v38 =	vadd.s32 v38, v62  }
0x1e3: {  	v57 =	vmul.u32 $0x11, v55;
	v59 =	vld [tilespmem:$0x0];
	v41 =	vadd.s32 v41, v53  }
0x1e4: {  	v58 =	vmul.u32 $0x11, v61;
	v40 =	vadd.s32 v40, v56;
	v45 =	vld.idx.msk [tilespmem:v45+s19+$0x0], $0xffff  }
0x1e5: {  	v37 =	vadd.s32 v37, v57;
	v44 =	vld.idx.msk [tilespmem:v44+s19+$0x0], $0xffff  }
0x1e6: {  	v39 =	vld.idx.msk [tilespmem:v39+s19+$0x0], $0xffff;
	v48 =	vadd.s32 v63, v58  }
0x1e7: {  	v38 =	vld.idx.msk [tilespmem:v38+s19+$0x0], $0xffff  }
0x1e8: {  	v42 =	vadd.f32 v42, v46;
	v43 =	vadd.f32 v43, v47;
	v41 =	vld.idx.msk [tilespmem:v41+s19+$0x0], $0xffff  }
0x1e9: {  	v60 =	vadd.s32 $0x134, v59;
	v40 =	vld.idx.msk [tilespmem:v40+s19+$0x0], $0xffff  }
0x1ea: {  	v37 =	vld.idx.msk [tilespmem:v37+s19+$0x0], $0xffff;
	v42 =	vadd.f32 v45, v42;
	v43 =	vadd.f32 v44, v43  }
0x1eb: {  	v61 =	vld.idx.msk [tilespmem:v48+s19+$0x0], $0xffff  }
0x1ec: {  	v39 =	vadd.f32 v39, v42;
	v38 =	vadd.f32 v38, v43;
	_ =	sdelay $0x1  }
0x1ed: {  	v62 =	vld.idx.msk [tilespmem:v60+s19+$0x0], $0xffff;
	v39 =	vadd.f32 v41, v39;
	v38 =	vadd.f32 v40, v38;
	_ =	sdelay $0x1  }
0x1ee: {  	v37 =	vadd.f32 v37, v39;
	v38 =	vadd.f32 v61, v38;
	_ =	sdelay $0x1  }
0x1ef: {  	v37 =	vadd.f32 v38, v37  }
0x1f0: {  	s24 =	simm.s32 $0x0;
	v63 =	vnsel vm0, $0x0, v62  }
0x1f1: {  	s26 =	simm.s32 $0x71;
	s28 =	simm.s32 $0x5100;
	s29 =	simm.s32 $0x7100;
	v38 =	vimm.f32 $0.0e+00;
	v39 =	vadd.f32 v63, v37  }
.LBB2_6:
0x1f2: {  	s31 =	sshra.s32 s24, $0x2  }
0x1f3: {  	v37 =	vld [tilespmem:s31+$0x80];
	_ =	sdelay $0x1  }
0x1f4: {  	v40 =	vld [tilespmem:s31+$0x81];
	_ =	sdelay $0x2  }
0x1f5: {  	v41 =	vmul.u32 $0x11, v37;
	_ =	sdelay $0x1  }
0x1f6: {  	v40 =	vadd.s32 v40, v41  }
0x1f7: {  	s30 =	sadd.s32 s24, s25  }
0x1f8: {  	s2 =	sadd.s32 $0x80, s30;
	v37 =	vshll.u32 v37, $0x13  }
0x1f9: {  	v37 =	vadd.s32 s2, v37  }
0x1fa: {  	v37 =	vadd.s32 v0, v37  }
0x1fb: {  	v40 =	vld.idx.msk [tilespmem:v40+s19+$0x0], $0xffff;
	[tilespmem:s28+$0x0] =	vst v37  }
0x1fc: {  	v37 =	vld [tilespmem:s31+$0x90];
	_ =	sdelay $0x1  }
0x1fd: {  	v54 =	vld [tilespmem:s31+$0x91];
	_ =	sdelay $0x2  }
0x1fe: {  	v42 =	vmul.u32 $0x11, v37;
	_ =	sdelay $0x1  }
0x1ff: {  	v41 =	vadd.s32 v54, v42;
	_ =	sdelay $0x1  }
0x200: {  	s2 =	sadd.s32 $0x90, s30;
	v37 =	vshll.u32 v37, $0x13  }
0x201: {  	v37 =	vadd.s32 s2, v37  }
0x202: {  	v37 =	vadd.s32 v0, v37  }
0x203: {  	v41 =	vld.idx.msk [tilespmem:v41+s19+$0x0], $0xffff;
	[tilespmem:s28+$0x10] =	vst v37  }
0x204: {  	v37 =	vld [tilespmem:s31+$0xA0];
	_ =	sdelay $0x1  }
0x205: {  	v55 =	vld [tilespmem:s31+$0xA1];
	_ =	sdelay $0x2  }
0x206: {  	v43 =	vmul.u32 $0x11, v37;
	_ =	sdelay $0x1  }
0x207: {  	v42 =	vadd.s32 v55, v43;
	_ =	sdelay $0x1  }
0x208: {  	s2 =	sadd.s32 $0xA0, s30;
	v37 =	vshll.u32 v37, $0x13  }
0x209: {  	v37 =	vadd.s32 s2, v37  }
0x20a: {  	v37 =	vadd.s32 v0, v37  }
0x20b: {  	v42 =	vld.idx.msk [tilespmem:v42+s19+$0x0], $0xffff;
	[tilespmem:s28+$0x20] =	vst v37  }
0x20c: {  	v37 =	vld [tilespmem:s31+$0xB0];
	_ =	sdelay $0x1  }
0x20d: {  	v56 =	vld [tilespmem:s31+$0xB1];
	_ =	sdelay $0x2  }
0x20e: {  	v44 =	vmul.u32 $0x11, v37;
	_ =	sdelay $0x1  }
0x20f: {  	v43 =	vadd.s32 v56, v44;
	_ =	sdelay $0x1  }
0x210: {  	s2 =	sadd.s32 $0xB0, s30;
	v37 =	vshll.u32 v37, $0x13  }
0x211: {  	v37 =	vadd.s32 s2, v37  }
0x212: {  	v37 =	vadd.s32 v0, v37  }
0x213: {  	v43 =	vld.idx.msk [tilespmem:v43+s19+$0x0], $0xffff;
	[tilespmem:s28+$0x30] =	vst v37  }
0x214: {  	v37 =	vld [tilespmem:s31+$0xC0];
	_ =	sdelay $0x1  }
0x215: {  	v57 =	vld [tilespmem:s31+$0xC1];
	_ =	sdelay $0x2  }
0x216: {  	v45 =	vmul.u32 $0x11, v37;
	_ =	sdelay $0x1  }
0x217: {  	v44 =	vadd.s32 v57, v45;
	_ =	sdelay $0x1  }
0x218: {  	s2 =	sadd.s32 $0xC0, s30;
	v37 =	vshll.u32 v37, $0x13  }
0x219: {  	v37 =	vadd.s32 s2, v37  }
0x21a: {  	v37 =	vadd.s32 v0, v37  }
0x21b: {  	v44 =	vld.idx.msk [tilespmem:v44+s19+$0x0], $0xffff;
	[tilespmem:s28+$0x40] =	vst v37  }
0x21c: {  	v37 =	vld [tilespmem:s31+$0xD0];
	_ =	sdelay $0x1  }
0x21d: {  	v58 =	vld [tilespmem:s31+$0xD1];
	_ =	sdelay $0x2  }
0x21e: {  	v46 =	vmul.u32 $0x11, v37;
	_ =	sdelay $0x1  }
0x21f: {  	v45 =	vadd.s32 v58, v46;
	_ =	sdelay $0x1  }
0x220: {  	s2 =	sadd.s32 $0xD0, s30;
	v37 =	vshll.u32 v37, $0x13  }
0x221: {  	v37 =	vadd.s32 s2, v37  }
0x222: {  	v37 =	vadd.s32 v0, v37  }
0x223: {  	v45 =	vld.idx.msk [tilespmem:v45+s19+$0x0], $0xffff;
	[tilespmem:s28+$0x50] =	vst v37  }
0x224: {  	v37 =	vld [tilespmem:s31+$0xE0];
	_ =	sdelay $0x1  }
0x225: {  	v59 =	vld [tilespmem:s31+$0xE1];
	_ =	sdelay $0x2  }
0x226: {  	v47 =	vmul.u32 $0x11, v37  }
0x227: {  	v60 =	vadd.s32 s26, v0  }
0x228: {  	v48 =	vshll.u32 v60, $0x1;
	v46 =	vadd.s32 v59, v47  }
0x229: {  	v48 =	vand.u32 $0x7FFFFF00, v48;
	v47 =	vand.u32 $0x7F, v60  }
0x22a: {  	s2 =	sadd.s32 $0xE0, s30;
	v37 =	vshll.u32 v37, $0x13;
	v47 =	vor.u32 v48, v47  }
0x22b: {  	v37 =	vadd.s32 s2, v37;
	v47 =	vor.u32 $0x80, v47  }
0x22c: {  	v37 =	vadd.s32 v0, v37  }
0x22d: {  	v46 =	vld.idx.msk [tilespmem:v46+s19+$0x0], $0xffff;
	[tilespmem:s28+$0x60] =	vst v37  }
0x22e: {  	v37 =	vld [tilespmem:s31+$0xF0];
	_ =	sdelay $0x1  }
0x22f: {  	v47 =	vld.idx.msk [tilespmem:v47+s4+$0x0], $0xffff;
	_ =	sdelay $0x2  }
0x230: {  	v61 =	vmul.u32 $0x11, v37;
	_ =	sdelay $0x1  }
0x231: {  	v47 =	vadd.s32 v47, v61;
	_ =	sdelay $0x3  }
0x232: {  	v39 =	vadd.f32 v40, v39;
	v38 =	vadd.f32 v41, v38  }
0x233: {  	p0 =	sne.s32 s24, $0x7C00;
	s31 =	sadd.s32 $0xF0, s30;
	v37 =	vshll.u32 v37, $0x13;
	v62 =	vld.idx.msk [tilespmem:v47+s19+$0x0], $0xffff  }
.Ltmp2:
0x234: {  	v39 =	vadd.f32 v42, v39;
	v38 =	vadd.f32 v43, v38;
	v37 =	vadd.s32 s31, v37;
	(pc) =	sbr.rel @p0 .LBB2_6-.Ltmp2, $4  }
0x235: {  	v37 =	vadd.s32 v0, v37  }
0x236: {  	s26 =	sadd.s32 $0x80, s26;
	v63 =	vadd.f32 v44, v39;
	v38 =	vadd.f32 v45, v38;
	[tilespmem:s28+$0x70] =	vst v37  }
0x237: {  	[tilespmem:s29], [sflag:$0x2] =	stream.indirect.gather [hbm4b:s1+s21], $0x1, s28, s21, $0xb8;
	[tilespmem:$0x8480] =	vst v63  }
0x238: {  	s24 =	sadd.s32 $0x400, s24;
	v39 =	vadd.f32 v46, v63;
	s28 =	sadd.s32 $0x80, s28;
	s29 =	sadd.s32 $0x80, s29;
	v38 =	vadd.f32 v62, v38  }
0x239: {  	s2 =	simm.s32 $0x20F0  }
0x23a: {  	v42 =	vld [tilespmem:s2+$0xFFFFFFF1]  }
0x23b: {  	v43 =	vld [tilespmem:s2+$0xFFFFFFD1]  }
0x23c: {  	v44 =	vld [tilespmem:s2+$0xFFFFFFE1]  }
0x23d: {  	v40 =	vld [tilespmem:s2+$0xFFFFFFB1]  }
0x23e: {  	v45 =	vld [tilespmem:s2+$0xFFFFFFC1]  }
0x23f: {  	v37 =	vld [tilespmem:s2+$0xFFFFFF91]  }
0x240: {  	v41 =	vld [tilespmem:s2+$0xFFFFFFA1]  }
0x241: {  	s24 =	simm.s32 $0x1071;
	v47 =	vld [tilespmem:s2+$0xFFFFFF90]  }
0x242: {  	v46 =	vadd.s32 s24, v0;
	v49 =	vld [tilespmem:s2+$0xFFFFFFA0]  }
0x243: {  	v50 =	vld [tilespmem:s2+$0xFFFFFFB0];
	v48 =	vshll.u32 v46, $0x1  }
0x244: {  	v63 =	vld [tilespmem:s2+$0xFFFFFFC0];
	v46 =	vand.u32 $0x7F, v46;
	v48 =	vand.u32 $0x7FFFFF00, v48  }
0x245: {  	v51 =	vld [tilespmem:s2+$0xFFFFFFD0];
	v46 =	vor.u32 v48, v46  }
0x246: {  	v52 =	vld [tilespmem:s2+$0xFFFFFFE0];
	v46 =	vor.u32 $0x80, v46;
	v47 =	vmul.u32 $0x11, v47  }
0x247: {  	v53 =	vld [tilespmem:s2+$0xFFFFFFF0];
	v49 =	vmul.u32 $0x11, v49  }
0x248: {  	v54 =	vld [tilespmem:s2+$0x0];
	s24 =	simm.s32 $0x21F0;
	v50 =	vmul.u32 $0x11, v50;
	v47 =	vadd.s32 v37, v47  }
0x249: {  	v48 =	vmul.u32 $0x11, v63;
	v49 =	vadd.s32 v41, v49;
	v37 =	vld [tilespmem:s24+$0xFFFFFFF1]  }
0x24a: {  	v51 =	vmul.u32 $0x11, v51;
	v50 =	vadd.s32 v40, v50;
	v41 =	vld [tilespmem:s24+$0xFFFFFFD1]  }
0x24b: {  	v56 =	vmul.u32 $0x11, v52;
	v45 =	vadd.s32 v45, v48;
	v46 =	vld.idx.msk [tilespmem:v46+s4+$0x0], $0xffff  }
0x24c: {  	v57 =	vmul.u32 $0x11, v53;
	v40 =	vld [tilespmem:s24+$0xFFFFFFE1];
	v43 =	vadd.s32 v43, v51  }
0x24d: {  	v44 =	vadd.s32 v44, v56;
	v47 =	vld.idx.msk [tilespmem:v47+s19+$0x0], $0xffff  }
0x24e: {  	v58 =	vmul.u32 $0x11, v54;
	v42 =	vadd.s32 v42, v57;
	v49 =	vld.idx.msk [tilespmem:v49+s19+$0x0], $0xffff  }
0x24f: {  	v50 =	vld.idx.msk [tilespmem:v50+s19+$0x0], $0xffff  }
0x250: {  	v45 =	vld.idx.msk [tilespmem:v45+s19+$0x0], $0xffff;
	v46 =	vadd.s32 v46, v58  }
0x251: {  	v59 =	vld.idx.msk [tilespmem:v43+s19+$0x0], $0xffff  }
0x252: {  	v60 =	vld.idx.msk [tilespmem:v44+s19+$0x0], $0xffff  }
0x253: {  	v42 =	vld.idx.msk [tilespmem:v42+s19+$0x0], $0xffff  }
0x254: {  	v44 =	vld [tilespmem:s24+$0xFFFFFFA1];
	v61 =	vadd.f32 v47, v39;
	v62 =	vadd.f32 v49, v38  }
0x255: {  	v43 =	vld.idx.msk [tilespmem:v46+s19+$0x0], $0xffff  }
0x256: {  	v39 =	vld [tilespmem:s24+$0xFFFFFFB1];
	v63 =	vadd.f32 v50, v61;
	v47 =	vadd.f32 v45, v62  }
0x257: {  	s31 =	simm.s32 $0x10F1;
	v38 =	vld [tilespmem:s24+$0xFFFFFFC1]  }
0x258: {  	s26 =	simm.s32 $0x1171;
	v48 =	vadd.s32 s31, v0;
	v45 =	vld [tilespmem:s24+$0xFFFFFF91];
	v46 =	vadd.f32 v59, v63;
	v47 =	vadd.f32 v60, v47  }
.LBB2_8:
0x259: {  	p0 =	sne.s32 s26, $0x1FF1;
	v49 =	vld [tilespmem:s24+$0xFFFFFF90];
	v50 =	vand.u32 $0x7F, v48;
	v48 =	vshll.u32 v48, $0x1  }
0x25a: {  	v51 =	vld [tilespmem:s24+$0xFFFFFFA0];
	v48 =	vand.u32 $0x7FFFFF00, v48;
	v46 =	vadd.f32 v42, v46;
	v43 =	vadd.f32 v43, v47  }
0x25b: {  	v42 =	vld [tilespmem:s24+$0xFFFFFFB0];
	v47 =	vor.u32 v48, v50  }
0x25c: {  	v48 =	vld [tilespmem:s24+$0xFFFFFFC0];
	v47 =	vor.u32 $0x80, v47  }
0x25d: {  	v50 =	vld [tilespmem:s24+$0xFFFFFFD0]  }
0x25e: {  	v49 =	vmul.u32 $0x11, v49;
	v52 =	vld [tilespmem:s24+$0xFFFFFFE0]  }
0x25f: {  	v51 =	vmul.u32 $0x11, v51;
	v53 =	vld [tilespmem:s24+$0xFFFFFFF0]  }
0x260: {  	v45 =	vadd.s32 v45, v49;
	v42 =	vmul.u32 $0x11, v42;
	v49 =	vld [tilespmem:s24+$0x0]  }
0x261: {  	s24 =	sadd.s32 $0x100, s24;
	v44 =	vadd.s32 v44, v51;
	v48 =	vmul.u32 $0x11, v48;
	v47 =	vld.idx.msk [tilespmem:v47+s4+$0x0], $0xffff  }
0x262: {  	v51 =	vld [tilespmem:s24+$0xFFFFFFF1];
	v39 =	vadd.s32 v39, v42;
	v42 =	vmul.u32 $0x11, v50  }
0x263: {  	v50 =	vld [tilespmem:s24+$0xFFFFFFD1];
	v38 =	vadd.s32 v38, v48;
	v48 =	vmul.u32 $0x11, v52  }
0x264: {  	v52 =	vld [tilespmem:s24+$0xFFFFFFE1];
	v42 =	vadd.s32 v41, v42;
	v41 =	vmul.u32 $0x11, v53  }
0x265: {  	v45 =	vld.idx.msk [tilespmem:v45+s19+$0x0], $0xffff;
	v48 =	vadd.s32 v40, v48;
	v40 =	vmul.u32 $0x11, v49  }
0x266: {  	v44 =	vld.idx.msk [tilespmem:v44+s19+$0x0], $0xffff;
	v49 =	vadd.s32 v37, v41  }
0x267: {  	v53 =	vld.idx.msk [tilespmem:v39+s19+$0x0], $0xffff;
	v39 =	vadd.s32 v47, v40;
	v37 =	vmov v51  }
0x268: {  	v47 =	vld.idx.msk [tilespmem:v38+s19+$0x0], $0xffff;
	v41 =	vmov v50  }
0x269: {  	v50 =	vld.idx.msk [tilespmem:v42+s19+$0x0], $0xffff;
	v40 =	vmov v52  }
0x26a: {  	v51 =	vld.idx.msk [tilespmem:v48+s19+$0x0], $0xffff  }
0x26b: {  	v42 =	vld.idx.msk [tilespmem:v49+s19+$0x0], $0xffff  }
.Ltmp3:
0x26c: {  	v45 =	vadd.f32 v45, v46;
	v44 =	vadd.f32 v44, v43;
	v43 =	vld.idx.msk [tilespmem:v39+s19+$0x0], $0xffff;
	(pc) =	sbr.rel @p0 .LBB2_8-.Ltmp3, $4  }
0x26d: {  	v39 =	vld [tilespmem:s24+$0xFFFFFFB1]  }
0x26e: {  	v46 =	vadd.f32 v53, v45;
	v47 =	vadd.f32 v47, v44;
	v38 =	vld [tilespmem:s24+$0xFFFFFFC1]  }
0x26f: {  	v45 =	vld [tilespmem:s24+$0xFFFFFF91]  }
0x270: {  	v48 =	vadd.s32 s26, v0;
	s26 =	sadd.s32 $0x80, s26;
	v46 =	vadd.f32 v50, v46;
	v47 =	vadd.f32 v51, v47;
	v44 =	vld [tilespmem:s24+$0xFFFFFFA1]  }
0x271: {  	v49 =	vld [tilespmem:s24+$0xFFFFFF90]  }
0x272: {  	v50 =	vshll.u32 v48, $0x1;
	v51 =	vld [tilespmem:s24+$0xFFFFFFA0]  }
0x273: {  	v60 =	vand.u32 $0x7F, v48;
	v52 =	vld [tilespmem:s24+$0xFFFFFFB0];
	v50 =	vand.u32 $0x7FFFFF00, v50  }
0x274: {  	v61 =	vld [tilespmem:s24+$0xFFFFFFC0];
	v48 =	vor.u32 v50, v60  }
0x275: {  	v53 =	vld [tilespmem:s24+$0xFFFFFFD0];
	v48 =	vor.u32 $0x80, v48  }
0x276: {  	v54 =	vld [tilespmem:s24+$0xFFFFFFE0];
	v49 =	vmul.u32 $0x11, v49  }
0x277: {  	v55 =	vld [tilespmem:s24+$0xFFFFFFF0];
	v51 =	vmul.u32 $0x11, v51  }
0x278: {  	v63 =	vld [tilespmem:s24+$0x0];
	v62 =	vmul.u32 $0x11, v52;
	v45 =	vadd.s32 v45, v49  }
0x279: {  	v50 =	vmul.u32 $0x11, v61;
	v44 =	vadd.s32 v44, v51  }
0x27a: {  	v56 =	vmul.u32 $0x11, v53;
	v39 =	vadd.s32 v39, v62;
	v48 =	vld.idx.msk [tilespmem:v48+s4+$0x0], $0xffff  }
0x27b: {  	v57 =	vmul.u32 $0x11, v54;
	v38 =	vadd.s32 v38, v50  }
0x27c: {  	v60 =	vld [tilespmem:$0x80];
	v58 =	vmul.u32 $0x11, v55;
	v41 =	vadd.s32 v41, v56  }
0x27d: {  	v59 =	vmul.u32 $0x11, v63;
	v40 =	vadd.s32 v40, v57;
	v45 =	vld.idx.msk [tilespmem:v45+s19+$0x0], $0xffff  }
0x27e: {  	v37 =	vadd.s32 v37, v58;
	v44 =	vld.idx.msk [tilespmem:v44+s19+$0x0], $0xffff  }
0x27f: {  	v39 =	vld.idx.msk [tilespmem:v39+s19+$0x0], $0xffff;
	v48 =	vadd.s32 v48, v59  }
0x280: {  	v38 =	vld.idx.msk [tilespmem:v38+s19+$0x0], $0xffff  }
0x281: {  	v42 =	vadd.f32 v42, v46;
	v43 =	vadd.f32 v43, v47;
	v41 =	vld.idx.msk [tilespmem:v41+s19+$0x0], $0xffff  }
0x282: {  	v61 =	vadd.s32 $0x134, v60;
	v40 =	vld.idx.msk [tilespmem:v40+s19+$0x0], $0xffff  }
0x283: {  	v37 =	vld.idx.msk [tilespmem:v37+s19+$0x0], $0xffff;
	v42 =	vadd.f32 v45, v42;
	v43 =	vadd.f32 v44, v43  }
0x284: {  	v62 =	vld.idx.msk [tilespmem:v48+s19+$0x0], $0xffff  }
0x285: {  	v39 =	vadd.f32 v39, v42;
	v38 =	vadd.f32 v38, v43;
	_ =	sdelay $0x1  }
0x286: {  	v63 =	vld.idx.msk [tilespmem:v61+s19+$0x0], $0xffff;
	v39 =	vadd.f32 v41, v39;
	v38 =	vadd.f32 v40, v38  }
0x287: {  	_ =	swait.ge [sflag:s22], $0x2000  }
0x288: {  	[sflag:s22] =	ssyncset.done $0x0;
	v37 =	vadd.f32 v37, v39;
	v38 =	vadd.f32 v62, v38  }
0x289: {  	s2 =	simm.s32 $0x0;
	[sflag:s22] =	ssyncadd.s32 $0xFFFFE000  }
0x28a: {  	v38 =	vadd.f32 v38, v37;
	v37 =	vld [tilespmem:s2+$0x6130]  }
0x28b: {  	v40 =	vnsel vm0, $0x0, v63;
	v39 =	vld [tilespmem:s2+$0x6100]  }
0x28c: {  	v38 =	vadd.f32 v40, v38;
	v40 =	vld [tilespmem:s2+$0x6110]  }
0x28d: {  	s24 =	simm.s32 $0x100;
	v42 =	vimm.f32 $0.0e+00;
	v43 =	vimm.f32 $0.0e+00;
	v41 =	vimm.f32 $0.0e+00;
	v44 =	vld [tilespmem:s2+$0x6120]  }
.LBB2_10:
0x28e: {  	p0 =	sne.s32 s24, $0x7F00  }
.Ltmp4:
0x28f: {  	s2 =	sshra.s32 s24, $0x2;
	s24 =	sadd.s32 $0x100, s24;
	v41 =	vadd.f32 v37, v41;
	(pc) =	sbr.rel @p0 .LBB2_10-.Ltmp4, $4  }
0x290: {  	v37 =	vld [tilespmem:s2+$0x6130];
	v38 =	vadd.f32 v39, v38  }
0x291: {  	v39 =	vld [tilespmem:s2+$0x6100];
	v42 =	vadd.f32 v40, v42  }
0x292: {  	v40 =	vld [tilespmem:s2+$0x6110];
	v43 =	vadd.f32 v44, v43  }
0x293: {  	v44 =	vld [tilespmem:s2+$0x6120]  }
0x294: {  	_ =	sdelay $0x2  }
0x295: {  	v37 =	vadd.f32 v37, v41;
	v38 =	vadd.f32 v39, v38  }
0x296: {  	v62 =	vadd.f32 v40, v42;
	v63 =	vadd.f32 v44, v43;
	_ =	sdelay $0x1  }
0x297: {  	v38 =	vadd.f32 v62, v38;
	v37 =	vadd.f32 v37, v63;
	_ =	sdelay $0x1  }
0x298: {  	v37 =	vadd.f32 v37, v38;
	_ =	sdelay $0x1  }
0x299: {  	s2 =	rddreg [dreg:$0x15];
	s24 =	simm.s32 $0x8400;
	[tilespmem:$0x8400] =	vst v37  }
0x29a: {  	[hbm4b:s2+s4] =	stream.linear.scatter [tilespmem:s24], [sflag:$0x3], $0x10, $0x38;
	[tilespmem:$0x8480] =	vst v63  }
0x29b: {  	_ =	swait.ge [sflag:s18], $0x10  }
0x29c: {  	s23 =	sadd.s32 $0x1, s23;
	s31 =	rddreg [dreg:$0x17]  }
0x29d: {  	p0 =	sne.s32 s23, s31  }
.Ltmp5:
0x29e: {  	_ = 	snop;
	(pc) =	sbr.rel @p0 .LBB2_1-.Ltmp5, $3  }
0x29f: {  	_ =	sdelay $0x1  }
0x2a0: {  	[sflag:s18] =	ssyncset.done $0x0  }
0x2a1: {  	[sflag:s18] =	ssyncadd.s32 $0xFFFFFFF0  }
0x2a2: {  	_ =	sfence.sel $0x180000  }
0x2a3: {  	[bflag:$0x0] =	sbarrier.arrive $0xFFFF  }
0x2a4: {  	_ =	strace $0x90000047  }
0x2a5: {  	s0 =	stileid.u32;
	[bflag:$0x2] =	sbarrier.arrive $0xFFFF  }
0x2a6: {  	p0 =	sne.s32 s0, $0x0;
	s0 =	rddreg [dreg:$0x4]  }
0x2a7: {  	s0 =	sadd.s32 @!p0 $0x100000, s0  }
0x2a8: {  	[sflag:s0] =	ssyncadd.tile.s32 @!p0 $0x1;
	_ =	shalt  }
.Lfunc_end2:
_tile_overlayer_lowered:
.L_overlay_start_2:
0x2a9: {  	(tag) =	ssettag $0x2  }
0x2aa: {  	s0 =	rddreg [dreg:$0x0];
	s2 =	stileid.u32  }
0x2ab: {  	s1 =	rddreg [dreg:$0x1];
	p0 =	sne.s32 s2, $0x0  }
0x2ac: {  	s3 =	rddreg [dreg:$0x2];
	[bflag:$0x3] =	sbarrier.arrive $0xFFFF;
	s2 =	simm.s32 @!p0 $0x1C03  }
0x2ad: {  	[timem:s3], [sflag:s2] =	dma.local @!p0 [hbm:s0], s1  }
0x2ae: {  	s0 =	simm.s32 @!p0 $0x3  }
0x2af: {  	_ =	swait.ge @!p0 [sflag:s0], s1  }
0x2b0: {  	s1 =	ssub.s32 @!p0 $0x0, s1;
	[sflag:s0] =	ssyncset.done @!p0 $0x0  }
0x2b1: {  	[sflag:s0] =	ssyncadd.s32 @!p0 s1  }
0x2b2: {  	[bflag:$0x3] =	sbarrier.arrive $0xFFFF  }
0x2b3: {  	_ =	shalt  }

</sc_bundles>
